<compile_context>
chip_gen: v7x
topology: tpu7x:2x2x1
jax: 0.10.2.dev20260603
libtpu: 0.0.44.dev20260713+nightly
codegen_flags: <defaults>
</compile_context>

<pallas_src>
import jax
import jax.numpy as jnp
from jax import lax
from jax.experimental import pallas as pl
from jax.experimental.pallas import tpu as pltpu
from jax.experimental.pallas import tpu_sc as plsc

N = 10000
E = 320000
D = 128
ED = 16
NP = 10240
CH = 128
NCH = 2528
E_PAD = 323584
SCH = 80
NSCH = E // SCH
BE = 2560
BN = 1024
CSHIFT = 20.0

f32 = jnp.float32


def _lrelu(v):
    return jnp.where(v >= 0, v, 0.01 * v)


def _dotT(a, w):
    return lax.dot_general(a, w, (((1,), (1,)), ((), ())),
                           preferred_element_type=f32)


def _node_pre_body(x_ref, w1_ref, b1_ref, gw1_ref, attr_ref,
                   x1_ref, p_ref, ar_ref):
    x1 = _lrelu(_dotT(x_ref[...], w1_ref[...]) + b1_ref[...])
    x1_ref[...] = x1
    p_ref[...] = _dotT(x1, gw1_ref[...][:, :D])
    ar_ref[...] = _dotT(attr_ref[...], x1)


def _node_pre(x_p, lin1_W, lin1_b, g_lin1_W, att_r):
    grid = (NP // BN,)
    return pl.pallas_call(
        _node_pre_body,
        grid=grid,
        in_specs=[
            pl.BlockSpec((BN, D), lambda i: (i, 0)),
            pl.BlockSpec((D, D), lambda i: (0, 0)),
            pl.BlockSpec((1, D), lambda i: (0, 0)),
            pl.BlockSpec((D, D + ED), lambda i: (0, 0)),
            pl.BlockSpec((1, D), lambda i: (0, 0)),
        ],
        out_specs=[
            pl.BlockSpec((BN, D), lambda i: (i, 0)),
            pl.BlockSpec((BN, D), lambda i: (i, 0)),
            pl.BlockSpec((1, BN), lambda i: (0, i)),
        ],
        out_shape=[
            jax.ShapeDtypeStruct((NP, D), f32),
            jax.ShapeDtypeStruct((NP, D), f32),
            jax.ShapeDtypeStruct((1, NP), f32),
        ],
    )(x_p, lin1_W, lin1_b.reshape(1, D), g_lin1_W, att_r)


def _sc_gather(P, arv, src2, dst2):
    mesh = plsc.VectorSubcoreMesh(core_axis_name="core", subcore_axis_name="subcore")

    @pl.kernel(
        out_type=(jax.ShapeDtypeStruct((E_PAD, D), f32),
                  jax.ShapeDtypeStruct((NCH, CH), f32)),
        mesh=mesh,
        scratch_types=[
            pltpu.SemaphoreType.DMA,
            pltpu.VMEM_SHARED((NP, D), f32),
            pltpu.VMEM_SHARED((NP,), f32),
        ],
        compiler_params=pltpu.CompilerParams(use_tc_tiling_on_sc=False),
    )
    def k(p_hbm, ar_hbm, src_hbm, dst_hbm, xj_hbm, ai_hbm, sem, ptab, artab):
        s = lax.axis_index("subcore")

        @pl.loop(0, 5)
        def _(j):
            r = (s * 5 + j) * CH
            pltpu.sync_copy(p_hbm.at[pl.ds(r, CH)], ptab.at[pl.ds(r, CH)])

        r640 = s * 640
        pltpu.sync_copy(ar_hbm.at[pl.ds(r640, 640)], artab.at[pl.ds(r640, 640)])
        plsc.subcore_barrier()

        def body(s_vmem, d_vmem, xj_vmem, ai_vmem):
            cp1 = pltpu.async_copy(ptab.at[s_vmem.at[0]], xj_vmem, sem)
            cp2 = pltpu.async_copy(artab.at[d_vmem.at[0]], ai_vmem.at[0], sem)
            cp1.wait()
            cp2.wait()

        pltpu.emit_pipeline(
            body,
            grid=(NCH,),
            in_specs=[
                pl.BlockSpec((1, CH), lambda i: (i, 0)),
                pl.BlockSpec((1, CH), lambda i: (i, 0)),
            ],
            out_specs=[
                pl.BlockSpec((CH, D), lambda i: (i, 0)),
                pl.BlockSpec((1, CH), lambda i: (i, 0)),
            ],
            core_axis_name=("core", "subcore"),
            dimension_semantics=(pltpu.PARALLEL,),
        )(src_hbm, dst_hbm, xj_hbm, ai_hbm)

    return k(P, arv, src2, dst2)


def _edge_body(xj_ref, ea_ref, ai_ref, gw1_ref, gw2_ref, attl_ref,
               w_ref, ex_ref):
    bf16 = jnp.bfloat16
    m = _lrelu(xj_ref[...] + _dotT(ea_ref[...].astype(bf16),
                                   gw1_ref[...][:, D:].astype(bf16)))
    u = _dotT(m.astype(bf16), gw2_ref[...].astype(bf16))
    aj = jnp.sum(m * attl_ref[...], axis=1, keepdims=True)
    ai_col = jnp.transpose(ai_ref[...], (1, 0))
    alpha = _lrelu(aj + ai_col)
    ex = jnp.exp(alpha - CSHIFT)
    w_ref[...] = u * ex
    ex_ref[...] = jnp.transpose(ex, (1, 0))


def _edge_pass(xj, ea, ai_col, g_lin1_W, g_lin2_W, att_l):
    grid = (E // BE,)
    return pl.pallas_call(
        _edge_body,
        grid=grid,
        in_specs=[
            pl.BlockSpec((BE, D), lambda i: (i, 0)),
            pl.BlockSpec((BE, ED), lambda i: (i, 0)),
            pl.BlockSpec((1, BE), lambda i: (0, i)),
            pl.BlockSpec((D, D + ED), lambda i: (0, 0)),
            pl.BlockSpec((D, D), lambda i: (0, 0)),
            pl.BlockSpec((1, D), lambda i: (0, 0)),
        ],
        out_specs=[
            pl.BlockSpec((BE, D), lambda i: (i, 0)),
            pl.BlockSpec((1, BE), lambda i: (0, i)),
        ],
        out_shape=[
            jax.ShapeDtypeStruct((E, D), f32),
            jax.ShapeDtypeStruct((1, E), f32),
        ],
    )(xj, ea, ai_col, g_lin1_W, g_lin2_W, att_l)


def _sc_scatter(w, ex2, dst2s, zrows, zvec):
    mesh = plsc.VectorSubcoreMesh(core_axis_name="core", subcore_axis_name="subcore")

    @pl.kernel(
        out_type=(jax.ShapeDtypeStruct((2, NP, D), f32),
                  jax.ShapeDtypeStruct((2, NP), f32)),
        mesh=mesh,
        scratch_types=[
            pltpu.VMEM_SHARED((NP, D), f32),
            pltpu.VMEM_SHARED((NP,), f32),
        ],
        compiler_params=pltpu.CompilerParams(use_tc_tiling_on_sc=False),
    )
    def k(w_hbm, ex_hbm, dst_hbm, z_hbm, zv_hbm, out_hbm, outd_hbm, acc, dacc):
        c = lax.axis_index("core")
        s = lax.axis_index("subcore")

        @pl.loop(0, 5)
        def _(j):
            pltpu.sync_copy(z_hbm, acc.at[pl.ds((s * 5 + j) * CH, CH)])

        r640 = s * 640
        pltpu.sync_copy(zv_hbm, dacc.at[pl.ds(r640, 640)])
        plsc.subcore_barrier()

        def body(w_vmem, e_vmem, i_vmem):
            pltpu.sync_copy(w_vmem, acc.at[i_vmem.at[0]], add=True)
            pltpu.sync_copy(e_vmem.at[0], dacc.at[i_vmem.at[0]], add=True)

        pltpu.emit_pipeline(
            body,
            grid=(NSCH,),
            in_specs=[
                pl.BlockSpec((SCH, D), lambda i: (i, 0)),
                pl.BlockSpec((1, SCH), lambda i: (i, 0)),
                pl.BlockSpec((1, SCH), lambda i: (i, 0)),
            ],
            out_specs=[],
            core_axis_name=("core", "subcore"),
            dimension_semantics=(pltpu.PARALLEL,),
        )(w_hbm, ex_hbm, dst_hbm)

        plsc.subcore_barrier()

        @pl.loop(0, 5)
        def _(j):
            r = (s * 5 + j) * CH
            pltpu.sync_copy(acc.at[pl.ds(r, CH)], out_hbm.at[c, pl.ds(r, CH)])

        pltpu.sync_copy(dacc.at[pl.ds(r640, 640)], outd_hbm.at[c, pl.ds(r640, 640)])

    return k(w, ex2, dst2s, zrows, zvec)


def _node_post_body(p0_ref, p1_ref, dp_ref, x1_ref, gb_ref, wih_ref, whh_ref,
                    bih_ref, bhh_ref, o_ref):
    S = p0_ref[...] + p1_ref[...]
    den = dp_ref[...][0] + dp_ref[...][1] + 1e-16
    out = S / den + gb_ref[...]
    h = jnp.where(out > 0, out, jnp.exp(out) - 1.0)
    x1 = x1_ref[...]
    gi = _dotT(h, wih_ref[...]) + bih_ref[...]
    gh = _dotT(x1, whh_ref[...]) + bhh_ref[...]
    r = jax.nn.sigmoid(gi[:, :D] + gh[:, :D])
    z = jax.nn.sigmoid(gi[:, D:2 * D] + gh[:, D:2 * D])
    n = jnp.tanh(gi[:, 2 * D:] + r * gh[:, 2 * D:])
    o_ref[...] = (1.0 - z) * n + z * x1


def _node_post(p0, p1, dparts, x1, g_bias, W_ih, W_hh, b_ih, b_hh):
    grid = (NP // BN,)
    return pl.pallas_call(
        _node_post_body,
        grid=grid,
        in_specs=[
            pl.BlockSpec((BN, D), lambda i: (i, 0)),
            pl.BlockSpec((BN, D), lambda i: (i, 0)),
            pl.BlockSpec((2, BN, 1), lambda i: (0, i, 0)),
            pl.BlockSpec((BN, D), lambda i: (i, 0)),
            pl.BlockSpec((1, D), lambda i: (0, 0)),
            pl.BlockSpec((3 * D, D), lambda i: (0, 0)),
            pl.BlockSpec((3 * D, D), lambda i: (0, 0)),
            pl.BlockSpec((1, 3 * D), lambda i: (0, 0)),
            pl.BlockSpec((1, 3 * D), lambda i: (0, 0)),
        ],
        out_specs=[pl.BlockSpec((BN, D), lambda i: (i, 0))],
        out_shape=[jax.ShapeDtypeStruct((NP, D), f32)],
    )(p0, p1, dparts, x1, g_bias.reshape(1, D), W_ih, W_hh,
      b_ih.reshape(1, 3 * D), b_hh.reshape(1, 3 * D))


def kernel(x, edge_index, edge_attr, lin1_W, lin1_b, g_lin1_W, g_lin2_W,
           att_l, att_r, g_bias, W_ih, W_hh, b_ih, b_hh):
    src = edge_index[0]
    dst = edge_index[1]
    src2 = jnp.pad(src, (0, E_PAD - E)).reshape(NCH, CH)
    dst2 = jnp.pad(dst, (0, E_PAD - E)).reshape(NCH, CH)
    x_p = jnp.pad(x, ((0, NP - N), (0, 0)))

    x1, P, ar_row = _node_pre(x_p, lin1_W, lin1_b, g_lin1_W, att_r)
    arv = ar_row.reshape(NP)
    xj, ai = _sc_gather(P, arv, src2, dst2)
    ai_row = ai.reshape(1, E_PAD)
    w, ex = _edge_pass(xj, edge_attr, ai_row, g_lin1_W, g_lin2_W, att_l)
    ex2 = ex.reshape(NSCH, SCH)
    dst2s = dst.reshape(NSCH, SCH)
    zrows = jnp.zeros((CH, D), f32)
    zvec = jnp.zeros((640,), f32)
    parts, dparts = _sc_scatter(w, ex2, dst2s, zrows, zvec)
    (res,) = _node_post(parts[0], parts[1], dparts.reshape(2, NP, 1), x1,
                        g_bias, W_ih, W_hh, b_ih, b_hh)
    return res[:N]

# --- scband reference (transcript-rebuilt; emitter-appended) ---
"""Pipeline reference for scband-afp-gate-gruconv-intra-mol-27367531610617 (READ-ONLY COPY).

The authoritative reference and input builder live on the scoring server;
editing this copy changes nothing except your own understanding.
"""

import jax, jax.numpy as jnp
import numpy as np

N = 10000
E = 320000
D = 128
ED = 16


def setup_inputs(seed: int = 0) -> dict:
    key = jax.random.key(seed)
    ks = jax.random.split(key, 16)
    inp = {}
    inp['x'] = jax.random.normal(ks[0], (N, D), dtype=jnp.float32)
    inp['edge_index'] = jax.random.randint(ks[1], (2, E), 0, N, dtype=jnp.int32)
    inp['edge_attr'] = jax.random.normal(ks[2], (E, ED), dtype=jnp.float32)
    # outer lin1: Linear(in_channels, out_channels) with bias
    inp['lin1_W'] = jax.random.normal(ks[3], (D, D), dtype=jnp.float32) * (1.0 / np.sqrt(D))
    inp['lin1_b'] = jax.random.normal(ks[4], (D,), dtype=jnp.float32) * 0.01
    # GATEConv params
    inp['g_lin1_W'] = jax.random.normal(ks[5], (D, D + ED), dtype=jnp.float32) * (1.0 / np.sqrt(D + ED))
    inp['g_lin2_W'] = jax.random.normal(ks[6], (D, D), dtype=jnp.float32) * (1.0 / np.sqrt(D))
    inp['att_l'] = jax.random.normal(ks[7], (1, D), dtype=jnp.float32) * (1.0 / np.sqrt(D))
    inp['att_r'] = jax.random.normal(ks[8], (1, D), dtype=jnp.float32) * (1.0 / np.sqrt(D))
    inp['g_bias'] = jnp.zeros((D,), dtype=jnp.float32)
    # GRUCell params (torch layout: [3*H, H], gates order r,z,n)
    inp['W_ih'] = jax.random.normal(ks[9], (3 * D, D), dtype=jnp.float32) * (1.0 / np.sqrt(D))
    inp['W_hh'] = jax.random.normal(ks[10], (3 * D, D), dtype=jnp.float32) * (1.0 / np.sqrt(D))
    inp['b_ih'] = jax.random.normal(ks[11], (3 * D,), dtype=jnp.float32) * 0.01
    inp['b_hh'] = jax.random.normal(ks[12], (3 * D,), dtype=jnp.float32) * 0.01
    return inp


def _lrelu(v):
    return jnp.where(v >= 0, v, 0.01 * v)


def reference(x, edge_index, edge_attr, lin1_W, lin1_b, g_lin1_W, g_lin2_W, att_l, att_r, g_bias, W_ih, W_hh, b_ih, b_hh):
    # x = leaky_relu(lin1(x))
    x1 = _lrelu(x @ lin1_W.T + lin1_b)
    src = edge_index[0]
    dst = edge_index[1]
    # GATEConv message
    x_j = jnp.take(x1, src, axis=0)
    x_i = jnp.take(x1, dst, axis=0)
    m = _lrelu(jnp.concatenate([x_j, edge_attr], axis=-1) @ g_lin1_W.T)
    alpha_j = (m * att_l).sum(axis=-1)
    alpha_i = (x_i * att_r).sum(axis=-1)
    alpha = _lrelu(alpha_j + alpha_i)
    # softmax over destination segments
    amax = jax.ops.segment_max(alpha, dst, num_segments=N)
    amax = jnp.where(jnp.isfinite(amax), amax, 0.0)
    ex = jnp.exp(alpha - jnp.take(amax, dst))
    denom = jax.ops.segment_sum(ex, dst, num_segments=N)
    a = ex / (jnp.take(denom, dst) + 1e-16)
    msg = (m @ g_lin2_W.T) * a[:, None]
    out = jax.ops.segment_sum(msg, dst, num_segments=N) + g_bias
    # h = elu(out); dropout p=0 (eval) is identity
    h = jnp.where(out > 0, out, jnp.expm1(out))
    # GRUCell(h, x1)
    gi = h @ W_ih.T + b_ih
    gh = x1 @ W_hh.T + b_hh
    i_r, i_z, i_n = jnp.split(gi, 3, axis=-1)
    h_r, h_z, h_n = jnp.split(gh, 3, axis=-1)
    r = jax.nn.sigmoid(i_r + h_r)
    z = jax.nn.sigmoid(i_z + h_z)
    n = jnp.tanh(i_n + r * h_n)
    return (1.0 - z) * n + z * x1

if __name__ == "__main__":
    import jax
    _d = setup_inputs()
    print(jax.jit(kernel)(*tuple(_d.values())))

</pallas_src>

<mosaic_0001>
#map = affine_map<(d0, d1) -> (0, 0)>
#map1 = affine_map<(d0, d1) -> (0)>
module attributes {stable_mosaic.version = 14 : i64} {
  func.func @k(%arg0: i32, %arg1: i32, %arg2: memref<10240x128xf32, #tpu.memory_space<hbm>>, %arg3: memref<10240xf32, #tpu.memory_space<hbm>>, %arg4: memref<2528x128xi32, #tpu.memory_space<hbm>>, %arg5: memref<2528x128xi32, #tpu.memory_space<hbm>>, %arg6: memref<323584x128xf32, #tpu.memory_space<hbm>>, %arg7: memref<2528x128xf32, #tpu.memory_space<hbm>>, %arg8: memref<!tpu.dma_semaphore, #tpu.memory_space<semaphore_mem>>, %arg9: memref<10240x128xf32, #tpu.memory_space<vmem_shared>>, %arg10: memref<10240xf32, #tpu.memory_space<vmem_shared>>) attributes {dimension_semantics = [#tpu.dimension_semantics<core_parallel>, #tpu.dimension_semantics<subcore_parallel>], iteration_bounds = array<i64: 2, 16>, scalar_prefetch = 0 : i64, scratch_operands = 3 : i64, tpu.core_type = #tpu.core_type<sc_vector_subcore>, window_params = [{transform_indices = #map}, {transform_indices = #map1}, {transform_indices = #map}, {transform_indices = #map}, {transform_indices = #map}, {transform_indices = #map}]} {
    %scan3A = arith.constant 0 : i32
    %scan3A_0 = arith.constant 5 : i32
    %scan3A_1 = arith.addi %scan3A, %scan3A_0 : i32
    %scan3A_2 = arith.constant 1 : i32
    scf.for %scan3A_13 = %scan3A to %scan3A_1 step %scan3A_2  : i32 {
      %mul3A_14 = arith.constant 1 : i32
      %mul3A_15 = arith.muli %scan3A_13, %mul3A_14 : i32
      %add3A_16 = arith.constant 0 : i32
      %add3A_17 = arith.addi %add3A_16, %mul3A_15 : i32
      %mul3A_18 = arith.constant 5 : i32
      %mul3A_19 = arith.muli %arg1, %mul3A_18 : i32
      %add3A_20 = arith.addi %mul3A_19, %add3A_17 : i32
      %mul3A_21 = arith.constant 128 : i32
      %mul3A_22 = arith.muli %add3A_20, %mul3A_21 : i32
      "tpu.region"() ({
        %run_scoped3A = tpu.sem_alloc : memref<!tpu.dma_semaphore, #tpu.memory_space<semaphore_mem>>
        %dma_start3A = arith.constant 0 : i32
        %dma_start3A_23 = tpu.memref_slice %arg9[%mul3A_22, %dma_start3A] : memref<10240x128xf32, #tpu.memory_space<vmem_shared>> -> memref<128x128xf32, #tpu.memory_space<vmem_shared>>
        %dma_start3A_24 = arith.constant 0 : i32
        %dma_start3A_25 = tpu.memref_slice %arg2[%mul3A_22, %dma_start3A_24] : memref<10240x128xf32, #tpu.memory_space<hbm>> -> memref<128x128xf32, #tpu.memory_space<hbm>>
        tpu.enqueue_dma source(%dma_start3A_25 : memref<128x128xf32, #tpu.memory_space<hbm>>) target(%dma_start3A_23 : memref<128x128xf32, #tpu.memory_space<vmem_shared>>) target_semaphore(%run_scoped3A : memref<!tpu.dma_semaphore, #tpu.memory_space<semaphore_mem>>)
        %dma_wait3A = arith.constant 0 : i32
        %dma_wait3A_26 = tpu.memref_slice %arg9[%mul3A_22, %dma_wait3A] : memref<10240x128xf32, #tpu.memory_space<vmem_shared>> -> memref<128x128xf32, #tpu.memory_space<vmem_shared>>
        %dma_wait3A_27 = arith.constant 0 : i32
        %dma_wait3A_28 = tpu.memref_slice %arg2[%mul3A_22, %dma_wait3A_27] : memref<10240x128xf32, #tpu.memory_space<hbm>> -> memref<128x128xf32, #tpu.memory_space<hbm>>
        tpu.wait_dma2 semaphore(%run_scoped3A : memref<!tpu.dma_semaphore, #tpu.memory_space<semaphore_mem>>) src(%dma_wait3A_28 : memref<128x128xf32, #tpu.memory_space<hbm>>) dst(%dma_wait3A_26 : memref<128x128xf32, #tpu.memory_space<vmem_shared>>)
        tpu.yield
      }) : () -> ()
    }
    %scan3A_3 = arith.constant 5 : i32
    %mul3A = arith.constant 640 : i32
    %mul3A_4 = arith.muli %arg1, %mul3A : i32
    "tpu.region"() ({
      %run_scoped3A = tpu.sem_alloc : memref<!tpu.dma_semaphore, #tpu.memory_space<semaphore_mem>>
      %dma_start3A = tpu.memref_slice %arg10[%mul3A_4] : memref<10240xf32, #tpu.memory_space<vmem_shared>> -> memref<640xf32, #tpu.memory_space<vmem_shared>>
      %dma_start3A_13 = tpu.memref_slice %arg3[%mul3A_4] : memref<10240xf32, #tpu.memory_space<hbm>> -> memref<640xf32, #tpu.memory_space<hbm>>
      tpu.enqueue_dma source(%dma_start3A_13 : memref<640xf32, #tpu.memory_space<hbm>>) target(%dma_start3A : memref<640xf32, #tpu.memory_space<vmem_shared>>) target_semaphore(%run_scoped3A : memref<!tpu.dma_semaphore, #tpu.memory_space<semaphore_mem>>)
      %dma_wait3A = tpu.memref_slice %arg10[%mul3A_4] : memref<10240xf32, #tpu.memory_space<vmem_shared>> -> memref<640xf32, #tpu.memory_space<vmem_shared>>
      %dma_wait3A_14 = tpu.memref_slice %arg3[%mul3A_4] : memref<10240xf32, #tpu.memory_space<hbm>> -> memref<640xf32, #tpu.memory_space<hbm>>
      tpu.wait_dma2 semaphore(%run_scoped3A : memref<!tpu.dma_semaphore, #tpu.memory_space<semaphore_mem>>) src(%dma_wait3A_14 : memref<640xf32, #tpu.memory_space<hbm>>) dst(%dma_wait3A : memref<640xf32, #tpu.memory_space<vmem_shared>>)
      tpu.yield
    }) : () -> ()
    %barrier3A = arith.constant 0 : index
    tpu.barrier barrier_id(%barrier3A)
    %mul3A_5 = arith.constant 1 : i32
    %mul3A_6 = arith.muli %arg1, %mul3A_5 : i32
    %add3A = arith.constant 0 : i32
    %add3A_7 = arith.addi %add3A, %mul3A_6 : i32
    %mul3A_8 = arith.constant 16 : i32
    %mul3A_9 = arith.muli %arg0, %mul3A_8 : i32
    %add3A_10 = arith.addi %add3A_7, %mul3A_9 : i32
    %mul3A_11 = arith.constant 79 : i32
    %mul3A_12 = arith.muli %add3A_10, %mul3A_11 : i32
    "tpu.region"() ({
      %run_scoped3A = memref.alloca() : memref<2x1x128xi32, #tpu.memory_space<vmem>>
      %run_scoped3A_13 = tpu.sem_alloc : memref<2x!tpu.dma_semaphore, #tpu.memory_space<semaphore_mem>>
      %run_scoped3A_14 = memref.alloca() : memref<2x1x128xi32, #tpu.memory_space<vmem>>
      %run_scoped3A_15 = tpu.sem_alloc : memref<2x!tpu.dma_semaphore, #tpu.memory_space<semaphore_mem>>
      %run_scoped3A_16 = memref.alloca() : memref<2x128x128xf32, #tpu.memory_space<vmem>>
      %run_scoped3A_17 = tpu.sem_alloc : memref<2x!tpu.dma_semaphore, #tpu.memory_space<semaphore_mem>>
      %run_scoped3A_18 = memref.alloca() : memref<2x1x128xf32, #tpu.memory_space<vmem>>
      %run_scoped3A_19 = tpu.sem_alloc : memref<2x!tpu.dma_semaphore, #tpu.memory_space<semaphore_mem>>
      %add3A_20 = arith.constant 0 : i32
      %add3A_21 = arith.addi %add3A_20, %mul3A_12 : i32
      %select_n3A = arith.constant true
      %select_n3A_22 = arith.constant 0 : i32
      %select_n3A_23 = arith.constant -1 : i32
      %select_n3A_24 = arith.select %select_n3A, %select_n3A_23, %select_n3A_22 : i32
      %eq3A = arith.constant -1 : i32
      %eq3A_25 = arith.cmpi eq, %select_n3A_24, %eq3A : i32
      %select_n3A_26 = arith.constant 78 : i32
      %select_n3A_27 = arith.select %eq3A_25, %select_n3A_26, %select_n3A_24 : i32
      %add3A_28 = arith.addi %select_n3A_27, %mul3A_12 : i32
      %select_n3A_29 = arith.constant true
      %select_n3A_30 = arith.constant 0 : i32
      %select_n3A_31 = arith.constant 1 : i32
      %select_n3A_32 = arith.select %select_n3A_29, %select_n3A_31, %select_n3A_30 : i32
      %eq3A_33 = arith.constant 79 : i32
      %eq3A_34 = arith.cmpi eq, %select_n3A_32, %eq3A_33 : i32
      %select_n3A_35 = arith.constant 0 : i32
      %select_n3A_36 = arith.select %eq3A_34, %select_n3A_35, %select_n3A_32 : i32
      %add3A_37 = arith.addi %select_n3A_36, %mul3A_12 : i32
      %add3A_38 = arith.constant 1 : i32
      %add3A_39 = arith.addi %select_n3A_36, %add3A_38 : i32
      %select_n3A_40 = arith.constant true
      %select_n3A_41 = arith.select %select_n3A_40, %add3A_39, %select_n3A_36 : i32
      %eq3A_42 = arith.constant 79 : i32
      %eq3A_43 = arith.cmpi eq, %select_n3A_41, %eq3A_42 : i32
      %select_n3A_44 = arith.constant 0 : i32
      %select_n3A_45 = arith.select %eq3A_43, %select_n3A_44, %select_n3A_41 : i32
      %add3A_46 = arith.addi %select_n3A_45, %mul3A_12 : i32
      "tpu.trace_start"() <{level = 10 : i32, message = "ep_initialize_0"}> : () -> ()
      %rem3A = arith.constant 0 : i32
      %rem3A_47 = arith.constant 2 : i32
      %rem3A_48 = arith.remui %rem3A, %rem3A_47 : i32
      %mul3A_49 = arith.constant 1 : i32
      %mul3A_50 = arith.muli %mul3A_49, %add3A_21 : i32
      %dma_start3A = arith.constant 0 : i32
      %dma_start3A_51 = arith.constant 0 : i32
      %dma_start3A_52 = tpu.memref_slice %run_scoped3A[%rem3A_48, %dma_start3A, %dma_start3A_51] : memref<2x1x128xi32, #tpu.memory_space<vmem>> -> memref<1x1x128xi32, #tpu.memory_space<vmem>>
      %dma_start3A_53 = tpu.memref_squeeze %dma_start3A_52 : memref<1x1x128xi32, #tpu.memory_space<vmem>> -> memref<1x128xi32, #tpu.memory_space<vmem>>
      %dma_start3A_54 = arith.constant 0 : i32
      %dma_start3A_55 = tpu.memref_slice %arg4[%mul3A_50, %dma_start3A_54] : memref<2528x128xi32, #tpu.memory_space<hbm>> -> memref<1x128xi32, #tpu.memory_space<hbm>>
      %dma_start3A_56 = tpu.memref_slice %run_scoped3A_13[%rem3A_48] : memref<2x!tpu.dma_semaphore, #tpu.memory_space<semaphore_mem>> -> memref<1x!tpu.dma_semaphore, #tpu.memory_space<semaphore_mem>>
      %dma_start3A_57 = tpu.memref_squeeze %dma_start3A_56 : memref<1x!tpu.dma_semaphore, #tpu.memory_space<semaphore_mem>> -> memref<!tpu.dma_semaphore, #tpu.memory_space<semaphore_mem>>
      %dma_start3A_58 = arith.constant 0 : i32
      %dma_start3A_59 = arith.constant 0 : i32
      %dma_start3A_60 = tpu.memref_slice %run_scoped3A[%rem3A_48, %dma_start3A_58, %dma_start3A_59] : memref<2x1x128xi32, #tpu.memory_space<vmem>> -> memref<1x1x128xi32, #tpu.memory_space<vmem>>
      %dma_start3A_61 = tpu.memref_squeeze %dma_start3A_60 : memref<1x1x128xi32, #tpu.memory_space<vmem>> -> memref<1x128xi32, #tpu.memory_space<vmem>>
      %dma_start3A_62 = arith.constant 0 : i32
      %dma_start3A_63 = tpu.memref_slice %arg4[%mul3A_50, %dma_start3A_62] : memref<2528x128xi32, #tpu.memory_space<hbm>> -> memref<1x128xi32, #tpu.memory_space<hbm>>
      tpu.enqueue_dma source(%dma_start3A_63 : memref<1x128xi32, #tpu.memory_space<hbm>>) target(%dma_start3A_61 : memref<1x128xi32, #tpu.memory_space<vmem>>) target_semaphore(%dma_start3A_57 : memref<!tpu.dma_semaphore, #tpu.memory_space<semaphore_mem>>)
      %add3A_64 = arith.constant 0 : i32
      %add3A_65 = arith.constant 1 : i32
      %add3A_66 = arith.addi %add3A_64, %add3A_65 : i32
      %select_n3A_67 = arith.constant true
      %select_n3A_68 = arith.constant 0 : i32
      %select_n3A_69 = arith.select %select_n3A_67, %add3A_66, %select_n3A_68 : i32
      %rem3A_70 = arith.constant 0 : i32
      %rem3A_71 = arith.constant 2 : i32
      %rem3A_72 = arith.remui %rem3A_70, %rem3A_71 : i32
      %mul3A_73 = arith.constant 1 : i32
      %mul3A_74 = arith.muli %mul3A_73, %add3A_21 : i32
      %dma_start3A_75 = arith.constant 0 : i32
      %dma_start3A_76 = arith.constant 0 : i32
      %dma_start3A_77 = tpu.memref_slice %run_scoped3A_14[%rem3A_72, %dma_start3A_75, %dma_start3A_76] : memref<2x1x128xi32, #tpu.memory_space<vmem>> -> memref<1x1x128xi32, #tpu.memory_space<vmem>>
      %dma_start3A_78 = tpu.memref_squeeze %dma_start3A_77 : memref<1x1x128xi32, #tpu.memory_space<vmem>> -> memref<1x128xi32, #tpu.memory_space<vmem>>
      %dma_start3A_79 = arith.constant 0 : i32
      %dma_start3A_80 = tpu.memref_slice %arg5[%mul3A_74, %dma_start3A_79] : memref<2528x128xi32, #tpu.memory_space<hbm>> -> memref<1x128xi32, #tpu.memory_space<hbm>>
      %dma_start3A_81 = tpu.memref_slice %run_scoped3A_15[%rem3A_72] : memref<2x!tpu.dma_semaphore, #tpu.memory_space<semaphore_mem>> -> memref<1x!tpu.dma_semaphore, #tpu.memory_space<semaphore_mem>>
      %dma_start3A_82 = tpu.memref_squeeze %dma_start3A_81 : memref<1x!tpu.dma_semaphore, #tpu.memory_space<semaphore_mem>> -> memref<!tpu.dma_semaphore, #tpu.memory_space<semaphore_mem>>
      %dma_start3A_83 = arith.constant 0 : i32
      %dma_start3A_84 = arith.constant 0 : i32
      %dma_start3A_85 = tpu.memref_slice %run_scoped3A_14[%rem3A_72, %dma_start3A_83, %dma_start3A_84] : memref<2x1x128xi32, #tpu.memory_space<vmem>> -> memref<1x1x128xi32, #tpu.memory_space<vmem>>
      %dma_start3A_86 = tpu.memref_squeeze %dma_start3A_85 : memref<1x1x128xi32, #tpu.memory_space<vmem>> -> memref<1x128xi32, #tpu.memory_space<vmem>>
      %dma_start3A_87 = arith.constant 0 : i32
      %dma_start3A_88 = tpu.memref_slice %arg5[%mul3A_74, %dma_start3A_87] : memref<2528x128xi32, #tpu.memory_space<hbm>> -> memref<1x128xi32, #tpu.memory_space<hbm>>
      tpu.enqueue_dma source(%dma_start3A_88 : memref<1x128xi32, #tpu.memory_space<hbm>>) target(%dma_start3A_86 : memref<1x128xi32, #tpu.memory_space<vmem>>) target_semaphore(%dma_start3A_82 : memref<!tpu.dma_semaphore, #tpu.memory_space<semaphore_mem>>)
      %add3A_89 = arith.constant 0 : i32
      %add3A_90 = arith.constant 1 : i32
      %add3A_91 = arith.addi %add3A_89, %add3A_90 : i32
      %select_n3A_92 = arith.constant true
      %select_n3A_93 = arith.constant 0 : i32
      %select_n3A_94 = arith.select %select_n3A_92, %add3A_91, %select_n3A_93 : i32
      "tpu.trace_stop"() : () -> ()
      %scan3A_95 = arith.constant 0 : i32
      %scan3A_96 = arith.constant 0 : i32
      %scan3A_97 = arith.constant 0 : i32
      %scan3A_98 = arith.constant 0 : i32
      %scan3A_99 = arith.constant 0 : i32
      %scan3A_100 = arith.constant 0 : i32
      %scan3A_101 = arith.constant 0 : i32
      %scan3A_102 = arith.constant 0 : i32
      %scan3A_103 = arith.constant 79 : i32
      %scan3A_104 = arith.addi %scan3A_102, %scan3A_103 : i32
      %scan3A_105 = arith.constant 1 : i32
      %scan3A_106:9 = scf.for %scan3A_178 = %scan3A_102 to %scan3A_104 step %scan3A_105 iter_args(%scan3A_179 = %select_n3A_69, %scan3A_180 = %scan3A_95, %scan3A_181 = %select_n3A_94, %scan3A_182 = %scan3A_96, %scan3A_183 = %scan3A_97, %scan3A_184 = %scan3A_98, %scan3A_185 = %scan3A_99, %scan3A_186 = %scan3A_100, %scan3A_187 = %scan3A_101) -> (i32, i32, i32, i32, i32, i32, i32, i32, i32)  : i32 {
        %eq3A_188 = arith.constant 0 : i32
        %eq3A_189 = arith.cmpi eq, %scan3A_178, %eq3A_188 : i32
        %eq3A_190 = arith.constant 78 : i32
        %eq3A_191 = arith.cmpi eq, %scan3A_178, %eq3A_190 : i32
        %add3A_192 = arith.addi %scan3A_187, %mul3A_12 : i32
        %sub3A_193 = arith.constant 1 : i32
        %sub3A_194 = arith.subi %scan3A_187, %sub3A_193 : i32
        %select_n3A_195 = arith.constant true
        %select_n3A_196 = arith.select %select_n3A_195, %sub3A_194, %scan3A_187 : i32
        %eq3A_197 = arith.constant -1 : i32
        %eq3A_198 = arith.cmpi eq, %select_n3A_196, %eq3A_197 : i32
        %select_n3A_199 = arith.constant 78 : i32
        %select_n3A_200 = arith.select %eq3A_198, %select_n3A_199, %select_n3A_196 : i32
        %add3A_201 = arith.addi %select_n3A_200, %mul3A_12 : i32
        %add3A_202 = arith.constant 1 : i32
        %add3A_203 = arith.addi %scan3A_187, %add3A_202 : i32
        %select_n3A_204 = arith.constant true
        %select_n3A_205 = arith.select %select_n3A_204, %add3A_203, %scan3A_187 : i32
        %eq3A_206 = arith.constant 79 : i32
        %eq3A_207 = arith.cmpi eq, %select_n3A_205, %eq3A_206 : i32
        %select_n3A_208 = arith.constant 0 : i32
        %select_n3A_209 = arith.select %eq3A_207, %select_n3A_208, %select_n3A_205 : i32
        %add3A_210 = arith.addi %select_n3A_209, %mul3A_12 : i32
        %add3A_211 = arith.constant 1 : i32
        %add3A_212 = arith.addi %select_n3A_209, %add3A_211 : i32
        %select_n3A_213 = arith.constant true
        %select_n3A_214 = arith.select %select_n3A_213, %add3A_212, %select_n3A_209 : i32
        %eq3A_215 = arith.constant 79 : i32
        %eq3A_216 = arith.cmpi eq, %select_n3A_214, %eq3A_215 : i32
        %select_n3A_217 = arith.constant 0 : i32
        %select_n3A_218 = arith.select %eq3A_216, %select_n3A_217, %select_n3A_214 : i32
        %add3A_219 = arith.addi %select_n3A_218, %mul3A_12 : i32
        %ne3A = arith.cmpi ne, %add3A_192, %add3A_210 : i32
        %or3A = arith.constant false
        %or3A_220 = arith.ori %or3A, %ne3A : i1
        %or3A_221 = arith.constant false
        %or3A_222 = arith.ori %or3A_220, %or3A_221 : i1
        %ge3A = arith.constant 78 : i32
        %ge3A_223 = arith.cmpi sge, %scan3A_178, %ge3A : i32
        %not3A = arith.constant true
        %not3A_224 = arith.xori %ge3A_223, %not3A : i1
        %and3A = arith.andi %or3A_222, %not3A_224 : i1
        %convert_element_type3A = arith.extui %and3A : i1 to i32
        %cond3A = arith.constant 0 : i32
        %cond3A_225 = arith.cmpi ne, %convert_element_type3A, %cond3A : i32
        scf.if %cond3A_225 {
          "tpu.trace_start"() <{level = 10 : i32, message = "ep_copy_in"}> : () -> ()
          %rem3A_513 = arith.constant 2 : i32
          %rem3A_514 = arith.remui %scan3A_179, %rem3A_513 : i32
          %mul3A_515 = arith.constant 1 : i32
          %mul3A_516 = arith.muli %mul3A_515, %add3A_210 : i32
          %dma_start3A_517 = arith.constant 0 : i32
          %dma_start3A_518 = arith.constant 0 : i32
          %dma_start3A_519 = tpu.memref_slice %run_scoped3A[%rem3A_514, %dma_start3A_517, %dma_start3A_518] : memref<2x1x128xi32, #tpu.memory_space<vmem>> -> memref<1x1x128xi32, #tpu.memory_space<vmem>>
          %dma_start3A_520 = tpu.memref_squeeze %dma_start3A_519 : memref<1x1x128xi32, #tpu.memory_space<vmem>> -> memref<1x128xi32, #tpu.memory_space<vmem>>
          %dma_start3A_521 = arith.constant 0 : i32
          %dma_start3A_522 = tpu.memref_slice %arg4[%mul3A_516, %dma_start3A_521] : memref<2528x128xi32, #tpu.memory_space<hbm>> -> memref<1x128xi32, #tpu.memory_space<hbm>>
          %dma_start3A_523 = tpu.memref_slice %run_scoped3A_13[%rem3A_514] : memref<2x!tpu.dma_semaphore, #tpu.memory_space<semaphore_mem>> -> memref<1x!tpu.dma_semaphore, #tpu.memory_space<semaphore_mem>>
          %dma_start3A_524 = tpu.memref_squeeze %dma_start3A_523 : memref<1x!tpu.dma_semaphore, #tpu.memory_space<semaphore_mem>> -> memref<!tpu.dma_semaphore, #tpu.memory_space<semaphore_mem>>
          %dma_start3A_525 = arith.constant 0 : i32
          %dma_start3A_526 = arith.constant 0 : i32
          %dma_start3A_527 = tpu.memref_slice %run_scoped3A[%rem3A_514, %dma_start3A_525, %dma_start3A_526] : memref<2x1x128xi32, #tpu.memory_space<vmem>> -> memref<1x1x128xi32, #tpu.memory_space<vmem>>
          %dma_start3A_528 = tpu.memref_squeeze %dma_start3A_527 : memref<1x1x128xi32, #tpu.memory_space<vmem>> -> memref<1x128xi32, #tpu.memory_space<vmem>>
          %dma_start3A_529 = arith.constant 0 : i32
          %dma_start3A_530 = tpu.memref_slice %arg4[%mul3A_516, %dma_start3A_529] : memref<2528x128xi32, #tpu.memory_space<hbm>> -> memref<1x128xi32, #tpu.memory_space<hbm>>
          tpu.enqueue_dma source(%dma_start3A_530 : memref<1x128xi32, #tpu.memory_space<hbm>>) target(%dma_start3A_528 : memref<1x128xi32, #tpu.memory_space<vmem>>) target_semaphore(%dma_start3A_524 : memref<!tpu.dma_semaphore, #tpu.memory_space<semaphore_mem>>)
          "tpu.trace_stop"() : () -> ()
        } else {
        }
        %and3A_226 = arith.constant true
        %and3A_227 = arith.andi %and3A, %and3A_226 : i1
        %add3A_228 = arith.constant 1 : i32
        %add3A_229 = arith.addi %scan3A_179, %add3A_228 : i32
        %select_n3A_230 = arith.select %and3A_227, %add3A_229, %scan3A_179 : i32
        %ne3A_231 = arith.cmpi ne, %add3A_192, %add3A_210 : i32
        %or3A_232 = arith.constant false
        %or3A_233 = arith.ori %or3A_232, %ne3A_231 : i1
        %or3A_234 = arith.constant false
        %or3A_235 = arith.ori %or3A_233, %or3A_234 : i1
        %ge3A_236 = arith.constant 78 : i32
        %ge3A_237 = arith.cmpi sge, %scan3A_178, %ge3A_236 : i32
        %not3A_238 = arith.constant true
        %not3A_239 = arith.xori %ge3A_237, %not3A_238 : i1
        %and3A_240 = arith.andi %or3A_235, %not3A_239 : i1
        %convert_element_type3A_241 = arith.extui %and3A_240 : i1 to i32
        %cond3A_242 = arith.constant 0 : i32
        %cond3A_243 = arith.cmpi ne, %convert_element_type3A_241, %cond3A_242 : i32
        scf.if %cond3A_243 {
          "tpu.trace_start"() <{level = 10 : i32, message = "ep_copy_in"}> : () -> ()
          %rem3A_513 = arith.constant 2 : i32
          %rem3A_514 = arith.remui %scan3A_181, %rem3A_513 : i32
          %mul3A_515 = arith.constant 1 : i32
          %mul3A_516 = arith.muli %mul3A_515, %add3A_210 : i32
          %dma_start3A_517 = arith.constant 0 : i32
          %dma_start3A_518 = arith.constant 0 : i32
          %dma_start3A_519 = tpu.memref_slice %run_scoped3A_14[%rem3A_514, %dma_start3A_517, %dma_start3A_518] : memref<2x1x128xi32, #tpu.memory_space<vmem>> -> memref<1x1x128xi32, #tpu.memory_space<vmem>>
          %dma_start3A_520 = tpu.memref_squeeze %dma_start3A_519 : memref<1x1x128xi32, #tpu.memory_space<vmem>> -> memref<1x128xi32, #tpu.memory_space<vmem>>
          %dma_start3A_521 = arith.constant 0 : i32
          %dma_start3A_522 = tpu.memref_slice %arg5[%mul3A_516, %dma_start3A_521] : memref<2528x128xi32, #tpu.memory_space<hbm>> -> memref<1x128xi32, #tpu.memory_space<hbm>>
          %dma_start3A_523 = tpu.memref_slice %run_scoped3A_15[%rem3A_514] : memref<2x!tpu.dma_semaphore, #tpu.memory_space<semaphore_mem>> -> memref<1x!tpu.dma_semaphore, #tpu.memory_space<semaphore_mem>>
          %dma_start3A_524 = tpu.memref_squeeze %dma_start3A_523 : memref<1x!tpu.dma_semaphore, #tpu.memory_space<semaphore_mem>> -> memref<!tpu.dma_semaphore, #tpu.memory_space<semaphore_mem>>
          %dma_start3A_525 = arith.constant 0 : i32
          %dma_start3A_526 = arith.constant 0 : i32
          %dma_start3A_527 = tpu.memref_slice %run_scoped3A_14[%rem3A_514, %dma_start3A_525, %dma_start3A_526] : memref<2x1x128xi32, #tpu.memory_space<vmem>> -> memref<1x1x128xi32, #tpu.memory_space<vmem>>
          %dma_start3A_528 = tpu.memref_squeeze %dma_start3A_527 : memref<1x1x128xi32, #tpu.memory_space<vmem>> -> memref<1x128xi32, #tpu.memory_space<vmem>>
          %dma_start3A_529 = arith.constant 0 : i32
          %dma_start3A_530 = tpu.memref_slice %arg5[%mul3A_516, %dma_start3A_529] : memref<2528x128xi32, #tpu.memory_space<hbm>> -> memref<1x128xi32, #tpu.memory_space<hbm>>
          tpu.enqueue_dma source(%dma_start3A_530 : memref<1x128xi32, #tpu.memory_space<hbm>>) target(%dma_start3A_528 : memref<1x128xi32, #tpu.memory_space<vmem>>) target_semaphore(%dma_start3A_524 : memref<!tpu.dma_semaphore, #tpu.memory_space<semaphore_mem>>)
          "tpu.trace_stop"() : () -> ()
        } else {
        }
        %and3A_244 = arith.constant true
        %and3A_245 = arith.andi %and3A_240, %and3A_244 : i1
        %add3A_246 = arith.constant 1 : i32
        %add3A_247 = arith.addi %scan3A_181, %add3A_246 : i32
        %select_n3A_248 = arith.select %and3A_245, %add3A_247, %scan3A_181 : i32
        %ne3A_249 = arith.cmpi ne, %add3A_192, %add3A_210 : i32
        %or3A_250 = arith.constant false
        %or3A_251 = arith.ori %or3A_250, %ne3A_249 : i1
        %or3A_252 = arith.constant false
        %or3A_253 = arith.ori %or3A_251, %or3A_252 : i1
        %ge3A_254 = arith.constant 78 : i32
        %ge3A_255 = arith.cmpi sge, %scan3A_178, %ge3A_254 : i32
        %not3A_256 = arith.constant true
        %not3A_257 = arith.xori %ge3A_255, %not3A_256 : i1
        %and3A_258 = arith.andi %or3A_253, %not3A_257 : i1
        %ne3A_259 = arith.cmpi ne, %add3A_192, %add3A_210 : i32
        %or3A_260 = arith.constant false
        %or3A_261 = arith.ori %or3A_260, %ne3A_259 : i1
        %or3A_262 = arith.constant false
        %or3A_263 = arith.ori %or3A_261, %or3A_262 : i1
        %ge3A_264 = arith.constant 78 : i32
        %ge3A_265 = arith.cmpi sge, %scan3A_178, %ge3A_264 : i32
        %not3A_266 = arith.constant true
        %not3A_267 = arith.xori %ge3A_265, %not3A_266 : i1
        %and3A_268 = arith.andi %or3A_263, %not3A_267 : i1
        %ne3A_269 = arith.cmpi ne, %add3A_192, %add3A_201 : i32
        %or3A_270 = arith.constant false
        %or3A_271 = arith.ori %or3A_270, %ne3A_269 : i1
        %or3A_272 = arith.constant false
        %or3A_273 = arith.ori %or3A_271, %or3A_272 : i1
        %or3A_274 = arith.ori %or3A_273, %eq3A_189 : i1
        %convert_element_type3A_275 = arith.extui %or3A_274 : i1 to i32
        %cond3A_276 = arith.constant 0 : i32
        %cond3A_277 = arith.cmpi ne, %convert_element_type3A_275, %cond3A_276 : i32
        scf.if %cond3A_277 {
          "tpu.trace_start"() <{level = 10 : i32, message = "ep_wait_in"}> : () -> ()
          %mul3A_513 = arith.constant 1 : i32
          %mul3A_514 = arith.muli %mul3A_513, %add3A_192 : i32
          %rem3A_515 = arith.constant 2 : i32
          %rem3A_516 = arith.remui %scan3A_180, %rem3A_515 : i32
          %dma_wait3A_517 = arith.constant 0 : i32
          %dma_wait3A_518 = arith.constant 0 : i32
          %dma_wait3A_519 = tpu.memref_slice %run_scoped3A[%rem3A_516, %dma_wait3A_517, %dma_wait3A_518] : memref<2x1x128xi32, #tpu.memory_space<vmem>> -> memref<1x1x128xi32, #tpu.memory_space<vmem>>
          %dma_wait3A_520 = tpu.memref_squeeze %dma_wait3A_519 : memref<1x1x128xi32, #tpu.memory_space<vmem>> -> memref<1x128xi32, #tpu.memory_space<vmem>>
          %dma_wait3A_521 = arith.constant 0 : i32
          %dma_wait3A_522 = tpu.memref_slice %arg4[%mul3A_514, %dma_wait3A_521] : memref<2528x128xi32, #tpu.memory_space<hbm>> -> memref<1x128xi32, #tpu.memory_space<hbm>>
          %dma_wait3A_523 = tpu.memref_slice %run_scoped3A_13[%rem3A_516] : memref<2x!tpu.dma_semaphore, #tpu.memory_space<semaphore_mem>> -> memref<1x!tpu.dma_semaphore, #tpu.memory_space<semaphore_mem>>
          %dma_wait3A_524 = tpu.memref_squeeze %dma_wait3A_523 : memref<1x!tpu.dma_semaphore, #tpu.memory_space<semaphore_mem>> -> memref<!tpu.dma_semaphore, #tpu.memory_space<semaphore_mem>>
          %dma_wait3A_525 = arith.constant 0 : i32
          %dma_wait3A_526 = arith.constant 0 : i32
          %dma_wait3A_527 = tpu.memref_slice %run_scoped3A[%rem3A_516, %dma_wait3A_525, %dma_wait3A_526] : memref<2x1x128xi32, #tpu.memory_space<vmem>> -> memref<1x1x128xi32, #tpu.memory_space<vmem>>
          %dma_wait3A_528 = tpu.memref_squeeze %dma_wait3A_527 : memref<1x1x128xi32, #tpu.memory_space<vmem>> -> memref<1x128xi32, #tpu.memory_space<vmem>>
          %dma_wait3A_529 = arith.constant 0 : i32
          %dma_wait3A_530 = tpu.memref_slice %arg4[%mul3A_514, %dma_wait3A_529] : memref<2528x128xi32, #tpu.memory_space<hbm>> -> memref<1x128xi32, #tpu.memory_space<hbm>>
          tpu.wait_dma2 semaphore(%dma_wait3A_524 : memref<!tpu.dma_semaphore, #tpu.memory_space<semaphore_mem>>) src(%dma_wait3A_530 : memref<1x128xi32, #tpu.memory_space<hbm>>) dst(%dma_wait3A_528 : memref<1x128xi32, #tpu.memory_space<vmem>>)
          "tpu.trace_stop"() : () -> ()
        } else {
        }
        %ne3A_278 = arith.cmpi ne, %add3A_192, %add3A_201 : i32
        %or3A_279 = arith.constant false
        %or3A_280 = arith.ori %or3A_279, %ne3A_278 : i1
        %or3A_281 = arith.constant false
        %or3A_282 = arith.ori %or3A_280, %or3A_281 : i1
        %or3A_283 = arith.ori %or3A_282, %eq3A_189 : i1
        %convert_element_type3A_284 = arith.extui %or3A_283 : i1 to i32
        %cond3A_285 = arith.constant 0 : i32
        %cond3A_286 = arith.cmpi ne, %convert_element_type3A_284, %cond3A_285 : i32
        scf.if %cond3A_286 {
          "tpu.trace_start"() <{level = 10 : i32, message = "ep_wait_in"}> : () -> ()
          %mul3A_513 = arith.constant 1 : i32
          %mul3A_514 = arith.muli %mul3A_513, %add3A_192 : i32
          %rem3A_515 = arith.constant 2 : i32
          %rem3A_516 = arith.remui %scan3A_182, %rem3A_515 : i32
          %dma_wait3A_517 = arith.constant 0 : i32
          %dma_wait3A_518 = arith.constant 0 : i32
          %dma_wait3A_519 = tpu.memref_slice %run_scoped3A_14[%rem3A_516, %dma_wait3A_517, %dma_wait3A_518] : memref<2x1x128xi32, #tpu.memory_space<vmem>> -> memref<1x1x128xi32, #tpu.memory_space<vmem>>
          %dma_wait3A_520 = tpu.memref_squeeze %dma_wait3A_519 : memref<1x1x128xi32, #tpu.memory_space<vmem>> -> memref<1x128xi32, #tpu.memory_space<vmem>>
          %dma_wait3A_521 = arith.constant 0 : i32
          %dma_wait3A_522 = tpu.memref_slice %arg5[%mul3A_514, %dma_wait3A_521] : memref<2528x128xi32, #tpu.memory_space<hbm>> -> memref<1x128xi32, #tpu.memory_space<hbm>>
          %dma_wait3A_523 = tpu.memref_slice %run_scoped3A_15[%rem3A_516] : memref<2x!tpu.dma_semaphore, #tpu.memory_space<semaphore_mem>> -> memref<1x!tpu.dma_semaphore, #tpu.memory_space<semaphore_mem>>
          %dma_wait3A_524 = tpu.memref_squeeze %dma_wait3A_523 : memref<1x!tpu.dma_semaphore, #tpu.memory_space<semaphore_mem>> -> memref<!tpu.dma_semaphore, #tpu.memory_space<semaphore_mem>>
          %dma_wait3A_525 = arith.constant 0 : i32
          %dma_wait3A_526 = arith.constant 0 : i32
          %dma_wait3A_527 = tpu.memref_slice %run_scoped3A_14[%rem3A_516, %dma_wait3A_525, %dma_wait3A_526] : memref<2x1x128xi32, #tpu.memory_space<vmem>> -> memref<1x1x128xi32, #tpu.memory_space<vmem>>
          %dma_wait3A_528 = tpu.memref_squeeze %dma_wait3A_527 : memref<1x1x128xi32, #tpu.memory_space<vmem>> -> memref<1x128xi32, #tpu.memory_space<vmem>>
          %dma_wait3A_529 = arith.constant 0 : i32
          %dma_wait3A_530 = tpu.memref_slice %arg5[%mul3A_514, %dma_wait3A_529] : memref<2528x128xi32, #tpu.memory_space<hbm>> -> memref<1x128xi32, #tpu.memory_space<hbm>>
          tpu.wait_dma2 semaphore(%dma_wait3A_524 : memref<!tpu.dma_semaphore, #tpu.memory_space<semaphore_mem>>) src(%dma_wait3A_530 : memref<1x128xi32, #tpu.memory_space<hbm>>) dst(%dma_wait3A_528 : memref<1x128xi32, #tpu.memory_space<vmem>>)
          "tpu.trace_stop"() : () -> ()
        } else {
        }
        %ne3A_287 = arith.cmpi ne, %add3A_192, %add3A_201 : i32
        %or3A_288 = arith.constant false
        %or3A_289 = arith.ori %or3A_288, %ne3A_287 : i1
        %or3A_290 = arith.constant false
        %or3A_291 = arith.ori %or3A_289, %or3A_290 : i1
        %or3A_292 = arith.ori %or3A_291, %eq3A_189 : i1
        %convert_element_type3A_293 = arith.extui %or3A_292 : i1 to i32
        %cond3A_294 = arith.constant 0 : i32
        %cond3A_295 = arith.cmpi ne, %convert_element_type3A_293, %cond3A_294 : i32
        scf.if %cond3A_295 {
        } else {
        }
        %ne3A_296 = arith.cmpi ne, %add3A_192, %add3A_201 : i32
        %or3A_297 = arith.constant false
        %or3A_298 = arith.ori %or3A_297, %ne3A_296 : i1
        %or3A_299 = arith.constant false
        %or3A_300 = arith.ori %or3A_298, %or3A_299 : i1
        %or3A_301 = arith.ori %or3A_300, %eq3A_189 : i1
        %convert_element_type3A_302 = arith.extui %or3A_301 : i1 to i32
        %cond3A_303 = arith.constant 0 : i32
        %cond3A_304 = arith.cmpi ne, %convert_element_type3A_302, %cond3A_303 : i32
        scf.if %cond3A_304 {
        } else {
        }
        %rem3A_305 = arith.constant 2 : i32
        %rem3A_306 = arith.remui %scan3A_180, %rem3A_305 : i32
        %rem3A_307 = arith.constant 2 : i32
        %rem3A_308 = arith.remui %scan3A_182, %rem3A_307 : i32
        %rem3A_309 = arith.constant 2 : i32
        %rem3A_310 = arith.remui %scan3A_183, %rem3A_309 : i32
        %rem3A_311 = arith.constant 2 : i32
        %rem3A_312 = arith.remui %scan3A_185, %rem3A_311 : i32
        %dma_start3A_313 = arith.constant 0 : i32
        "tpu.trace_start"() <{level = 10 : i32, message = "ep_run_kernel"}> : () -> ()
        %dma_start3A_314 = arith.constant 0 : i32
        %dma_start3A_315 = arith.constant 0 : i32
        %dma_start3A_316 = tpu.memref_slice %run_scoped3A_16[%rem3A_310, %dma_start3A_314, %dma_start3A_315] : memref<2x128x128xf32, #tpu.memory_space<vmem>> -> memref<1x128x128xf32, #tpu.memory_space<vmem>>
        %dma_start3A_317 = tpu.memref_squeeze %dma_start3A_316 : memref<1x128x128xf32, #tpu.memory_space<vmem>> -> memref<128x128xf32, #tpu.memory_space<vmem>>
        %dma_start3A_318 = arith.constant 0 : i32
        %dma_start3A_319 = arith.constant 0 : i32
        %dma_start3A_320 = tpu.memref_slice %run_scoped3A[%rem3A_306, %dma_start3A_318, %dma_start3A_319] : memref<2x1x128xi32, #tpu.memory_space<vmem>> -> memref<1x1x128xi32, #tpu.memory_space<vmem>>
        %dma_start3A_321 = tpu.memref_squeeze %dma_start3A_320 : memref<1x1x128xi32, #tpu.memory_space<vmem>> -> memref<1x128xi32, #tpu.memory_space<vmem>>
        %dma_start3A_322 = arith.constant 0 : i32
        %dma_start3A_323 = tpu.memref_slice %dma_start3A_321[%dma_start3A_313, %dma_start3A_322] : memref<1x128xi32, #tpu.memory_space<vmem>> -> memref<1x128xi32, #tpu.memory_space<vmem>>
        %dma_start3A_324 = tpu.memref_squeeze %dma_start3A_323 : memref<1x128xi32, #tpu.memory_space<vmem>> -> memref<128xi32, #tpu.memory_space<vmem>>
        %dma_start3A_325 = arith.constant 0 : i32
        %dma_start3A_326 = arith.constant 0 : i32
        %dma_start3A_327 = tpu.memref_slice %arg9[%dma_start3A_325, %dma_start3A_326] : memref<10240x128xf32, #tpu.memory_space<vmem_shared>> -> memref<10240x128xf32, #tpu.memory_space<vmem_shared>>
        tpu.enqueue_indirect_dma source(%dma_start3A_327 : memref<10240x128xf32, #tpu.memory_space<vmem_shared>>) target(%dma_start3A_317 : memref<128x128xf32, #tpu.memory_space<vmem>>) offsets(%dma_start3A_324 : memref<128xi32, #tpu.memory_space<vmem>>) semaphore(%arg8 : memref<!tpu.dma_semaphore, #tpu.memory_space<semaphore_mem>>)
        %dma_start3A_328 = arith.constant 0 : i32
        %dma_start3A_329 = arith.constant 0 : i32
        %dma_start3A_330 = arith.constant 0 : i32
        %dma_start3A_331 = arith.constant 0 : i32
        %dma_start3A_332 = tpu.memref_slice %run_scoped3A_18[%rem3A_312, %dma_start3A_330, %dma_start3A_331] : memref<2x1x128xf32, #tpu.memory_space<vmem>> -> memref<1x1x128xf32, #tpu.memory_space<vmem>>
        %dma_start3A_333 = tpu.memref_squeeze %dma_start3A_332 : memref<1x1x128xf32, #tpu.memory_space<vmem>> -> memref<1x128xf32, #tpu.memory_space<vmem>>
        %dma_start3A_334 = arith.constant 0 : i32
        %dma_start3A_335 = tpu.memref_slice %dma_start3A_333[%dma_start3A_329, %dma_start3A_334] : memref<1x128xf32, #tpu.memory_space<vmem>> -> memref<1x128xf32, #tpu.memory_space<vmem>>
        %dma_start3A_336 = tpu.memref_squeeze %dma_start3A_335 : memref<1x128xf32, #tpu.memory_space<vmem>> -> memref<128xf32, #tpu.memory_space<vmem>>
        %dma_start3A_337 = arith.constant 0 : i32
        %dma_start3A_338 = arith.constant 0 : i32
        %dma_start3A_339 = tpu.memref_slice %run_scoped3A_14[%rem3A_308, %dma_start3A_337, %dma_start3A_338] : memref<2x1x128xi32, #tpu.memory_space<vmem>> -> memref<1x1x128xi32, #tpu.memory_space<vmem>>
        %dma_start3A_340 = tpu.memref_squeeze %dma_start3A_339 : memref<1x1x128xi32, #tpu.memory_space<vmem>> -> memref<1x128xi32, #tpu.memory_space<vmem>>
        %dma_start3A_341 = arith.constant 0 : i32
        %dma_start3A_342 = tpu.memref_slice %dma_start3A_340[%dma_start3A_328, %dma_start3A_341] : memref<1x128xi32, #tpu.memory_space<vmem>> -> memref<1x128xi32, #tpu.memory_space<vmem>>
        %dma_start3A_343 = tpu.memref_squeeze %dma_start3A_342 : memref<1x128xi32, #tpu.memory_space<vmem>> -> memref<128xi32, #tpu.memory_space<vmem>>
        %dma_start3A_344 = arith.constant 0 : i32
        %dma_start3A_345 = tpu.memref_slice %arg10[%dma_start3A_344] : memref<10240xf32, #tpu.memory_space<vmem_shared>> -> memref<10240xf32, #tpu.memory_space<vmem_shared>>
        tpu.enqueue_indirect_dma source(%dma_start3A_345 : memref<10240xf32, #tpu.memory_space<vmem_shared>>) target(%dma_start3A_336 : memref<128xf32, #tpu.memory_space<vmem>>) offsets(%dma_start3A_343 : memref<128xi32, #tpu.memory_space<vmem>>) semaphore(%arg8 : memref<!tpu.dma_semaphore, #tpu.memory_space<semaphore_mem>>)
        %dma_wait3A_346 = arith.constant 0 : i32
        %dma_wait3A_347 = arith.constant 0 : i32
        %dma_wait3A_348 = arith.constant 0 : i32
        %dma_wait3A_349 = tpu.memref_slice %run_scoped3A_16[%rem3A_310, %dma_wait3A_347, %dma_wait3A_348] : memref<2x128x128xf32, #tpu.memory_space<vmem>> -> memref<1x128x128xf32, #tpu.memory_space<vmem>>
        %dma_wait3A_350 = tpu.memref_squeeze %dma_wait3A_349 : memref<1x128x128xf32, #tpu.memory_space<vmem>> -> memref<128x128xf32, #tpu.memory_space<vmem>>
        %dma_wait3A_351 = arith.constant 0 : i32
        %dma_wait3A_352 = arith.constant 0 : i32
        %dma_wait3A_353 = tpu.memref_slice %run_scoped3A[%rem3A_306, %dma_wait3A_351, %dma_wait3A_352] : memref<2x1x128xi32, #tpu.memory_space<vmem>> -> memref<1x1x128xi32, #tpu.memory_space<vmem>>
        %dma_wait3A_354 = tpu.memref_squeeze %dma_wait3A_353 : memref<1x1x128xi32, #tpu.memory_space<vmem>> -> memref<1x128xi32, #tpu.memory_space<vmem>>
        %dma_wait3A_355 = arith.constant 0 : i32
        %dma_wait3A_356 = tpu.memref_slice %dma_wait3A_354[%dma_wait3A_346, %dma_wait3A_355] : memref<1x128xi32, #tpu.memory_space<vmem>> -> memref<1x128xi32, #tpu.memory_space<vmem>>
        %dma_wait3A_357 = tpu.memref_squeeze %dma_wait3A_356 : memref<1x128xi32, #tpu.memory_space<vmem>> -> memref<128xi32, #tpu.memory_space<vmem>>
        %dma_wait3A_358 = arith.constant 0 : i32
        %dma_wait3A_359 = arith.constant 0 : i32
        %dma_wait3A_360 = tpu.memref_slice %arg9[%dma_wait3A_358, %dma_wait3A_359] : memref<10240x128xf32, #tpu.memory_space<vmem_shared>> -> memref<10240x128xf32, #tpu.memory_space<vmem_shared>>
        tpu.wait_indirect_dma semaphore(%arg8 : memref<!tpu.dma_semaphore, #tpu.memory_space<semaphore_mem>>) src(%dma_wait3A_360 : memref<10240x128xf32, #tpu.memory_space<vmem_shared>>) dst(%dma_wait3A_350 : memref<128x128xf32, #tpu.memory_space<vmem>>)
        %dma_wait3A_361 = arith.constant 0 : i32
        %dma_wait3A_362 = arith.constant 0 : i32
        %dma_wait3A_363 = arith.constant 0 : i32
        %dma_wait3A_364 = arith.constant 0 : i32
        %dma_wait3A_365 = tpu.memref_slice %run_scoped3A_18[%rem3A_312, %dma_wait3A_363, %dma_wait3A_364] : memref<2x1x128xf32, #tpu.memory_space<vmem>> -> memref<1x1x128xf32, #tpu.memory_space<vmem>>
        %dma_wait3A_366 = tpu.memref_squeeze %dma_wait3A_365 : memref<1x1x128xf32, #tpu.memory_space<vmem>> -> memref<1x128xf32, #tpu.memory_space<vmem>>
        %dma_wait3A_367 = arith.constant 0 : i32
        %dma_wait3A_368 = tpu.memref_slice %dma_wait3A_366[%dma_wait3A_362, %dma_wait3A_367] : memref<1x128xf32, #tpu.memory_space<vmem>> -> memref<1x128xf32, #tpu.memory_space<vmem>>
        %dma_wait3A_369 = tpu.memref_squeeze %dma_wait3A_368 : memref<1x128xf32, #tpu.memory_space<vmem>> -> memref<128xf32, #tpu.memory_space<vmem>>
        %dma_wait3A_370 = arith.constant 0 : i32
        %dma_wait3A_371 = arith.constant 0 : i32
        %dma_wait3A_372 = tpu.memref_slice %run_scoped3A_14[%rem3A_308, %dma_wait3A_370, %dma_wait3A_371] : memref<2x1x128xi32, #tpu.memory_space<vmem>> -> memref<1x1x128xi32, #tpu.memory_space<vmem>>
        %dma_wait3A_373 = tpu.memref_squeeze %dma_wait3A_372 : memref<1x1x128xi32, #tpu.memory_space<vmem>> -> memref<1x128xi32, #tpu.memory_space<vmem>>
        %dma_wait3A_374 = arith.constant 0 : i32
        %dma_wait3A_375 = tpu.memref_slice %dma_wait3A_373[%dma_wait3A_361, %dma_wait3A_374] : memref<1x128xi32, #tpu.memory_space<vmem>> -> memref<1x128xi32, #tpu.memory_space<vmem>>
        %dma_wait3A_376 = tpu.memref_squeeze %dma_wait3A_375 : memref<1x128xi32, #tpu.memory_space<vmem>> -> memref<128xi32, #tpu.memory_space<vmem>>
        %dma_wait3A_377 = arith.constant 0 : i32
        %dma_wait3A_378 = tpu.memref_slice %arg10[%dma_wait3A_377] : memref<10240xf32, #tpu.memory_space<vmem_shared>> -> memref<10240xf32, #tpu.memory_space<vmem_shared>>
        tpu.wait_indirect_dma semaphore(%arg8 : memref<!tpu.dma_semaphore, #tpu.memory_space<semaphore_mem>>) src(%dma_wait3A_378 : memref<10240xf32, #tpu.memory_space<vmem_shared>>) dst(%dma_wait3A_369 : memref<128xf32, #tpu.memory_space<vmem>>)
        "tpu.trace_stop"() : () -> ()
        %ne3A_379 = arith.cmpi ne, %add3A_192, %add3A_210 : i32
        %or3A_380 = arith.constant false
        %or3A_381 = arith.ori %or3A_380, %ne3A_379 : i1
        %or3A_382 = arith.constant false
        %or3A_383 = arith.ori %or3A_381, %or3A_382 : i1
        %or3A_384 = arith.ori %or3A_383, %eq3A_191 : i1
        %convert_element_type3A_385 = arith.extui %or3A_384 : i1 to i32
        %cond3A_386 = arith.constant 0 : i32
        %cond3A_387 = arith.cmpi ne, %convert_element_type3A_385, %cond3A_386 : i32
        scf.if %cond3A_387 {
        } else {
        }
        %and3A_388 = arith.constant false
        %and3A_389 = arith.andi %or3A_384, %and3A_388 : i1
        %ne3A_390 = arith.cmpi ne, %add3A_192, %add3A_210 : i32
        %or3A_391 = arith.constant false
        %or3A_392 = arith.ori %or3A_391, %ne3A_390 : i1
        %or3A_393 = arith.constant false
        %or3A_394 = arith.ori %or3A_392, %or3A_393 : i1
        %or3A_395 = arith.ori %or3A_394, %eq3A_191 : i1
        %convert_element_type3A_396 = arith.extui %or3A_395 : i1 to i32
        %cond3A_397 = arith.constant 0 : i32
        %cond3A_398 = arith.cmpi ne, %convert_element_type3A_396, %cond3A_397 : i32
        scf.if %cond3A_398 {
        } else {
        }
        %and3A_399 = arith.constant false
        %and3A_400 = arith.andi %or3A_395, %and3A_399 : i1
        %ne3A_401 = arith.cmpi ne, %add3A_192, %add3A_210 : i32
        %or3A_402 = arith.constant false
        %or3A_403 = arith.ori %or3A_402, %ne3A_401 : i1
        %or3A_404 = arith.constant false
        %or3A_405 = arith.ori %or3A_403, %or3A_404 : i1
        %or3A_406 = arith.ori %or3A_405, %eq3A_191 : i1
        %convert_element_type3A_407 = arith.extui %or3A_406 : i1 to i32
        %cond3A_408 = arith.constant 0 : i32
        %cond3A_409 = arith.cmpi ne, %convert_element_type3A_407, %cond3A_408 : i32
        scf.if %cond3A_409 {
          "tpu.trace_start"() <{level = 10 : i32, message = "ep_copy_out"}> : () -> ()
          %rem3A_513 = arith.constant 2 : i32
          %rem3A_514 = arith.remui %scan3A_183, %rem3A_513 : i32
          %mul3A_515 = arith.constant 128 : i32
          %mul3A_516 = arith.muli %mul3A_515, %add3A_192 : i32
          %dma_start3A_517 = arith.constant 0 : i32
          %dma_start3A_518 = arith.constant 0 : i32
          %dma_start3A_519 = tpu.memref_slice %run_scoped3A_16[%rem3A_514, %dma_start3A_517, %dma_start3A_518] : memref<2x128x128xf32, #tpu.memory_space<vmem>> -> memref<1x128x128xf32, #tpu.memory_space<vmem>>
          %dma_start3A_520 = tpu.memref_squeeze %dma_start3A_519 : memref<1x128x128xf32, #tpu.memory_space<vmem>> -> memref<128x128xf32, #tpu.memory_space<vmem>>
          %dma_start3A_521 = arith.constant 0 : i32
          %dma_start3A_522 = tpu.memref_slice %arg6[%mul3A_516, %dma_start3A_521] : memref<323584x128xf32, #tpu.memory_space<hbm>> -> memref<128x128xf32, #tpu.memory_space<hbm>>
          %dma_start3A_523 = tpu.memref_slice %run_scoped3A_17[%rem3A_514] : memref<2x!tpu.dma_semaphore, #tpu.memory_space<semaphore_mem>> -> memref<1x!tpu.dma_semaphore, #tpu.memory_space<semaphore_mem>>
          %dma_start3A_524 = tpu.memref_squeeze %dma_start3A_523 : memref<1x!tpu.dma_semaphore, #tpu.memory_space<semaphore_mem>> -> memref<!tpu.dma_semaphore, #tpu.memory_space<semaphore_mem>>
          %dma_start3A_525 = arith.constant 0 : i32
          %dma_start3A_526 = tpu.memref_slice %arg6[%mul3A_516, %dma_start3A_525] : memref<323584x128xf32, #tpu.memory_space<hbm>> -> memref<128x128xf32, #tpu.memory_space<hbm>>
          %dma_start3A_527 = arith.constant 0 : i32
          %dma_start3A_528 = arith.constant 0 : i32
          %dma_start3A_529 = tpu.memref_slice %run_scoped3A_16[%rem3A_514, %dma_start3A_527, %dma_start3A_528] : memref<2x128x128xf32, #tpu.memory_space<vmem>> -> memref<1x128x128xf32, #tpu.memory_space<vmem>>
          %dma_start3A_530 = tpu.memref_squeeze %dma_start3A_529 : memref<1x128x128xf32, #tpu.memory_space<vmem>> -> memref<128x128xf32, #tpu.memory_space<vmem>>
          tpu.enqueue_dma source(%dma_start3A_530 : memref<128x128xf32, #tpu.memory_space<vmem>>) target(%dma_start3A_526 : memref<128x128xf32, #tpu.memory_space<hbm>>) target_semaphore(%dma_start3A_524 : memref<!tpu.dma_semaphore, #tpu.memory_space<semaphore_mem>>)
          "tpu.trace_stop"() : () -> ()
        } else {
        }
        %and3A_410 = arith.constant true
        %and3A_411 = arith.andi %or3A_406, %and3A_410 : i1
        %add3A_412 = arith.constant 1 : i32
        %add3A_413 = arith.addi %scan3A_183, %add3A_412 : i32
        %select_n3A_414 = arith.select %and3A_411, %add3A_413, %scan3A_183 : i32
        %ne3A_415 = arith.cmpi ne, %add3A_192, %add3A_210 : i32
        %or3A_416 = arith.constant false
        %or3A_417 = arith.ori %or3A_416, %ne3A_415 : i1
        %or3A_418 = arith.constant false
        %or3A_419 = arith.ori %or3A_417, %or3A_418 : i1
        %or3A_420 = arith.ori %or3A_419, %eq3A_191 : i1
        %convert_element_type3A_421 = arith.extui %or3A_420 : i1 to i32
        %cond3A_422 = arith.constant 0 : i32
        %cond3A_423 = arith.cmpi ne, %convert_element_type3A_421, %cond3A_422 : i32
        scf.if %cond3A_423 {
          "tpu.trace_start"() <{level = 10 : i32, message = "ep_copy_out"}> : () -> ()
          %rem3A_513 = arith.constant 2 : i32
          %rem3A_514 = arith.remui %scan3A_185, %rem3A_513 : i32
          %mul3A_515 = arith.constant 1 : i32
          %mul3A_516 = arith.muli %mul3A_515, %add3A_192 : i32
          %dma_start3A_517 = arith.constant 0 : i32
          %dma_start3A_518 = arith.constant 0 : i32
          %dma_start3A_519 = tpu.memref_slice %run_scoped3A_18[%rem3A_514, %dma_start3A_517, %dma_start3A_518] : memref<2x1x128xf32, #tpu.memory_space<vmem>> -> memref<1x1x128xf32, #tpu.memory_space<vmem>>
          %dma_start3A_520 = tpu.memref_squeeze %dma_start3A_519 : memref<1x1x128xf32, #tpu.memory_space<vmem>> -> memref<1x128xf32, #tpu.memory_space<vmem>>
          %dma_start3A_521 = arith.constant 0 : i32
          %dma_start3A_522 = tpu.memref_slice %arg7[%mul3A_516, %dma_start3A_521] : memref<2528x128xf32, #tpu.memory_space<hbm>> -> memref<1x128xf32, #tpu.memory_space<hbm>>
          %dma_start3A_523 = tpu.memref_slice %run_scoped3A_19[%rem3A_514] : memref<2x!tpu.dma_semaphore, #tpu.memory_space<semaphore_mem>> -> memref<1x!tpu.dma_semaphore, #tpu.memory_space<semaphore_mem>>
          %dma_start3A_524 = tpu.memref_squeeze %dma_start3A_523 : memref<1x!tpu.dma_semaphore, #tpu.memory_space<semaphore_mem>> -> memref<!tpu.dma_semaphore, #tpu.memory_space<semaphore_mem>>
          %dma_start3A_525 = arith.constant 0 : i32
          %dma_start3A_526 = tpu.memref_slice %arg7[%mul3A_516, %dma_start3A_525] : memref<2528x128xf32, #tpu.memory_space<hbm>> -> memref<1x128xf32, #tpu.memory_space<hbm>>
          %dma_start3A_527 = arith.constant 0 : i32
          %dma_start3A_528 = arith.constant 0 : i32
          %dma_start3A_529 = tpu.memref_slice %run_scoped3A_18[%rem3A_514, %dma_start3A_527, %dma_start3A_528] : memref<2x1x128xf32, #tpu.memory_space<vmem>> -> memref<1x1x128xf32, #tpu.memory_space<vmem>>
          %dma_start3A_530 = tpu.memref_squeeze %dma_start3A_529 : memref<1x1x128xf32, #tpu.memory_space<vmem>> -> memref<1x128xf32, #tpu.memory_space<vmem>>
          tpu.enqueue_dma source(%dma_start3A_530 : memref<1x128xf32, #tpu.memory_space<vmem>>) target(%dma_start3A_526 : memref<1x128xf32, #tpu.memory_space<hbm>>) target_semaphore(%dma_start3A_524 : memref<!tpu.dma_semaphore, #tpu.memory_space<semaphore_mem>>)
          "tpu.trace_stop"() : () -> ()
        } else {
        }
        %and3A_424 = arith.constant true
        %and3A_425 = arith.andi %or3A_420, %and3A_424 : i1
        %add3A_426 = arith.constant 1 : i32
        %add3A_427 = arith.addi %scan3A_185, %add3A_426 : i32
        %select_n3A_428 = arith.select %and3A_425, %add3A_427, %scan3A_185 : i32
        %ne3A_429 = arith.cmpi ne, %add3A_192, %add3A_201 : i32
        %or3A_430 = arith.constant false
        %or3A_431 = arith.ori %or3A_430, %ne3A_429 : i1
        %or3A_432 = arith.constant false
        %or3A_433 = arith.ori %or3A_431, %or3A_432 : i1
        %not3A_434 = arith.constant true
        %not3A_435 = arith.xori %eq3A_189, %not3A_434 : i1
        %and3A_436 = arith.andi %or3A_433, %not3A_435 : i1
        %convert_element_type3A_437 = arith.extui %and3A_436 : i1 to i32
        %cond3A_438 = arith.constant 0 : i32
        %cond3A_439 = arith.cmpi ne, %convert_element_type3A_437, %cond3A_438 : i32
        scf.if %cond3A_439 {
        } else {
        }
        %and3A_440 = arith.constant false
        %and3A_441 = arith.andi %and3A_436, %and3A_440 : i1
        %ne3A_442 = arith.cmpi ne, %add3A_192, %add3A_201 : i32
        %or3A_443 = arith.constant false
        %or3A_444 = arith.ori %or3A_443, %ne3A_442 : i1
        %or3A_445 = arith.constant false
        %or3A_446 = arith.ori %or3A_444, %or3A_445 : i1
        %not3A_447 = arith.constant true
        %not3A_448 = arith.xori %eq3A_189, %not3A_447 : i1
        %and3A_449 = arith.andi %or3A_446, %not3A_448 : i1
        %convert_element_type3A_450 = arith.extui %and3A_449 : i1 to i32
        %cond3A_451 = arith.constant 0 : i32
        %cond3A_452 = arith.cmpi ne, %convert_element_type3A_450, %cond3A_451 : i32
        scf.if %cond3A_452 {
        } else {
        }
        %and3A_453 = arith.constant false
        %and3A_454 = arith.andi %and3A_449, %and3A_453 : i1
        %ne3A_455 = arith.cmpi ne, %add3A_192, %add3A_201 : i32
        %or3A_456 = arith.constant false
        %or3A_457 = arith.ori %or3A_456, %ne3A_455 : i1
        %or3A_458 = arith.constant false
        %or3A_459 = arith.ori %or3A_457, %or3A_458 : i1
        %not3A_460 = arith.constant true
        %not3A_461 = arith.xori %eq3A_189, %not3A_460 : i1
        %and3A_462 = arith.andi %or3A_459, %not3A_461 : i1
        %convert_element_type3A_463 = arith.extui %and3A_462 : i1 to i32
        %cond3A_464 = arith.constant 0 : i32
        %cond3A_465 = arith.cmpi ne, %convert_element_type3A_463, %cond3A_464 : i32
        scf.if %cond3A_465 {
          "tpu.trace_start"() <{level = 10 : i32, message = "ep_wait_out"}> : () -> ()
          %rem3A_513 = arith.constant 2 : i32
          %rem3A_514 = arith.remui %scan3A_184, %rem3A_513 : i32
          %mul3A_515 = arith.constant 128 : i32
          %mul3A_516 = arith.muli %mul3A_515, %add3A_201 : i32
          %dma_wait3A_517 = arith.constant 0 : i32
          %dma_wait3A_518 = arith.constant 0 : i32
          %dma_wait3A_519 = tpu.memref_slice %run_scoped3A_16[%rem3A_514, %dma_wait3A_517, %dma_wait3A_518] : memref<2x128x128xf32, #tpu.memory_space<vmem>> -> memref<1x128x128xf32, #tpu.memory_space<vmem>>
          %dma_wait3A_520 = tpu.memref_squeeze %dma_wait3A_519 : memref<1x128x128xf32, #tpu.memory_space<vmem>> -> memref<128x128xf32, #tpu.memory_space<vmem>>
          %dma_wait3A_521 = arith.constant 0 : i32
          %dma_wait3A_522 = tpu.memref_slice %arg6[%mul3A_516, %dma_wait3A_521] : memref<323584x128xf32, #tpu.memory_space<hbm>> -> memref<128x128xf32, #tpu.memory_space<hbm>>
          %dma_wait3A_523 = tpu.memref_slice %run_scoped3A_17[%rem3A_514] : memref<2x!tpu.dma_semaphore, #tpu.memory_space<semaphore_mem>> -> memref<1x!tpu.dma_semaphore, #tpu.memory_space<semaphore_mem>>
          %dma_wait3A_524 = tpu.memref_squeeze %dma_wait3A_523 : memref<1x!tpu.dma_semaphore, #tpu.memory_space<semaphore_mem>> -> memref<!tpu.dma_semaphore, #tpu.memory_space<semaphore_mem>>
          %dma_wait3A_525 = arith.constant 0 : i32
          %dma_wait3A_526 = tpu.memref_slice %arg6[%mul3A_516, %dma_wait3A_525] : memref<323584x128xf32, #tpu.memory_space<hbm>> -> memref<128x128xf32, #tpu.memory_space<hbm>>
          %dma_wait3A_527 = arith.constant 0 : i32
          %dma_wait3A_528 = arith.constant 0 : i32
          %dma_wait3A_529 = tpu.memref_slice %run_scoped3A_16[%rem3A_514, %dma_wait3A_527, %dma_wait3A_528] : memref<2x128x128xf32, #tpu.memory_space<vmem>> -> memref<1x128x128xf32, #tpu.memory_space<vmem>>
          %dma_wait3A_530 = tpu.memref_squeeze %dma_wait3A_529 : memref<1x128x128xf32, #tpu.memory_space<vmem>> -> memref<128x128xf32, #tpu.memory_space<vmem>>
          tpu.wait_dma2 semaphore(%dma_wait3A_524 : memref<!tpu.dma_semaphore, #tpu.memory_space<semaphore_mem>>) src(%dma_wait3A_530 : memref<128x128xf32, #tpu.memory_space<vmem>>) dst(%dma_wait3A_526 : memref<128x128xf32, #tpu.memory_space<hbm>>)
          "tpu.trace_stop"() : () -> ()
        } else {
        }
        %and3A_466 = arith.constant true
        %and3A_467 = arith.andi %and3A_462, %and3A_466 : i1
        %add3A_468 = arith.constant 1 : i32
        %add3A_469 = arith.addi %scan3A_184, %add3A_468 : i32
        %select_n3A_470 = arith.select %and3A_467, %add3A_469, %scan3A_184 : i32
        %ne3A_471 = arith.cmpi ne, %add3A_192, %add3A_201 : i32
        %or3A_472 = arith.constant false
        %or3A_473 = arith.ori %or3A_472, %ne3A_471 : i1
        %or3A_474 = arith.constant false
        %or3A_475 = arith.ori %or3A_473, %or3A_474 : i1
        %not3A_476 = arith.constant true
        %not3A_477 = arith.xori %eq3A_189, %not3A_476 : i1
        %and3A_478 = arith.andi %or3A_475, %not3A_477 : i1
        %convert_element_type3A_479 = arith.extui %and3A_478 : i1 to i32
        %cond3A_480 = arith.constant 0 : i32
        %cond3A_481 = arith.cmpi ne, %convert_element_type3A_479, %cond3A_480 : i32
        scf.if %cond3A_481 {
          "tpu.trace_start"() <{level = 10 : i32, message = "ep_wait_out"}> : () -> ()
          %rem3A_513 = arith.constant 2 : i32
          %rem3A_514 = arith.remui %scan3A_186, %rem3A_513 : i32
          %mul3A_515 = arith.constant 1 : i32
          %mul3A_516 = arith.muli %mul3A_515, %add3A_201 : i32
          %dma_wait3A_517 = arith.constant 0 : i32
          %dma_wait3A_518 = arith.constant 0 : i32
          %dma_wait3A_519 = tpu.memref_slice %run_scoped3A_18[%rem3A_514, %dma_wait3A_517, %dma_wait3A_518] : memref<2x1x128xf32, #tpu.memory_space<vmem>> -> memref<1x1x128xf32, #tpu.memory_space<vmem>>
          %dma_wait3A_520 = tpu.memref_squeeze %dma_wait3A_519 : memref<1x1x128xf32, #tpu.memory_space<vmem>> -> memref<1x128xf32, #tpu.memory_space<vmem>>
          %dma_wait3A_521 = arith.constant 0 : i32
          %dma_wait3A_522 = tpu.memref_slice %arg7[%mul3A_516, %dma_wait3A_521] : memref<2528x128xf32, #tpu.memory_space<hbm>> -> memref<1x128xf32, #tpu.memory_space<hbm>>
          %dma_wait3A_523 = tpu.memref_slice %run_scoped3A_19[%rem3A_514] : memref<2x!tpu.dma_semaphore, #tpu.memory_space<semaphore_mem>> -> memref<1x!tpu.dma_semaphore, #tpu.memory_space<semaphore_mem>>
          %dma_wait3A_524 = tpu.memref_squeeze %dma_wait3A_523 : memref<1x!tpu.dma_semaphore, #tpu.memory_space<semaphore_mem>> -> memref<!tpu.dma_semaphore, #tpu.memory_space<semaphore_mem>>
          %dma_wait3A_525 = arith.constant 0 : i32
          %dma_wait3A_526 = tpu.memref_slice %arg7[%mul3A_516, %dma_wait3A_525] : memref<2528x128xf32, #tpu.memory_space<hbm>> -> memref<1x128xf32, #tpu.memory_space<hbm>>
          %dma_wait3A_527 = arith.constant 0 : i32
          %dma_wait3A_528 = arith.constant 0 : i32
          %dma_wait3A_529 = tpu.memref_slice %run_scoped3A_18[%rem3A_514, %dma_wait3A_527, %dma_wait3A_528] : memref<2x1x128xf32, #tpu.memory_space<vmem>> -> memref<1x1x128xf32, #tpu.memory_space<vmem>>
          %dma_wait3A_530 = tpu.memref_squeeze %dma_wait3A_529 : memref<1x1x128xf32, #tpu.memory_space<vmem>> -> memref<1x128xf32, #tpu.memory_space<vmem>>
          tpu.wait_dma2 semaphore(%dma_wait3A_524 : memref<!tpu.dma_semaphore, #tpu.memory_space<semaphore_mem>>) src(%dma_wait3A_530 : memref<1x128xf32, #tpu.memory_space<vmem>>) dst(%dma_wait3A_526 : memref<1x128xf32, #tpu.memory_space<hbm>>)
          "tpu.trace_stop"() : () -> ()
        } else {
        }
        %and3A_482 = arith.constant true
        %and3A_483 = arith.andi %and3A_478, %and3A_482 : i1
        %add3A_484 = arith.constant 1 : i32
        %add3A_485 = arith.addi %scan3A_186, %add3A_484 : i32
        %select_n3A_486 = arith.select %and3A_483, %add3A_485, %scan3A_186 : i32
        %ne3A_487 = arith.cmpi ne, %add3A_192, %add3A_210 : i32
        %or3A_488 = arith.constant false
        %or3A_489 = arith.ori %or3A_488, %ne3A_487 : i1
        %or3A_490 = arith.constant false
        %or3A_491 = arith.ori %or3A_489, %or3A_490 : i1
        %or3A_492 = arith.ori %or3A_491, %eq3A_191 : i1
        %add3A_493 = arith.constant 1 : i32
        %add3A_494 = arith.addi %scan3A_180, %add3A_493 : i32
        %select_n3A_495 = arith.select %or3A_492, %add3A_494, %scan3A_180 : i32
        %ne3A_496 = arith.cmpi ne, %add3A_192, %add3A_210 : i32
        %or3A_497 = arith.constant false
        %or3A_498 = arith.ori %or3A_497, %ne3A_496 : i1
        %or3A_499 = arith.constant false
        %or3A_500 = arith.ori %or3A_498, %or3A_499 : i1
        %or3A_501 = arith.ori %or3A_500, %eq3A_191 : i1
        %add3A_502 = arith.constant 1 : i32
        %add3A_503 = arith.addi %scan3A_182, %add3A_502 : i32
        %select_n3A_504 = arith.select %or3A_501, %add3A_503, %scan3A_182 : i32
        %add3A_505 = arith.constant 1 : i32
        %add3A_506 = arith.addi %scan3A_187, %add3A_505 : i32
        %select_n3A_507 = arith.constant true
        %select_n3A_508 = arith.select %select_n3A_507, %add3A_506, %scan3A_187 : i32
        %eq3A_509 = arith.constant 79 : i32
        %eq3A_510 = arith.cmpi eq, %select_n3A_508, %eq3A_509 : i32
        %select_n3A_511 = arith.constant 0 : i32
        %select_n3A_512 = arith.select %eq3A_510, %select_n3A_511, %select_n3A_508 : i32
        scf.yield %select_n3A_230, %select_n3A_495, %select_n3A_248, %select_n3A_504, %select_n3A_414, %select_n3A_470, %select_n3A_428, %select_n3A_486, %select_n3A_512 : i32, i32, i32, i32, i32, i32, i32, i32, i32
      }
      %scan3A_107 = arith.constant 79 : i32
      %sub3A = arith.constant 1 : i32
      %sub3A_108 = arith.subi %scan3A_106#8, %sub3A : i32
      %select_n3A_109 = arith.constant true
      %select_n3A_110 = arith.select %select_n3A_109, %sub3A_108, %scan3A_106#8 : i32
      %eq3A_111 = arith.constant -1 : i32
      %eq3A_112 = arith.cmpi eq, %select_n3A_110, %eq3A_111 : i32
      %select_n3A_113 = arith.constant 78 : i32
      %select_n3A_114 = arith.select %eq3A_112, %select_n3A_113, %select_n3A_110 : i32
      %add3A_115 = arith.addi %select_n3A_114, %mul3A_12 : i32
      %sub3A_116 = arith.constant 1 : i32
      %sub3A_117 = arith.subi %select_n3A_114, %sub3A_116 : i32
      %select_n3A_118 = arith.constant true
      %select_n3A_119 = arith.select %select_n3A_118, %sub3A_117, %select_n3A_114 : i32
      %eq3A_120 = arith.constant -1 : i32
      %eq3A_121 = arith.cmpi eq, %select_n3A_119, %eq3A_120 : i32
      %select_n3A_122 = arith.constant 78 : i32
      %select_n3A_123 = arith.select %eq3A_121, %select_n3A_122, %select_n3A_119 : i32
      %add3A_124 = arith.addi %select_n3A_123, %mul3A_12 : i32
      %add3A_125 = arith.constant 1 : i32
      %add3A_126 = arith.addi %select_n3A_114, %add3A_125 : i32
      %select_n3A_127 = arith.constant true
      %select_n3A_128 = arith.select %select_n3A_127, %add3A_126, %select_n3A_114 : i32
      %eq3A_129 = arith.constant 79 : i32
      %eq3A_130 = arith.cmpi eq, %select_n3A_128, %eq3A_129 : i32
      %select_n3A_131 = arith.constant 0 : i32
      %select_n3A_132 = arith.select %eq3A_130, %select_n3A_131, %select_n3A_128 : i32
      %add3A_133 = arith.addi %select_n3A_132, %mul3A_12 : i32
      %add3A_134 = arith.constant 1 : i32
      %add3A_135 = arith.addi %select_n3A_132, %add3A_134 : i32
      %select_n3A_136 = arith.constant true
      %select_n3A_137 = arith.select %select_n3A_136, %add3A_135, %select_n3A_132 : i32
      %eq3A_138 = arith.constant 79 : i32
      %eq3A_139 = arith.cmpi eq, %select_n3A_137, %eq3A_138 : i32
      %select_n3A_140 = arith.constant 0 : i32
      %select_n3A_141 = arith.select %eq3A_139, %select_n3A_140, %select_n3A_137 : i32
      %add3A_142 = arith.addi %select_n3A_141, %mul3A_12 : i32
      "tpu.trace_start"() <{level = 10 : i32, message = "ep_finalize"}> : () -> ()
      %rem3A_143 = arith.constant 2 : i32
      %rem3A_144 = arith.remui %scan3A_106#5, %rem3A_143 : i32
      %mul3A_145 = arith.constant 128 : i32
      %mul3A_146 = arith.muli %mul3A_145, %add3A_115 : i32
      %dma_wait3A = arith.constant 0 : i32
      %dma_wait3A_147 = arith.constant 0 : i32
      %dma_wait3A_148 = tpu.memref_slice %run_scoped3A_16[%rem3A_144, %dma_wait3A, %dma_wait3A_147] : memref<2x128x128xf32, #tpu.memory_space<vmem>> -> memref<1x128x128xf32, #tpu.memory_space<vmem>>
      %dma_wait3A_149 = tpu.memref_squeeze %dma_wait3A_148 : memref<1x128x128xf32, #tpu.memory_space<vmem>> -> memref<128x128xf32, #tpu.memory_space<vmem>>
      %dma_wait3A_150 = arith.constant 0 : i32
      %dma_wait3A_151 = tpu.memref_slice %arg6[%mul3A_146, %dma_wait3A_150] : memref<323584x128xf32, #tpu.memory_space<hbm>> -> memref<128x128xf32, #tpu.memory_space<hbm>>
      %dma_wait3A_152 = tpu.memref_slice %run_scoped3A_17[%rem3A_144] : memref<2x!tpu.dma_semaphore, #tpu.memory_space<semaphore_mem>> -> memref<1x!tpu.dma_semaphore, #tpu.memory_space<semaphore_mem>>
      %dma_wait3A_153 = tpu.memref_squeeze %dma_wait3A_152 : memref<1x!tpu.dma_semaphore, #tpu.memory_space<semaphore_mem>> -> memref<!tpu.dma_semaphore, #tpu.memory_space<semaphore_mem>>
      %dma_wait3A_154 = arith.constant 0 : i32
      %dma_wait3A_155 = tpu.memref_slice %arg6[%mul3A_146, %dma_wait3A_154] : memref<323584x128xf32, #tpu.memory_space<hbm>> -> memref<128x128xf32, #tpu.memory_space<hbm>>
      %dma_wait3A_156 = arith.constant 0 : i32
      %dma_wait3A_157 = arith.constant 0 : i32
      %dma_wait3A_158 = tpu.memref_slice %run_scoped3A_16[%rem3A_144, %dma_wait3A_156, %dma_wait3A_157] : memref<2x128x128xf32, #tpu.memory_space<vmem>> -> memref<1x128x128xf32, #tpu.memory_space<vmem>>
      %dma_wait3A_159 = tpu.memref_squeeze %dma_wait3A_158 : memref<1x128x128xf32, #tpu.memory_space<vmem>> -> memref<128x128xf32, #tpu.memory_space<vmem>>
      tpu.wait_dma2 semaphore(%dma_wait3A_153 : memref<!tpu.dma_semaphore, #tpu.memory_space<semaphore_mem>>) src(%dma_wait3A_159 : memref<128x128xf32, #tpu.memory_space<vmem>>) dst(%dma_wait3A_155 : memref<128x128xf32, #tpu.memory_space<hbm>>)
      %rem3A_160 = arith.constant 2 : i32
      %rem3A_161 = arith.remui %scan3A_106#7, %rem3A_160 : i32
      %mul3A_162 = arith.constant 1 : i32
      %mul3A_163 = arith.muli %mul3A_162, %add3A_115 : i32
      %dma_wait3A_164 = arith.constant 0 : i32
      %dma_wait3A_165 = arith.constant 0 : i32
      %dma_wait3A_166 = tpu.memref_slice %run_scoped3A_18[%rem3A_161, %dma_wait3A_164, %dma_wait3A_165] : memref<2x1x128xf32, #tpu.memory_space<vmem>> -> memref<1x1x128xf32, #tpu.memory_space<vmem>>
      %dma_wait3A_167 = tpu.memref_squeeze %dma_wait3A_166 : memref<1x1x128xf32, #tpu.memory_space<vmem>> -> memref<1x128xf32, #tpu.memory_space<vmem>>
      %dma_wait3A_168 = arith.constant 0 : i32
      %dma_wait3A_169 = tpu.memref_slice %arg7[%mul3A_163, %dma_wait3A_168] : memref<2528x128xf32, #tpu.memory_space<hbm>> -> memref<1x128xf32, #tpu.memory_space<hbm>>
      %dma_wait3A_170 = tpu.memref_slice %run_scoped3A_19[%rem3A_161] : memref<2x!tpu.dma_semaphore, #tpu.memory_space<semaphore_mem>> -> memref<1x!tpu.dma_semaphore, #tpu.memory_space<semaphore_mem>>
      %dma_wait3A_171 = tpu.memref_squeeze %dma_wait3A_170 : memref<1x!tpu.dma_semaphore, #tpu.memory_space<semaphore_mem>> -> memref<!tpu.dma_semaphore, #tpu.memory_space<semaphore_mem>>
      %dma_wait3A_172 = arith.constant 0 : i32
      %dma_wait3A_173 = tpu.memref_slice %arg7[%mul3A_163, %dma_wait3A_172] : memref<2528x128xf32, #tpu.memory_space<hbm>> -> memref<1x128xf32, #tpu.memory_space<hbm>>
      %dma_wait3A_174 = arith.constant 0 : i32
      %dma_wait3A_175 = arith.constant 0 : i32
      %dma_wait3A_176 = tpu.memref_slice %run_scoped3A_18[%rem3A_161, %dma_wait3A_174, %dma_wait3A_175] : memref<2x1x128xf32, #tpu.memory_space<vmem>> -> memref<1x1x128xf32, #tpu.memory_space<vmem>>
      %dma_wait3A_177 = tpu.memref_squeeze %dma_wait3A_176 : memref<1x1x128xf32, #tpu.memory_space<vmem>> -> memref<1x128xf32, #tpu.memory_space<vmem>>
      tpu.wait_dma2 semaphore(%dma_wait3A_171 : memref<!tpu.dma_semaphore, #tpu.memory_space<semaphore_mem>>) src(%dma_wait3A_177 : memref<1x128xf32, #tpu.memory_space<vmem>>) dst(%dma_wait3A_173 : memref<1x128xf32, #tpu.memory_space<hbm>>)
      "tpu.trace_stop"() : () -> ()
      tpu.yield
    }) : () -> ()
    return
  }
}

#map = affine_map<(d0, d1) -> (0, 0)>
#map1 = affine_map<(d0, d1) -> (0)>
#map2 = affine_map<(d0, d1) -> (0, 0, 0)>
module attributes {stable_mosaic.version = 14 : i64} {
  func.func @k(%arg0: i32, %arg1: i32, %arg2: memref<320000x128xf32, #tpu.memory_space<hbm>>, %arg3: memref<4000x80xf32, #tpu.memory_space<hbm>>, %arg4: memref<4000x80xi32, #tpu.memory_space<hbm>>, %arg5: memref<128x128xf32, #tpu.memory_space<hbm>>, %arg6: memref<640xf32, #tpu.memory_space<hbm>>, %arg7: memref<2x10240x128xf32, #tpu.memory_space<hbm>>, %arg8: memref<2x10240xf32, #tpu.memory_space<hbm>>, %arg9: memref<10240x128xf32, #tpu.memory_space<vmem_shared>>, %arg10: memref<10240xf32, #tpu.memory_space<vmem_shared>>) attributes {dimension_semantics = [#tpu.dimension_semantics<core_parallel>, #tpu.dimension_semantics<subcore_parallel>], iteration_bounds = array<i64: 2, 16>, scalar_prefetch = 0 : i64, scratch_operands = 2 : i64, tpu.core_type = #tpu.core_type<sc_vector_subcore>, window_params = [{transform_indices = #map}, {transform_indices = #map}, {transform_indices = #map}, {transform_indices = #map}, {transform_indices = #map1}, {transform_indices = #map2}, {transform_indices = #map}]} {
    %scan3A = arith.constant 0 : i32
    %scan3A_0 = arith.constant 5 : i32
    %scan3A_1 = arith.addi %scan3A, %scan3A_0 : i32
    %scan3A_2 = arith.constant 1 : i32
    scf.for %scan3A_19 = %scan3A to %scan3A_1 step %scan3A_2  : i32 {
      %mul3A_20 = arith.constant 1 : i32
      %mul3A_21 = arith.muli %scan3A_19, %mul3A_20 : i32
      %add3A_22 = arith.constant 0 : i32
      %add3A_23 = arith.addi %add3A_22, %mul3A_21 : i32
      %mul3A_24 = arith.constant 5 : i32
      %mul3A_25 = arith.muli %arg1, %mul3A_24 : i32
      %add3A_26 = arith.addi %mul3A_25, %add3A_23 : i32
      %mul3A_27 = arith.constant 128 : i32
      %mul3A_28 = arith.muli %add3A_26, %mul3A_27 : i32
      "tpu.region"() ({
        %run_scoped3A = tpu.sem_alloc : memref<!tpu.dma_semaphore, #tpu.memory_space<semaphore_mem>>
        %dma_start3A = arith.constant 0 : i32
        %dma_start3A_29 = tpu.memref_slice %arg9[%mul3A_28, %dma_start3A] : memref<10240x128xf32, #tpu.memory_space<vmem_shared>> -> memref<128x128xf32, #tpu.memory_space<vmem_shared>>
        tpu.enqueue_dma source(%arg5 : memref<128x128xf32, #tpu.memory_space<hbm>>) target(%dma_start3A_29 : memref<128x128xf32, #tpu.memory_space<vmem_shared>>) target_semaphore(%run_scoped3A : memref<!tpu.dma_semaphore, #tpu.memory_space<semaphore_mem>>)
        %dma_wait3A = arith.constant 0 : i32
        %dma_wait3A_30 = tpu.memref_slice %arg9[%mul3A_28, %dma_wait3A] : memref<10240x128xf32, #tpu.memory_space<vmem_shared>> -> memref<128x128xf32, #tpu.memory_space<vmem_shared>>
        tpu.wait_dma2 semaphore(%run_scoped3A : memref<!tpu.dma_semaphore, #tpu.memory_space<semaphore_mem>>) src(%arg5 : memref<128x128xf32, #tpu.memory_space<hbm>>) dst(%dma_wait3A_30 : memref<128x128xf32, #tpu.memory_space<vmem_shared>>)
        tpu.yield
      }) : () -> ()
    }
    %scan3A_3 = arith.constant 5 : i32
    %mul3A = arith.constant 640 : i32
    %mul3A_4 = arith.muli %arg1, %mul3A : i32
    "tpu.region"() ({
      %run_scoped3A = tpu.sem_alloc : memref<!tpu.dma_semaphore, #tpu.memory_space<semaphore_mem>>
      %dma_start3A = tpu.memref_slice %arg10[%mul3A_4] : memref<10240xf32, #tpu.memory_space<vmem_shared>> -> memref<640xf32, #tpu.memory_space<vmem_shared>>
      tpu.enqueue_dma source(%arg6 : memref<640xf32, #tpu.memory_space<hbm>>) target(%dma_start3A : memref<640xf32, #tpu.memory_space<vmem_shared>>) target_semaphore(%run_scoped3A : memref<!tpu.dma_semaphore, #tpu.memory_space<semaphore_mem>>)
      %dma_wait3A = tpu.memref_slice %arg10[%mul3A_4] : memref<10240xf32, #tpu.memory_space<vmem_shared>> -> memref<640xf32, #tpu.memory_space<vmem_shared>>
      tpu.wait_dma2 semaphore(%run_scoped3A : memref<!tpu.dma_semaphore, #tpu.memory_space<semaphore_mem>>) src(%arg6 : memref<640xf32, #tpu.memory_space<hbm>>) dst(%dma_wait3A : memref<640xf32, #tpu.memory_space<vmem_shared>>)
      tpu.yield
    }) : () -> ()
    %barrier3A = arith.constant 0 : index
    tpu.barrier barrier_id(%barrier3A)
    %mul3A_5 = arith.constant 1 : i32
    %mul3A_6 = arith.muli %arg1, %mul3A_5 : i32
    %add3A = arith.constant 0 : i32
    %add3A_7 = arith.addi %add3A, %mul3A_6 : i32
    %mul3A_8 = arith.constant 16 : i32
    %mul3A_9 = arith.muli %arg0, %mul3A_8 : i32
    %add3A_10 = arith.addi %add3A_7, %mul3A_9 : i32
    %mul3A_11 = arith.constant 125 : i32
    %mul3A_12 = arith.muli %add3A_10, %mul3A_11 : i32
    "tpu.region"() ({
      %run_scoped3A = memref.alloca() : memref<2x80x128xf32, #tpu.memory_space<vmem>>
      %run_scoped3A_19 = tpu.sem_alloc : memref<2x!tpu.dma_semaphore, #tpu.memory_space<semaphore_mem>>
      %run_scoped3A_20 = memref.alloca() : memref<2x1x80xf32, #tpu.memory_space<vmem>>
      %run_scoped3A_21 = tpu.sem_alloc : memref<2x!tpu.dma_semaphore, #tpu.memory_space<semaphore_mem>>
      %run_scoped3A_22 = memref.alloca() : memref<2x1x80xi32, #tpu.memory_space<vmem>>
      %run_scoped3A_23 = tpu.sem_alloc : memref<2x!tpu.dma_semaphore, #tpu.memory_space<semaphore_mem>>
      %add3A_24 = arith.constant 0 : i32
      %add3A_25 = arith.addi %add3A_24, %mul3A_12 : i32
      %select_n3A = arith.constant true
      %select_n3A_26 = arith.constant 0 : i32
      %select_n3A_27 = arith.constant -1 : i32
      %select_n3A_28 = arith.select %select_n3A, %select_n3A_27, %select_n3A_26 : i32
      %eq3A = arith.constant -1 : i32
      %eq3A_29 = arith.cmpi eq, %select_n3A_28, %eq3A : i32
      %select_n3A_30 = arith.constant 124 : i32
      %select_n3A_31 = arith.select %eq3A_29, %select_n3A_30, %select_n3A_28 : i32
      %add3A_32 = arith.addi %select_n3A_31, %mul3A_12 : i32
      %select_n3A_33 = arith.constant true
      %select_n3A_34 = arith.constant 0 : i32
      %select_n3A_35 = arith.constant 1 : i32
      %select_n3A_36 = arith.select %select_n3A_33, %select_n3A_35, %select_n3A_34 : i32
      %eq3A_37 = arith.constant 125 : i32
      %eq3A_38 = arith.cmpi eq, %select_n3A_36, %eq3A_37 : i32
      %select_n3A_39 = arith.constant 0 : i32
      %select_n3A_40 = arith.select %eq3A_38, %select_n3A_39, %select_n3A_36 : i32
      %add3A_41 = arith.addi %select_n3A_40, %mul3A_12 : i32
      %add3A_42 = arith.constant 1 : i32
      %add3A_43 = arith.addi %select_n3A_40, %add3A_42 : i32
      %select_n3A_44 = arith.constant true
      %select_n3A_45 = arith.select %select_n3A_44, %add3A_43, %select_n3A_40 : i32
      %eq3A_46 = arith.constant 125 : i32
      %eq3A_47 = arith.cmpi eq, %select_n3A_45, %eq3A_46 : i32
      %select_n3A_48 = arith.constant 0 : i32
      %select_n3A_49 = arith.select %eq3A_47, %select_n3A_48, %select_n3A_45 : i32
      %add3A_50 = arith.addi %select_n3A_49, %mul3A_12 : i32
      "tpu.trace_start"() <{level = 10 : i32, message = "ep_initialize_0"}> : () -> ()
      %rem3A = arith.constant 0 : i32
      %rem3A_51 = arith.constant 2 : i32
      %rem3A_52 = arith.remui %rem3A, %rem3A_51 : i32
      %mul3A_53 = arith.constant 80 : i32
      %mul3A_54 = arith.muli %mul3A_53, %add3A_25 : i32
      %dma_start3A = arith.constant 0 : i32
      %dma_start3A_55 = arith.constant 0 : i32
      %dma_start3A_56 = tpu.memref_slice %run_scoped3A[%rem3A_52, %dma_start3A, %dma_start3A_55] : memref<2x80x128xf32, #tpu.memory_space<vmem>> -> memref<1x80x128xf32, #tpu.memory_space<vmem>>
      %dma_start3A_57 = tpu.memref_squeeze %dma_start3A_56 : memref<1x80x128xf32, #tpu.memory_space<vmem>> -> memref<80x128xf32, #tpu.memory_space<vmem>>
      %dma_start3A_58 = arith.constant 0 : i32
      %dma_start3A_59 = tpu.memref_slice %arg2[%mul3A_54, %dma_start3A_58] : memref<320000x128xf32, #tpu.memory_space<hbm>> -> memref<80x128xf32, #tpu.memory_space<hbm>>
      %dma_start3A_60 = tpu.memref_slice %run_scoped3A_19[%rem3A_52] : memref<2x!tpu.dma_semaphore, #tpu.memory_space<semaphore_mem>> -> memref<1x!tpu.dma_semaphore, #tpu.memory_space<semaphore_mem>>
      %dma_start3A_61 = tpu.memref_squeeze %dma_start3A_60 : memref<1x!tpu.dma_semaphore, #tpu.memory_space<semaphore_mem>> -> memref<!tpu.dma_semaphore, #tpu.memory_space<semaphore_mem>>
      %dma_start3A_62 = arith.constant 0 : i32
      %dma_start3A_63 = arith.constant 0 : i32
      %dma_start3A_64 = tpu.memref_slice %run_scoped3A[%rem3A_52, %dma_start3A_62, %dma_start3A_63] : memref<2x80x128xf32, #tpu.memory_space<vmem>> -> memref<1x80x128xf32, #tpu.memory_space<vmem>>
      %dma_start3A_65 = tpu.memref_squeeze %dma_start3A_64 : memref<1x80x128xf32, #tpu.memory_space<vmem>> -> memref<80x128xf32, #tpu.memory_space<vmem>>
      %dma_start3A_66 = arith.constant 0 : i32
      %dma_start3A_67 = tpu.memref_slice %arg2[%mul3A_54, %dma_start3A_66] : memref<320000x128xf32, #tpu.memory_space<hbm>> -> memref<80x128xf32, #tpu.memory_space<hbm>>
      tpu.enqueue_dma source(%dma_start3A_67 : memref<80x128xf32, #tpu.memory_space<hbm>>) target(%dma_start3A_65 : memref<80x128xf32, #tpu.memory_space<vmem>>) target_semaphore(%dma_start3A_61 : memref<!tpu.dma_semaphore, #tpu.memory_space<semaphore_mem>>)
      %add3A_68 = arith.constant 0 : i32
      %add3A_69 = arith.constant 1 : i32
      %add3A_70 = arith.addi %add3A_68, %add3A_69 : i32
      %select_n3A_71 = arith.constant true
      %select_n3A_72 = arith.constant 0 : i32
      %select_n3A_73 = arith.select %select_n3A_71, %add3A_70, %select_n3A_72 : i32
      %rem3A_74 = arith.constant 0 : i32
      %rem3A_75 = arith.constant 2 : i32
      %rem3A_76 = arith.remui %rem3A_74, %rem3A_75 : i32
      %mul3A_77 = arith.constant 1 : i32
      %mul3A_78 = arith.muli %mul3A_77, %add3A_25 : i32
      %dma_start3A_79 = arith.constant 0 : i32
      %dma_start3A_80 = arith.constant 0 : i32
      %dma_start3A_81 = tpu.memref_slice %run_scoped3A_20[%rem3A_76, %dma_start3A_79, %dma_start3A_80] : memref<2x1x80xf32, #tpu.memory_space<vmem>> -> memref<1x1x80xf32, #tpu.memory_space<vmem>>
      %dma_start3A_82 = tpu.memref_squeeze %dma_start3A_81 : memref<1x1x80xf32, #tpu.memory_space<vmem>> -> memref<1x80xf32, #tpu.memory_space<vmem>>
      %dma_start3A_83 = arith.constant 0 : i32
      %dma_start3A_84 = tpu.memref_slice %arg3[%mul3A_78, %dma_start3A_83] : memref<4000x80xf32, #tpu.memory_space<hbm>> -> memref<1x80xf32, #tpu.memory_space<hbm>>
      %dma_start3A_85 = tpu.memref_slice %run_scoped3A_21[%rem3A_76] : memref<2x!tpu.dma_semaphore, #tpu.memory_space<semaphore_mem>> -> memref<1x!tpu.dma_semaphore, #tpu.memory_space<semaphore_mem>>
      %dma_start3A_86 = tpu.memref_squeeze %dma_start3A_85 : memref<1x!tpu.dma_semaphore, #tpu.memory_space<semaphore_mem>> -> memref<!tpu.dma_semaphore, #tpu.memory_space<semaphore_mem>>
      %dma_start3A_87 = arith.constant 0 : i32
      %dma_start3A_88 = arith.constant 0 : i32
      %dma_start3A_89 = tpu.memref_slice %run_scoped3A_20[%rem3A_76, %dma_start3A_87, %dma_start3A_88] : memref<2x1x80xf32, #tpu.memory_space<vmem>> -> memref<1x1x80xf32, #tpu.memory_space<vmem>>
      %dma_start3A_90 = tpu.memref_squeeze %dma_start3A_89 : memref<1x1x80xf32, #tpu.memory_space<vmem>> -> memref<1x80xf32, #tpu.memory_space<vmem>>
      %dma_start3A_91 = arith.constant 0 : i32
      %dma_start3A_92 = tpu.memref_slice %arg3[%mul3A_78, %dma_start3A_91] : memref<4000x80xf32, #tpu.memory_space<hbm>> -> memref<1x80xf32, #tpu.memory_space<hbm>>
      tpu.enqueue_dma source(%dma_start3A_92 : memref<1x80xf32, #tpu.memory_space<hbm>>) target(%dma_start3A_90 : memref<1x80xf32, #tpu.memory_space<vmem>>) target_semaphore(%dma_start3A_86 : memref<!tpu.dma_semaphore, #tpu.memory_space<semaphore_mem>>)
      %add3A_93 = arith.constant 0 : i32
      %add3A_94 = arith.constant 1 : i32
      %add3A_95 = arith.addi %add3A_93, %add3A_94 : i32
      %select_n3A_96 = arith.constant true
      %select_n3A_97 = arith.constant 0 : i32
      %select_n3A_98 = arith.select %select_n3A_96, %add3A_95, %select_n3A_97 : i32
      %rem3A_99 = arith.constant 0 : i32
      %rem3A_100 = arith.constant 2 : i32
      %rem3A_101 = arith.remui %rem3A_99, %rem3A_100 : i32
      %mul3A_102 = arith.constant 1 : i32
      %mul3A_103 = arith.muli %mul3A_102, %add3A_25 : i32
      %dma_start3A_104 = arith.constant 0 : i32
      %dma_start3A_105 = arith.constant 0 : i32
      %dma_start3A_106 = tpu.memref_slice %run_scoped3A_22[%rem3A_101, %dma_start3A_104, %dma_start3A_105] : memref<2x1x80xi32, #tpu.memory_space<vmem>> -> memref<1x1x80xi32, #tpu.memory_space<vmem>>
      %dma_start3A_107 = tpu.memref_squeeze %dma_start3A_106 : memref<1x1x80xi32, #tpu.memory_space<vmem>> -> memref<1x80xi32, #tpu.memory_space<vmem>>
      %dma_start3A_108 = arith.constant 0 : i32
      %dma_start3A_109 = tpu.memref_slice %arg4[%mul3A_103, %dma_start3A_108] : memref<4000x80xi32, #tpu.memory_space<hbm>> -> memref<1x80xi32, #tpu.memory_space<hbm>>
      %dma_start3A_110 = tpu.memref_slice %run_scoped3A_23[%rem3A_101] : memref<2x!tpu.dma_semaphore, #tpu.memory_space<semaphore_mem>> -> memref<1x!tpu.dma_semaphore, #tpu.memory_space<semaphore_mem>>
      %dma_start3A_111 = tpu.memref_squeeze %dma_start3A_110 : memref<1x!tpu.dma_semaphore, #tpu.memory_space<semaphore_mem>> -> memref<!tpu.dma_semaphore, #tpu.memory_space<semaphore_mem>>
      %dma_start3A_112 = arith.constant 0 : i32
      %dma_start3A_113 = arith.constant 0 : i32
      %dma_start3A_114 = tpu.memref_slice %run_scoped3A_22[%rem3A_101, %dma_start3A_112, %dma_start3A_113] : memref<2x1x80xi32, #tpu.memory_space<vmem>> -> memref<1x1x80xi32, #tpu.memory_space<vmem>>
      %dma_start3A_115 = tpu.memref_squeeze %dma_start3A_114 : memref<1x1x80xi32, #tpu.memory_space<vmem>> -> memref<1x80xi32, #tpu.memory_space<vmem>>
      %dma_start3A_116 = arith.constant 0 : i32
      %dma_start3A_117 = tpu.memref_slice %arg4[%mul3A_103, %dma_start3A_116] : memref<4000x80xi32, #tpu.memory_space<hbm>> -> memref<1x80xi32, #tpu.memory_space<hbm>>
      tpu.enqueue_dma source(%dma_start3A_117 : memref<1x80xi32, #tpu.memory_space<hbm>>) target(%dma_start3A_115 : memref<1x80xi32, #tpu.memory_space<vmem>>) target_semaphore(%dma_start3A_111 : memref<!tpu.dma_semaphore, #tpu.memory_space<semaphore_mem>>)
      %add3A_118 = arith.constant 0 : i32
      %add3A_119 = arith.constant 1 : i32
      %add3A_120 = arith.addi %add3A_118, %add3A_119 : i32
      %select_n3A_121 = arith.constant true
      %select_n3A_122 = arith.constant 0 : i32
      %select_n3A_123 = arith.select %select_n3A_121, %add3A_120, %select_n3A_122 : i32
      "tpu.trace_stop"() : () -> ()
      %scan3A_124 = arith.constant 0 : i32
      %scan3A_125 = arith.constant 0 : i32
      %scan3A_126 = arith.constant 0 : i32
      %scan3A_127 = arith.constant 0 : i32
      %scan3A_128 = arith.constant 0 : i32
      %scan3A_129 = arith.constant 125 : i32
      %scan3A_130 = arith.addi %scan3A_128, %scan3A_129 : i32
      %scan3A_131 = arith.constant 1 : i32
      %scan3A_132:7 = scf.for %scan3A_169 = %scan3A_128 to %scan3A_130 step %scan3A_131 iter_args(%scan3A_170 = %select_n3A_73, %scan3A_171 = %scan3A_124, %scan3A_172 = %select_n3A_98, %scan3A_173 = %scan3A_125, %scan3A_174 = %select_n3A_123, %scan3A_175 = %scan3A_126, %scan3A_176 = %scan3A_127) -> (i32, i32, i32, i32, i32, i32, i32)  : i32 {
        %eq3A_177 = arith.constant 0 : i32
        %eq3A_178 = arith.cmpi eq, %scan3A_169, %eq3A_177 : i32
        %eq3A_179 = arith.constant 124 : i32
        %eq3A_180 = arith.cmpi eq, %scan3A_169, %eq3A_179 : i32
        %add3A_181 = arith.addi %scan3A_176, %mul3A_12 : i32
        %sub3A_182 = arith.constant 1 : i32
        %sub3A_183 = arith.subi %scan3A_176, %sub3A_182 : i32
        %select_n3A_184 = arith.constant true
        %select_n3A_185 = arith.select %select_n3A_184, %sub3A_183, %scan3A_176 : i32
        %eq3A_186 = arith.constant -1 : i32
        %eq3A_187 = arith.cmpi eq, %select_n3A_185, %eq3A_186 : i32
        %select_n3A_188 = arith.constant 124 : i32
        %select_n3A_189 = arith.select %eq3A_187, %select_n3A_188, %select_n3A_185 : i32
        %add3A_190 = arith.addi %select_n3A_189, %mul3A_12 : i32
        %add3A_191 = arith.constant 1 : i32
        %add3A_192 = arith.addi %scan3A_176, %add3A_191 : i32
        %select_n3A_193 = arith.constant true
        %select_n3A_194 = arith.select %select_n3A_193, %add3A_192, %scan3A_176 : i32
        %eq3A_195 = arith.constant 125 : i32
        %eq3A_196 = arith.cmpi eq, %select_n3A_194, %eq3A_195 : i32
        %select_n3A_197 = arith.constant 0 : i32
        %select_n3A_198 = arith.select %eq3A_196, %select_n3A_197, %select_n3A_194 : i32
        %add3A_199 = arith.addi %select_n3A_198, %mul3A_12 : i32
        %add3A_200 = arith.constant 1 : i32
        %add3A_201 = arith.addi %select_n3A_198, %add3A_200 : i32
        %select_n3A_202 = arith.constant true
        %select_n3A_203 = arith.select %select_n3A_202, %add3A_201, %select_n3A_198 : i32
        %eq3A_204 = arith.constant 125 : i32
        %eq3A_205 = arith.cmpi eq, %select_n3A_203, %eq3A_204 : i32
        %select_n3A_206 = arith.constant 0 : i32
        %select_n3A_207 = arith.select %eq3A_205, %select_n3A_206, %select_n3A_203 : i32
        %add3A_208 = arith.addi %select_n3A_207, %mul3A_12 : i32
        %ne3A = arith.cmpi ne, %add3A_181, %add3A_199 : i32
        %or3A = arith.constant false
        %or3A_209 = arith.ori %or3A, %ne3A : i1
        %or3A_210 = arith.constant false
        %or3A_211 = arith.ori %or3A_209, %or3A_210 : i1
        %ge3A = arith.constant 124 : i32
        %ge3A_212 = arith.cmpi sge, %scan3A_169, %ge3A : i32
        %not3A = arith.constant true
        %not3A_213 = arith.xori %ge3A_212, %not3A : i1
        %and3A = arith.andi %or3A_211, %not3A_213 : i1
        %convert_element_type3A = arith.extui %and3A : i1 to i32
        %cond3A = arith.constant 0 : i32
        %cond3A_214 = arith.cmpi ne, %convert_element_type3A, %cond3A : i32
        scf.if %cond3A_214 {
          "tpu.trace_start"() <{level = 10 : i32, message = "ep_copy_in"}> : () -> ()
          %rem3A_399 = arith.constant 2 : i32
          %rem3A_400 = arith.remui %scan3A_170, %rem3A_399 : i32
          %mul3A_401 = arith.constant 80 : i32
          %mul3A_402 = arith.muli %mul3A_401, %add3A_199 : i32
          %dma_start3A_403 = arith.constant 0 : i32
          %dma_start3A_404 = arith.constant 0 : i32
          %dma_start3A_405 = tpu.memref_slice %run_scoped3A[%rem3A_400, %dma_start3A_403, %dma_start3A_404] : memref<2x80x128xf32, #tpu.memory_space<vmem>> -> memref<1x80x128xf32, #tpu.memory_space<vmem>>
          %dma_start3A_406 = tpu.memref_squeeze %dma_start3A_405 : memref<1x80x128xf32, #tpu.memory_space<vmem>> -> memref<80x128xf32, #tpu.memory_space<vmem>>
          %dma_start3A_407 = arith.constant 0 : i32
          %dma_start3A_408 = tpu.memref_slice %arg2[%mul3A_402, %dma_start3A_407] : memref<320000x128xf32, #tpu.memory_space<hbm>> -> memref<80x128xf32, #tpu.memory_space<hbm>>
          %dma_start3A_409 = tpu.memref_slice %run_scoped3A_19[%rem3A_400] : memref<2x!tpu.dma_semaphore, #tpu.memory_space<semaphore_mem>> -> memref<1x!tpu.dma_semaphore, #tpu.memory_space<semaphore_mem>>
          %dma_start3A_410 = tpu.memref_squeeze %dma_start3A_409 : memref<1x!tpu.dma_semaphore, #tpu.memory_space<semaphore_mem>> -> memref<!tpu.dma_semaphore, #tpu.memory_space<semaphore_mem>>
          %dma_start3A_411 = arith.constant 0 : i32
          %dma_start3A_412 = arith.constant 0 : i32
          %dma_start3A_413 = tpu.memref_slice %run_scoped3A[%rem3A_400, %dma_start3A_411, %dma_start3A_412] : memref<2x80x128xf32, #tpu.memory_space<vmem>> -> memref<1x80x128xf32, #tpu.memory_space<vmem>>
          %dma_start3A_414 = tpu.memref_squeeze %dma_start3A_413 : memref<1x80x128xf32, #tpu.memory_space<vmem>> -> memref<80x128xf32, #tpu.memory_space<vmem>>
          %dma_start3A_415 = arith.constant 0 : i32
          %dma_start3A_416 = tpu.memref_slice %arg2[%mul3A_402, %dma_start3A_415] : memref<320000x128xf32, #tpu.memory_space<hbm>> -> memref<80x128xf32, #tpu.memory_space<hbm>>
          tpu.enqueue_dma source(%dma_start3A_416 : memref<80x128xf32, #tpu.memory_space<hbm>>) target(%dma_start3A_414 : memref<80x128xf32, #tpu.memory_space<vmem>>) target_semaphore(%dma_start3A_410 : memref<!tpu.dma_semaphore, #tpu.memory_space<semaphore_mem>>)
          "tpu.trace_stop"() : () -> ()
        } else {
        }
        %and3A_215 = arith.constant true
        %and3A_216 = arith.andi %and3A, %and3A_215 : i1
        %add3A_217 = arith.constant 1 : i32
        %add3A_218 = arith.addi %scan3A_170, %add3A_217 : i32
        %select_n3A_219 = arith.select %and3A_216, %add3A_218, %scan3A_170 : i32
        %ne3A_220 = arith.cmpi ne, %add3A_181, %add3A_199 : i32
        %or3A_221 = arith.constant false
        %or3A_222 = arith.ori %or3A_221, %ne3A_220 : i1
        %or3A_223 = arith.constant false
        %or3A_224 = arith.ori %or3A_222, %or3A_223 : i1
        %ge3A_225 = arith.constant 124 : i32
        %ge3A_226 = arith.cmpi sge, %scan3A_169, %ge3A_225 : i32
        %not3A_227 = arith.constant true
        %not3A_228 = arith.xori %ge3A_226, %not3A_227 : i1
        %and3A_229 = arith.andi %or3A_224, %not3A_228 : i1
        %convert_element_type3A_230 = arith.extui %and3A_229 : i1 to i32
        %cond3A_231 = arith.constant 0 : i32
        %cond3A_232 = arith.cmpi ne, %convert_element_type3A_230, %cond3A_231 : i32
        scf.if %cond3A_232 {
          "tpu.trace_start"() <{level = 10 : i32, message = "ep_copy_in"}> : () -> ()
          %rem3A_399 = arith.constant 2 : i32
          %rem3A_400 = arith.remui %scan3A_172, %rem3A_399 : i32
          %mul3A_401 = arith.constant 1 : i32
          %mul3A_402 = arith.muli %mul3A_401, %add3A_199 : i32
          %dma_start3A_403 = arith.constant 0 : i32
          %dma_start3A_404 = arith.constant 0 : i32
          %dma_start3A_405 = tpu.memref_slice %run_scoped3A_20[%rem3A_400, %dma_start3A_403, %dma_start3A_404] : memref<2x1x80xf32, #tpu.memory_space<vmem>> -> memref<1x1x80xf32, #tpu.memory_space<vmem>>
          %dma_start3A_406 = tpu.memref_squeeze %dma_start3A_405 : memref<1x1x80xf32, #tpu.memory_space<vmem>> -> memref<1x80xf32, #tpu.memory_space<vmem>>
          %dma_start3A_407 = arith.constant 0 : i32
          %dma_start3A_408 = tpu.memref_slice %arg3[%mul3A_402, %dma_start3A_407] : memref<4000x80xf32, #tpu.memory_space<hbm>> -> memref<1x80xf32, #tpu.memory_space<hbm>>
          %dma_start3A_409 = tpu.memref_slice %run_scoped3A_21[%rem3A_400] : memref<2x!tpu.dma_semaphore, #tpu.memory_space<semaphore_mem>> -> memref<1x!tpu.dma_semaphore, #tpu.memory_space<semaphore_mem>>
          %dma_start3A_410 = tpu.memref_squeeze %dma_start3A_409 : memref<1x!tpu.dma_semaphore, #tpu.memory_space<semaphore_mem>> -> memref<!tpu.dma_semaphore, #tpu.memory_space<semaphore_mem>>
          %dma_start3A_411 = arith.constant 0 : i32
          %dma_start3A_412 = arith.constant 0 : i32
          %dma_start3A_413 = tpu.memref_slice %run_scoped3A_20[%rem3A_400, %dma_start3A_411, %dma_start3A_412] : memref<2x1x80xf32, #tpu.memory_space<vmem>> -> memref<1x1x80xf32, #tpu.memory_space<vmem>>
          %dma_start3A_414 = tpu.memref_squeeze %dma_start3A_413 : memref<1x1x80xf32, #tpu.memory_space<vmem>> -> memref<1x80xf32, #tpu.memory_space<vmem>>
          %dma_start3A_415 = arith.constant 0 : i32
          %dma_start3A_416 = tpu.memref_slice %arg3[%mul3A_402, %dma_start3A_415] : memref<4000x80xf32, #tpu.memory_space<hbm>> -> memref<1x80xf32, #tpu.memory_space<hbm>>
          tpu.enqueue_dma source(%dma_start3A_416 : memref<1x80xf32, #tpu.memory_space<hbm>>) target(%dma_start3A_414 : memref<1x80xf32, #tpu.memory_space<vmem>>) target_semaphore(%dma_start3A_410 : memref<!tpu.dma_semaphore, #tpu.memory_space<semaphore_mem>>)
          "tpu.trace_stop"() : () -> ()
        } else {
        }
        %and3A_233 = arith.constant true
        %and3A_234 = arith.andi %and3A_229, %and3A_233 : i1
        %add3A_235 = arith.constant 1 : i32
        %add3A_236 = arith.addi %scan3A_172, %add3A_235 : i32
        %select_n3A_237 = arith.select %and3A_234, %add3A_236, %scan3A_172 : i32
        %ne3A_238 = arith.cmpi ne, %add3A_181, %add3A_199 : i32
        %or3A_239 = arith.constant false
        %or3A_240 = arith.ori %or3A_239, %ne3A_238 : i1
        %or3A_241 = arith.constant false
        %or3A_242 = arith.ori %or3A_240, %or3A_241 : i1
        %ge3A_243 = arith.constant 124 : i32
        %ge3A_244 = arith.cmpi sge, %scan3A_169, %ge3A_243 : i32
        %not3A_245 = arith.constant true
        %not3A_246 = arith.xori %ge3A_244, %not3A_245 : i1
        %and3A_247 = arith.andi %or3A_242, %not3A_246 : i1
        %convert_element_type3A_248 = arith.extui %and3A_247 : i1 to i32
        %cond3A_249 = arith.constant 0 : i32
        %cond3A_250 = arith.cmpi ne, %convert_element_type3A_248, %cond3A_249 : i32
        scf.if %cond3A_250 {
          "tpu.trace_start"() <{level = 10 : i32, message = "ep_copy_in"}> : () -> ()
          %rem3A_399 = arith.constant 2 : i32
          %rem3A_400 = arith.remui %scan3A_174, %rem3A_399 : i32
          %mul3A_401 = arith.constant 1 : i32
          %mul3A_402 = arith.muli %mul3A_401, %add3A_199 : i32
          %dma_start3A_403 = arith.constant 0 : i32
          %dma_start3A_404 = arith.constant 0 : i32
          %dma_start3A_405 = tpu.memref_slice %run_scoped3A_22[%rem3A_400, %dma_start3A_403, %dma_start3A_404] : memref<2x1x80xi32, #tpu.memory_space<vmem>> -> memref<1x1x80xi32, #tpu.memory_space<vmem>>
          %dma_start3A_406 = tpu.memref_squeeze %dma_start3A_405 : memref<1x1x80xi32, #tpu.memory_space<vmem>> -> memref<1x80xi32, #tpu.memory_space<vmem>>
          %dma_start3A_407 = arith.constant 0 : i32
          %dma_start3A_408 = tpu.memref_slice %arg4[%mul3A_402, %dma_start3A_407] : memref<4000x80xi32, #tpu.memory_space<hbm>> -> memref<1x80xi32, #tpu.memory_space<hbm>>
          %dma_start3A_409 = tpu.memref_slice %run_scoped3A_23[%rem3A_400] : memref<2x!tpu.dma_semaphore, #tpu.memory_space<semaphore_mem>> -> memref<1x!tpu.dma_semaphore, #tpu.memory_space<semaphore_mem>>
          %dma_start3A_410 = tpu.memref_squeeze %dma_start3A_409 : memref<1x!tpu.dma_semaphore, #tpu.memory_space<semaphore_mem>> -> memref<!tpu.dma_semaphore, #tpu.memory_space<semaphore_mem>>
          %dma_start3A_411 = arith.constant 0 : i32
          %dma_start3A_412 = arith.constant 0 : i32
          %dma_start3A_413 = tpu.memref_slice %run_scoped3A_22[%rem3A_400, %dma_start3A_411, %dma_start3A_412] : memref<2x1x80xi32, #tpu.memory_space<vmem>> -> memref<1x1x80xi32, #tpu.memory_space<vmem>>
          %dma_start3A_414 = tpu.memref_squeeze %dma_start3A_413 : memref<1x1x80xi32, #tpu.memory_space<vmem>> -> memref<1x80xi32, #tpu.memory_space<vmem>>
          %dma_start3A_415 = arith.constant 0 : i32
          %dma_start3A_416 = tpu.memref_slice %arg4[%mul3A_402, %dma_start3A_415] : memref<4000x80xi32, #tpu.memory_space<hbm>> -> memref<1x80xi32, #tpu.memory_space<hbm>>
          tpu.enqueue_dma source(%dma_start3A_416 : memref<1x80xi32, #tpu.memory_space<hbm>>) target(%dma_start3A_414 : memref<1x80xi32, #tpu.memory_space<vmem>>) target_semaphore(%dma_start3A_410 : memref<!tpu.dma_semaphore, #tpu.memory_space<semaphore_mem>>)
          "tpu.trace_stop"() : () -> ()
        } else {
        }
        %and3A_251 = arith.constant true
        %and3A_252 = arith.andi %and3A_247, %and3A_251 : i1
        %add3A_253 = arith.constant 1 : i32
        %add3A_254 = arith.addi %scan3A_174, %add3A_253 : i32
        %select_n3A_255 = arith.select %and3A_252, %add3A_254, %scan3A_174 : i32
        %ne3A_256 = arith.cmpi ne, %add3A_181, %add3A_190 : i32
        %or3A_257 = arith.constant false
        %or3A_258 = arith.ori %or3A_257, %ne3A_256 : i1
        %or3A_259 = arith.constant false
        %or3A_260 = arith.ori %or3A_258, %or3A_259 : i1
        %or3A_261 = arith.ori %or3A_260, %eq3A_178 : i1
        %convert_element_type3A_262 = arith.extui %or3A_261 : i1 to i32
        %cond3A_263 = arith.constant 0 : i32
        %cond3A_264 = arith.cmpi ne, %convert_element_type3A_262, %cond3A_263 : i32
        scf.if %cond3A_264 {
          "tpu.trace_start"() <{level = 10 : i32, message = "ep_wait_in"}> : () -> ()
          %mul3A_399 = arith.constant 80 : i32
          %mul3A_400 = arith.muli %mul3A_399, %add3A_181 : i32
          %rem3A_401 = arith.constant 2 : i32
          %rem3A_402 = arith.remui %scan3A_171, %rem3A_401 : i32
          %dma_wait3A = arith.constant 0 : i32
          %dma_wait3A_403 = arith.constant 0 : i32
          %dma_wait3A_404 = tpu.memref_slice %run_scoped3A[%rem3A_402, %dma_wait3A, %dma_wait3A_403] : memref<2x80x128xf32, #tpu.memory_space<vmem>> -> memref<1x80x128xf32, #tpu.memory_space<vmem>>
          %dma_wait3A_405 = tpu.memref_squeeze %dma_wait3A_404 : memref<1x80x128xf32, #tpu.memory_space<vmem>> -> memref<80x128xf32, #tpu.memory_space<vmem>>
          %dma_wait3A_406 = arith.constant 0 : i32
          %dma_wait3A_407 = tpu.memref_slice %arg2[%mul3A_400, %dma_wait3A_406] : memref<320000x128xf32, #tpu.memory_space<hbm>> -> memref<80x128xf32, #tpu.memory_space<hbm>>
          %dma_wait3A_408 = tpu.memref_slice %run_scoped3A_19[%rem3A_402] : memref<2x!tpu.dma_semaphore, #tpu.memory_space<semaphore_mem>> -> memref<1x!tpu.dma_semaphore, #tpu.memory_space<semaphore_mem>>
          %dma_wait3A_409 = tpu.memref_squeeze %dma_wait3A_408 : memref<1x!tpu.dma_semaphore, #tpu.memory_space<semaphore_mem>> -> memref<!tpu.dma_semaphore, #tpu.memory_space<semaphore_mem>>
          %dma_wait3A_410 = arith.constant 0 : i32
          %dma_wait3A_411 = arith.constant 0 : i32
          %dma_wait3A_412 = tpu.memref_slice %run_scoped3A[%rem3A_402, %dma_wait3A_410, %dma_wait3A_411] : memref<2x80x128xf32, #tpu.memory_space<vmem>> -> memref<1x80x128xf32, #tpu.memory_space<vmem>>
          %dma_wait3A_413 = tpu.memref_squeeze %dma_wait3A_412 : memref<1x80x128xf32, #tpu.memory_space<vmem>> -> memref<80x128xf32, #tpu.memory_space<vmem>>
          %dma_wait3A_414 = arith.constant 0 : i32
          %dma_wait3A_415 = tpu.memref_slice %arg2[%mul3A_400, %dma_wait3A_414] : memref<320000x128xf32, #tpu.memory_space<hbm>> -> memref<80x128xf32, #tpu.memory_space<hbm>>
          tpu.wait_dma2 semaphore(%dma_wait3A_409 : memref<!tpu.dma_semaphore, #tpu.memory_space<semaphore_mem>>) src(%dma_wait3A_415 : memref<80x128xf32, #tpu.memory_space<hbm>>) dst(%dma_wait3A_413 : memref<80x128xf32, #tpu.memory_space<vmem>>)
          "tpu.trace_stop"() : () -> ()
        } else {
        }
        %ne3A_265 = arith.cmpi ne, %add3A_181, %add3A_190 : i32
        %or3A_266 = arith.constant false
        %or3A_267 = arith.ori %or3A_266, %ne3A_265 : i1
        %or3A_268 = arith.constant false
        %or3A_269 = arith.ori %or3A_267, %or3A_268 : i1
        %or3A_270 = arith.ori %or3A_269, %eq3A_178 : i1
        %convert_element_type3A_271 = arith.extui %or3A_270 : i1 to i32
        %cond3A_272 = arith.constant 0 : i32
        %cond3A_273 = arith.cmpi ne, %convert_element_type3A_271, %cond3A_272 : i32
        scf.if %cond3A_273 {
          "tpu.trace_start"() <{level = 10 : i32, message = "ep_wait_in"}> : () -> ()
          %mul3A_399 = arith.constant 1 : i32
          %mul3A_400 = arith.muli %mul3A_399, %add3A_181 : i32
          %rem3A_401 = arith.constant 2 : i32
          %rem3A_402 = arith.remui %scan3A_173, %rem3A_401 : i32
          %dma_wait3A = arith.constant 0 : i32
          %dma_wait3A_403 = arith.constant 0 : i32
          %dma_wait3A_404 = tpu.memref_slice %run_scoped3A_20[%rem3A_402, %dma_wait3A, %dma_wait3A_403] : memref<2x1x80xf32, #tpu.memory_space<vmem>> -> memref<1x1x80xf32, #tpu.memory_space<vmem>>
          %dma_wait3A_405 = tpu.memref_squeeze %dma_wait3A_404 : memref<1x1x80xf32, #tpu.memory_space<vmem>> -> memref<1x80xf32, #tpu.memory_space<vmem>>
          %dma_wait3A_406 = arith.constant 0 : i32
          %dma_wait3A_407 = tpu.memref_slice %arg3[%mul3A_400, %dma_wait3A_406] : memref<4000x80xf32, #tpu.memory_space<hbm>> -> memref<1x80xf32, #tpu.memory_space<hbm>>
          %dma_wait3A_408 = tpu.memref_slice %run_scoped3A_21[%rem3A_402] : memref<2x!tpu.dma_semaphore, #tpu.memory_space<semaphore_mem>> -> memref<1x!tpu.dma_semaphore, #tpu.memory_space<semaphore_mem>>
          %dma_wait3A_409 = tpu.memref_squeeze %dma_wait3A_408 : memref<1x!tpu.dma_semaphore, #tpu.memory_space<semaphore_mem>> -> memref<!tpu.dma_semaphore, #tpu.memory_space<semaphore_mem>>
          %dma_wait3A_410 = arith.constant 0 : i32
          %dma_wait3A_411 = arith.constant 0 : i32
          %dma_wait3A_412 = tpu.memref_slice %run_scoped3A_20[%rem3A_402, %dma_wait3A_410, %dma_wait3A_411] : memref<2x1x80xf32, #tpu.memory_space<vmem>> -> memref<1x1x80xf32, #tpu.memory_space<vmem>>
          %dma_wait3A_413 = tpu.memref_squeeze %dma_wait3A_412 : memref<1x1x80xf32, #tpu.memory_space<vmem>> -> memref<1x80xf32, #tpu.memory_space<vmem>>
          %dma_wait3A_414 = arith.constant 0 : i32
          %dma_wait3A_415 = tpu.memref_slice %arg3[%mul3A_400, %dma_wait3A_414] : memref<4000x80xf32, #tpu.memory_space<hbm>> -> memref<1x80xf32, #tpu.memory_space<hbm>>
          tpu.wait_dma2 semaphore(%dma_wait3A_409 : memref<!tpu.dma_semaphore, #tpu.memory_space<semaphore_mem>>) src(%dma_wait3A_415 : memref<1x80xf32, #tpu.memory_space<hbm>>) dst(%dma_wait3A_413 : memref<1x80xf32, #tpu.memory_space<vmem>>)
          "tpu.trace_stop"() : () -> ()
        } else {
        }
        %ne3A_274 = arith.cmpi ne, %add3A_181, %add3A_190 : i32
        %or3A_275 = arith.constant false
        %or3A_276 = arith.ori %or3A_275, %ne3A_274 : i1
        %or3A_277 = arith.constant false
        %or3A_278 = arith.ori %or3A_276, %or3A_277 : i1
        %or3A_279 = arith.ori %or3A_278, %eq3A_178 : i1
        %convert_element_type3A_280 = arith.extui %or3A_279 : i1 to i32
        %cond3A_281 = arith.constant 0 : i32
        %cond3A_282 = arith.cmpi ne, %convert_element_type3A_280, %cond3A_281 : i32
        scf.if %cond3A_282 {
          "tpu.trace_start"() <{level = 10 : i32, message = "ep_wait_in"}> : () -> ()
          %mul3A_399 = arith.constant 1 : i32
          %mul3A_400 = arith.muli %mul3A_399, %add3A_181 : i32
          %rem3A_401 = arith.constant 2 : i32
          %rem3A_402 = arith.remui %scan3A_175, %rem3A_401 : i32
          %dma_wait3A = arith.constant 0 : i32
          %dma_wait3A_403 = arith.constant 0 : i32
          %dma_wait3A_404 = tpu.memref_slice %run_scoped3A_22[%rem3A_402, %dma_wait3A, %dma_wait3A_403] : memref<2x1x80xi32, #tpu.memory_space<vmem>> -> memref<1x1x80xi32, #tpu.memory_space<vmem>>
          %dma_wait3A_405 = tpu.memref_squeeze %dma_wait3A_404 : memref<1x1x80xi32, #tpu.memory_space<vmem>> -> memref<1x80xi32, #tpu.memory_space<vmem>>
          %dma_wait3A_406 = arith.constant 0 : i32
          %dma_wait3A_407 = tpu.memref_slice %arg4[%mul3A_400, %dma_wait3A_406] : memref<4000x80xi32, #tpu.memory_space<hbm>> -> memref<1x80xi32, #tpu.memory_space<hbm>>
          %dma_wait3A_408 = tpu.memref_slice %run_scoped3A_23[%rem3A_402] : memref<2x!tpu.dma_semaphore, #tpu.memory_space<semaphore_mem>> -> memref<1x!tpu.dma_semaphore, #tpu.memory_space<semaphore_mem>>
          %dma_wait3A_409 = tpu.memref_squeeze %dma_wait3A_408 : memref<1x!tpu.dma_semaphore, #tpu.memory_space<semaphore_mem>> -> memref<!tpu.dma_semaphore, #tpu.memory_space<semaphore_mem>>
          %dma_wait3A_410 = arith.constant 0 : i32
          %dma_wait3A_411 = arith.constant 0 : i32
          %dma_wait3A_412 = tpu.memref_slice %run_scoped3A_22[%rem3A_402, %dma_wait3A_410, %dma_wait3A_411] : memref<2x1x80xi32, #tpu.memory_space<vmem>> -> memref<1x1x80xi32, #tpu.memory_space<vmem>>
          %dma_wait3A_413 = tpu.memref_squeeze %dma_wait3A_412 : memref<1x1x80xi32, #tpu.memory_space<vmem>> -> memref<1x80xi32, #tpu.memory_space<vmem>>
          %dma_wait3A_414 = arith.constant 0 : i32
          %dma_wait3A_415 = tpu.memref_slice %arg4[%mul3A_400, %dma_wait3A_414] : memref<4000x80xi32, #tpu.memory_space<hbm>> -> memref<1x80xi32, #tpu.memory_space<hbm>>
          tpu.wait_dma2 semaphore(%dma_wait3A_409 : memref<!tpu.dma_semaphore, #tpu.memory_space<semaphore_mem>>) src(%dma_wait3A_415 : memref<1x80xi32, #tpu.memory_space<hbm>>) dst(%dma_wait3A_413 : memref<1x80xi32, #tpu.memory_space<vmem>>)
          "tpu.trace_stop"() : () -> ()
        } else {
        }
        %rem3A_283 = arith.constant 2 : i32
        %rem3A_284 = arith.remui %scan3A_171, %rem3A_283 : i32
        %rem3A_285 = arith.constant 2 : i32
        %rem3A_286 = arith.remui %scan3A_173, %rem3A_285 : i32
        %rem3A_287 = arith.constant 2 : i32
        %rem3A_288 = arith.remui %scan3A_175, %rem3A_287 : i32
        %run_scoped3A_289 = arith.constant 0 : i32
        "tpu.trace_start"() <{level = 10 : i32, message = "ep_run_kernel"}> : () -> ()
        "tpu.region"() ({
          %run_scoped3A_399 = tpu.sem_alloc : memref<!tpu.dma_semaphore, #tpu.memory_space<semaphore_mem>>
          %dma_start3A_400 = arith.constant 0 : i32
          %dma_start3A_401 = arith.constant 0 : i32
          %dma_start3A_402 = tpu.memref_slice %run_scoped3A[%rem3A_284, %dma_start3A_400, %dma_start3A_401] : memref<2x80x128xf32, #tpu.memory_space<vmem>> -> memref<1x80x128xf32, #tpu.memory_space<vmem>>
          %dma_start3A_403 = tpu.memref_squeeze %dma_start3A_402 : memref<1x80x128xf32, #tpu.memory_space<vmem>> -> memref<80x128xf32, #tpu.memory_space<vmem>>
          %dma_start3A_404 = arith.constant 0 : i32
          %dma_start3A_405 = arith.constant 0 : i32
          %dma_start3A_406 = tpu.memref_slice %run_scoped3A_22[%rem3A_288, %dma_start3A_404, %dma_start3A_405] : memref<2x1x80xi32, #tpu.memory_space<vmem>> -> memref<1x1x80xi32, #tpu.memory_space<vmem>>
          %dma_start3A_407 = tpu.memref_squeeze %dma_start3A_406 : memref<1x1x80xi32, #tpu.memory_space<vmem>> -> memref<1x80xi32, #tpu.memory_space<vmem>>
          %dma_start3A_408 = arith.constant 0 : i32
          %dma_start3A_409 = tpu.memref_slice %dma_start3A_407[%run_scoped3A_289, %dma_start3A_408] : memref<1x80xi32, #tpu.memory_space<vmem>> -> memref<1x80xi32, #tpu.memory_space<vmem>>
          %dma_start3A_410 = tpu.memref_squeeze %dma_start3A_409 : memref<1x80xi32, #tpu.memory_space<vmem>> -> memref<80xi32, #tpu.memory_space<vmem>>
          %dma_start3A_411 = arith.constant 0 : i32
          %dma_start3A_412 = arith.constant 0 : i32
          %dma_start3A_413 = tpu.memref_slice %arg9[%dma_start3A_411, %dma_start3A_412] : memref<10240x128xf32, #tpu.memory_space<vmem_shared>> -> memref<10240x128xf32, #tpu.memory_space<vmem_shared>>
          tpu.enqueue_indirect_dma source(%dma_start3A_403 : memref<80x128xf32, #tpu.memory_space<vmem>>) target(%dma_start3A_413 : memref<10240x128xf32, #tpu.memory_space<vmem_shared>>) offsets(%dma_start3A_410 : memref<80xi32, #tpu.memory_space<vmem>>) semaphore(%run_scoped3A_399 : memref<!tpu.dma_semaphore, #tpu.memory_space<semaphore_mem>>) {add = true}
          %dma_wait3A = arith.constant 0 : i32
          %dma_wait3A_414 = arith.constant 0 : i32
          %dma_wait3A_415 = tpu.memref_slice %run_scoped3A[%rem3A_284, %dma_wait3A, %dma_wait3A_414] : memref<2x80x128xf32, #tpu.memory_space<vmem>> -> memref<1x80x128xf32, #tpu.memory_space<vmem>>
          %dma_wait3A_416 = tpu.memref_squeeze %dma_wait3A_415 : memref<1x80x128xf32, #tpu.memory_space<vmem>> -> memref<80x128xf32, #tpu.memory_space<vmem>>
          %dma_wait3A_417 = arith.constant 0 : i32
          %dma_wait3A_418 = arith.constant 0 : i32
          %dma_wait3A_419 = tpu.memref_slice %run_scoped3A_22[%rem3A_288, %dma_wait3A_417, %dma_wait3A_418] : memref<2x1x80xi32, #tpu.memory_space<vmem>> -> memref<1x1x80xi32, #tpu.memory_space<vmem>>
          %dma_wait3A_420 = tpu.memref_squeeze %dma_wait3A_419 : memref<1x1x80xi32, #tpu.memory_space<vmem>> -> memref<1x80xi32, #tpu.memory_space<vmem>>
          %dma_wait3A_421 = arith.constant 0 : i32
          %dma_wait3A_422 = tpu.memref_slice %dma_wait3A_420[%run_scoped3A_289, %dma_wait3A_421] : memref<1x80xi32, #tpu.memory_space<vmem>> -> memref<1x80xi32, #tpu.memory_space<vmem>>
          %dma_wait3A_423 = tpu.memref_squeeze %dma_wait3A_422 : memref<1x80xi32, #tpu.memory_space<vmem>> -> memref<80xi32, #tpu.memory_space<vmem>>
          %dma_wait3A_424 = arith.constant 0 : i32
          %dma_wait3A_425 = arith.constant 0 : i32
          %dma_wait3A_426 = tpu.memref_slice %arg9[%dma_wait3A_424, %dma_wait3A_425] : memref<10240x128xf32, #tpu.memory_space<vmem_shared>> -> memref<10240x128xf32, #tpu.memory_space<vmem_shared>>
          tpu.wait_indirect_dma semaphore(%run_scoped3A_399 : memref<!tpu.dma_semaphore, #tpu.memory_space<semaphore_mem>>) src(%dma_wait3A_416 : memref<80x128xf32, #tpu.memory_space<vmem>>) dst(%dma_wait3A_426 : memref<10240x128xf32, #tpu.memory_space<vmem_shared>>)
          tpu.yield
        }) : () -> ()
        %run_scoped3A_290 = arith.constant 0 : i32
        %run_scoped3A_291 = arith.constant 0 : i32
        "tpu.region"() ({
          %run_scoped3A_399 = tpu.sem_alloc : memref<!tpu.dma_semaphore, #tpu.memory_space<semaphore_mem>>
          %dma_start3A_400 = arith.constant 0 : i32
          %dma_start3A_401 = arith.constant 0 : i32
          %dma_start3A_402 = tpu.memref_slice %run_scoped3A_20[%rem3A_286, %dma_start3A_400, %dma_start3A_401] : memref<2x1x80xf32, #tpu.memory_space<vmem>> -> memref<1x1x80xf32, #tpu.memory_space<vmem>>
          %dma_start3A_403 = tpu.memref_squeeze %dma_start3A_402 : memref<1x1x80xf32, #tpu.memory_space<vmem>> -> memref<1x80xf32, #tpu.memory_space<vmem>>
          %dma_start3A_404 = arith.constant 0 : i32
          %dma_start3A_405 = tpu.memref_slice %dma_start3A_403[%run_scoped3A_290, %dma_start3A_404] : memref<1x80xf32, #tpu.memory_space<vmem>> -> memref<1x80xf32, #tpu.memory_space<vmem>>
          %dma_start3A_406 = tpu.memref_squeeze %dma_start3A_405 : memref<1x80xf32, #tpu.memory_space<vmem>> -> memref<80xf32, #tpu.memory_space<vmem>>
          %dma_start3A_407 = arith.constant 0 : i32
          %dma_start3A_408 = arith.constant 0 : i32
          %dma_start3A_409 = tpu.memref_slice %run_scoped3A_22[%rem3A_288, %dma_start3A_407, %dma_start3A_408] : memref<2x1x80xi32, #tpu.memory_space<vmem>> -> memref<1x1x80xi32, #tpu.memory_space<vmem>>
          %dma_start3A_410 = tpu.memref_squeeze %dma_start3A_409 : memref<1x1x80xi32, #tpu.memory_space<vmem>> -> memref<1x80xi32, #tpu.memory_space<vmem>>
          %dma_start3A_411 = arith.constant 0 : i32
          %dma_start3A_412 = tpu.memref_slice %dma_start3A_410[%run_scoped3A_291, %dma_start3A_411] : memref<1x80xi32, #tpu.memory_space<vmem>> -> memref<1x80xi32, #tpu.memory_space<vmem>>
          %dma_start3A_413 = tpu.memref_squeeze %dma_start3A_412 : memref<1x80xi32, #tpu.memory_space<vmem>> -> memref<80xi32, #tpu.memory_space<vmem>>
          %dma_start3A_414 = arith.constant 0 : i32
          %dma_start3A_415 = tpu.memref_slice %arg10[%dma_start3A_414] : memref<10240xf32, #tpu.memory_space<vmem_shared>> -> memref<10240xf32, #tpu.memory_space<vmem_shared>>
          tpu.enqueue_indirect_dma source(%dma_start3A_406 : memref<80xf32, #tpu.memory_space<vmem>>) target(%dma_start3A_415 : memref<10240xf32, #tpu.memory_space<vmem_shared>>) offsets(%dma_start3A_413 : memref<80xi32, #tpu.memory_space<vmem>>) semaphore(%run_scoped3A_399 : memref<!tpu.dma_semaphore, #tpu.memory_space<semaphore_mem>>) {add = true}
          %dma_wait3A = arith.constant 0 : i32
          %dma_wait3A_416 = arith.constant 0 : i32
          %dma_wait3A_417 = tpu.memref_slice %run_scoped3A_20[%rem3A_286, %dma_wait3A, %dma_wait3A_416] : memref<2x1x80xf32, #tpu.memory_space<vmem>> -> memref<1x1x80xf32, #tpu.memory_space<vmem>>
          %dma_wait3A_418 = tpu.memref_squeeze %dma_wait3A_417 : memref<1x1x80xf32, #tpu.memory_space<vmem>> -> memref<1x80xf32, #tpu.memory_space<vmem>>
          %dma_wait3A_419 = arith.constant 0 : i32
          %dma_wait3A_420 = tpu.memref_slice %dma_wait3A_418[%run_scoped3A_290, %dma_wait3A_419] : memref<1x80xf32, #tpu.memory_space<vmem>> -> memref<1x80xf32, #tpu.memory_space<vmem>>
          %dma_wait3A_421 = tpu.memref_squeeze %dma_wait3A_420 : memref<1x80xf32, #tpu.memory_space<vmem>> -> memref<80xf32, #tpu.memory_space<vmem>>
          %dma_wait3A_422 = arith.constant 0 : i32
          %dma_wait3A_423 = arith.constant 0 : i32
          %dma_wait3A_424 = tpu.memref_slice %run_scoped3A_22[%rem3A_288, %dma_wait3A_422, %dma_wait3A_423] : memref<2x1x80xi32, #tpu.memory_space<vmem>> -> memref<1x1x80xi32, #tpu.memory_space<vmem>>
          %dma_wait3A_425 = tpu.memref_squeeze %dma_wait3A_424 : memref<1x1x80xi32, #tpu.memory_space<vmem>> -> memref<1x80xi32, #tpu.memory_space<vmem>>
          %dma_wait3A_426 = arith.constant 0 : i32
          %dma_wait3A_427 = tpu.memref_slice %dma_wait3A_425[%run_scoped3A_291, %dma_wait3A_426] : memref<1x80xi32, #tpu.memory_space<vmem>> -> memref<1x80xi32, #tpu.memory_space<vmem>>
          %dma_wait3A_428 = tpu.memref_squeeze %dma_wait3A_427 : memref<1x80xi32, #tpu.memory_space<vmem>> -> memref<80xi32, #tpu.memory_space<vmem>>
          %dma_wait3A_429 = arith.constant 0 : i32
          %dma_wait3A_430 = tpu.memref_slice %arg10[%dma_wait3A_429] : memref<10240xf32, #tpu.memory_space<vmem_shared>> -> memref<10240xf32, #tpu.memory_space<vmem_shared>>
          tpu.wait_indirect_dma semaphore(%run_scoped3A_399 : memref<!tpu.dma_semaphore, #tpu.memory_space<semaphore_mem>>) src(%dma_wait3A_421 : memref<80xf32, #tpu.memory_space<vmem>>) dst(%dma_wait3A_430 : memref<10240xf32, #tpu.memory_space<vmem_shared>>)
          tpu.yield
        }) : () -> ()
        "tpu.trace_stop"() : () -> ()
        %ne3A_292 = arith.cmpi ne, %add3A_181, %add3A_199 : i32
        %or3A_293 = arith.constant false
        %or3A_294 = arith.ori %or3A_293, %ne3A_292 : i1
        %or3A_295 = arith.constant false
        %or3A_296 = arith.ori %or3A_294, %or3A_295 : i1
        %or3A_297 = arith.ori %or3A_296, %eq3A_180 : i1
        %convert_element_type3A_298 = arith.extui %or3A_297 : i1 to i32
        %cond3A_299 = arith.constant 0 : i32
        %cond3A_300 = arith.cmpi ne, %convert_element_type3A_298, %cond3A_299 : i32
        scf.if %cond3A_300 {
        } else {
        }
        %and3A_301 = arith.constant false
        %and3A_302 = arith.andi %or3A_297, %and3A_301 : i1
        %ne3A_303 = arith.cmpi ne, %add3A_181, %add3A_199 : i32
        %or3A_304 = arith.constant false
        %or3A_305 = arith.ori %or3A_304, %ne3A_303 : i1
        %or3A_306 = arith.constant false
        %or3A_307 = arith.ori %or3A_305, %or3A_306 : i1
        %or3A_308 = arith.ori %or3A_307, %eq3A_180 : i1
        %convert_element_type3A_309 = arith.extui %or3A_308 : i1 to i32
        %cond3A_310 = arith.constant 0 : i32
        %cond3A_311 = arith.cmpi ne, %convert_element_type3A_309, %cond3A_310 : i32
        scf.if %cond3A_311 {
        } else {
        }
        %and3A_312 = arith.constant false
        %and3A_313 = arith.andi %or3A_308, %and3A_312 : i1
        %ne3A_314 = arith.cmpi ne, %add3A_181, %add3A_199 : i32
        %or3A_315 = arith.constant false
        %or3A_316 = arith.ori %or3A_315, %ne3A_314 : i1
        %or3A_317 = arith.constant false
        %or3A_318 = arith.ori %or3A_316, %or3A_317 : i1
        %or3A_319 = arith.ori %or3A_318, %eq3A_180 : i1
        %convert_element_type3A_320 = arith.extui %or3A_319 : i1 to i32
        %cond3A_321 = arith.constant 0 : i32
        %cond3A_322 = arith.cmpi ne, %convert_element_type3A_320, %cond3A_321 : i32
        scf.if %cond3A_322 {
        } else {
        }
        %and3A_323 = arith.constant false
        %and3A_324 = arith.andi %or3A_319, %and3A_323 : i1
        %ne3A_325 = arith.cmpi ne, %add3A_181, %add3A_190 : i32
        %or3A_326 = arith.constant false
        %or3A_327 = arith.ori %or3A_326, %ne3A_325 : i1
        %or3A_328 = arith.constant false
        %or3A_329 = arith.ori %or3A_327, %or3A_328 : i1
        %not3A_330 = arith.constant true
        %not3A_331 = arith.xori %eq3A_178, %not3A_330 : i1
        %and3A_332 = arith.andi %or3A_329, %not3A_331 : i1
        %convert_element_type3A_333 = arith.extui %and3A_332 : i1 to i32
        %cond3A_334 = arith.constant 0 : i32
        %cond3A_335 = arith.cmpi ne, %convert_element_type3A_333, %cond3A_334 : i32
        scf.if %cond3A_335 {
        } else {
        }
        %and3A_336 = arith.constant false
        %and3A_337 = arith.andi %and3A_332, %and3A_336 : i1
        %ne3A_338 = arith.cmpi ne, %add3A_181, %add3A_190 : i32
        %or3A_339 = arith.constant false
        %or3A_340 = arith.ori %or3A_339, %ne3A_338 : i1
        %or3A_341 = arith.constant false
        %or3A_342 = arith.ori %or3A_340, %or3A_341 : i1
        %not3A_343 = arith.constant true
        %not3A_344 = arith.xori %eq3A_178, %not3A_343 : i1
        %and3A_345 = arith.andi %or3A_342, %not3A_344 : i1
        %convert_element_type3A_346 = arith.extui %and3A_345 : i1 to i32
        %cond3A_347 = arith.constant 0 : i32
        %cond3A_348 = arith.cmpi ne, %convert_element_type3A_346, %cond3A_347 : i32
        scf.if %cond3A_348 {
        } else {
        }
        %and3A_349 = arith.constant false
        %and3A_350 = arith.andi %and3A_345, %and3A_349 : i1
        %ne3A_351 = arith.cmpi ne, %add3A_181, %add3A_190 : i32
        %or3A_352 = arith.constant false
        %or3A_353 = arith.ori %or3A_352, %ne3A_351 : i1
        %or3A_354 = arith.constant false
        %or3A_355 = arith.ori %or3A_353, %or3A_354 : i1
        %not3A_356 = arith.constant true
        %not3A_357 = arith.xori %eq3A_178, %not3A_356 : i1
        %and3A_358 = arith.andi %or3A_355, %not3A_357 : i1
        %convert_element_type3A_359 = arith.extui %and3A_358 : i1 to i32
        %cond3A_360 = arith.constant 0 : i32
        %cond3A_361 = arith.cmpi ne, %convert_element_type3A_359, %cond3A_360 : i32
        scf.if %cond3A_361 {
        } else {
        }
        %and3A_362 = arith.constant false
        %and3A_363 = arith.andi %and3A_358, %and3A_362 : i1
        %ne3A_364 = arith.cmpi ne, %add3A_181, %add3A_199 : i32
        %or3A_365 = arith.constant false
        %or3A_366 = arith.ori %or3A_365, %ne3A_364 : i1
        %or3A_367 = arith.constant false
        %or3A_368 = arith.ori %or3A_366, %or3A_367 : i1
        %or3A_369 = arith.ori %or3A_368, %eq3A_180 : i1
        %add3A_370 = arith.constant 1 : i32
        %add3A_371 = arith.addi %scan3A_171, %add3A_370 : i32
        %select_n3A_372 = arith.select %or3A_369, %add3A_371, %scan3A_171 : i32
        %ne3A_373 = arith.cmpi ne, %add3A_181, %add3A_199 : i32
        %or3A_374 = arith.constant false
        %or3A_375 = arith.ori %or3A_374, %ne3A_373 : i1
        %or3A_376 = arith.constant false
        %or3A_377 = arith.ori %or3A_375, %or3A_376 : i1
        %or3A_378 = arith.ori %or3A_377, %eq3A_180 : i1
        %add3A_379 = arith.constant 1 : i32
        %add3A_380 = arith.addi %scan3A_173, %add3A_379 : i32
        %select_n3A_381 = arith.select %or3A_378, %add3A_380, %scan3A_173 : i32
        %ne3A_382 = arith.cmpi ne, %add3A_181, %add3A_199 : i32
        %or3A_383 = arith.constant false
        %or3A_384 = arith.ori %or3A_383, %ne3A_382 : i1
        %or3A_385 = arith.constant false
        %or3A_386 = arith.ori %or3A_384, %or3A_385 : i1
        %or3A_387 = arith.ori %or3A_386, %eq3A_180 : i1
        %add3A_388 = arith.constant 1 : i32
        %add3A_389 = arith.addi %scan3A_175, %add3A_388 : i32
        %select_n3A_390 = arith.select %or3A_387, %add3A_389, %scan3A_175 : i32
        %add3A_391 = arith.constant 1 : i32
        %add3A_392 = arith.addi %scan3A_176, %add3A_391 : i32
        %select_n3A_393 = arith.constant true
        %select_n3A_394 = arith.select %select_n3A_393, %add3A_392, %scan3A_176 : i32
        %eq3A_395 = arith.constant 125 : i32
        %eq3A_396 = arith.cmpi eq, %select_n3A_394, %eq3A_395 : i32
        %select_n3A_397 = arith.constant 0 : i32
        %select_n3A_398 = arith.select %eq3A_396, %select_n3A_397, %select_n3A_394 : i32
        scf.yield %select_n3A_219, %select_n3A_372, %select_n3A_237, %select_n3A_381, %select_n3A_255, %select_n3A_390, %select_n3A_398 : i32, i32, i32, i32, i32, i32, i32
      }
      %scan3A_133 = arith.constant 125 : i32
      %sub3A = arith.constant 1 : i32
      %sub3A_134 = arith.subi %scan3A_132#6, %sub3A : i32
      %select_n3A_135 = arith.constant true
      %select_n3A_136 = arith.select %select_n3A_135, %sub3A_134, %scan3A_132#6 : i32
      %eq3A_137 = arith.constant -1 : i32
      %eq3A_138 = arith.cmpi eq, %select_n3A_136, %eq3A_137 : i32
      %select_n3A_139 = arith.constant 124 : i32
      %select_n3A_140 = arith.select %eq3A_138, %select_n3A_139, %select_n3A_136 : i32
      %add3A_141 = arith.addi %select_n3A_140, %mul3A_12 : i32
      %sub3A_142 = arith.constant 1 : i32
      %sub3A_143 = arith.subi %select_n3A_140, %sub3A_142 : i32
      %select_n3A_144 = arith.constant true
      %select_n3A_145 = arith.select %select_n3A_144, %sub3A_143, %select_n3A_140 : i32
      %eq3A_146 = arith.constant -1 : i32
      %eq3A_147 = arith.cmpi eq, %select_n3A_145, %eq3A_146 : i32
      %select_n3A_148 = arith.constant 124 : i32
      %select_n3A_149 = arith.select %eq3A_147, %select_n3A_148, %select_n3A_145 : i32
      %add3A_150 = arith.addi %select_n3A_149, %mul3A_12 : i32
      %add3A_151 = arith.constant 1 : i32
      %add3A_152 = arith.addi %select_n3A_140, %add3A_151 : i32
      %select_n3A_153 = arith.constant true
      %select_n3A_154 = arith.select %select_n3A_153, %add3A_152, %select_n3A_140 : i32
      %eq3A_155 = arith.constant 125 : i32
      %eq3A_156 = arith.cmpi eq, %select_n3A_154, %eq3A_155 : i32
      %select_n3A_157 = arith.constant 0 : i32
      %select_n3A_158 = arith.select %eq3A_156, %select_n3A_157, %select_n3A_154 : i32
      %add3A_159 = arith.addi %select_n3A_158, %mul3A_12 : i32
      %add3A_160 = arith.constant 1 : i32
      %add3A_161 = arith.addi %select_n3A_158, %add3A_160 : i32
      %select_n3A_162 = arith.constant true
      %select_n3A_163 = arith.select %select_n3A_162, %add3A_161, %select_n3A_158 : i32
      %eq3A_164 = arith.constant 125 : i32
      %eq3A_165 = arith.cmpi eq, %select_n3A_163, %eq3A_164 : i32
      %select_n3A_166 = arith.constant 0 : i32
      %select_n3A_167 = arith.select %eq3A_165, %select_n3A_166, %select_n3A_163 : i32
      %add3A_168 = arith.addi %select_n3A_167, %mul3A_12 : i32
      tpu.yield
    }) : () -> ()
    %barrier3A_13 = arith.constant 0 : index
    tpu.barrier barrier_id(%barrier3A_13)
    %scan3A_14 = arith.constant 0 : i32
    %scan3A_15 = arith.constant 5 : i32
    %scan3A_16 = arith.addi %scan3A_14, %scan3A_15 : i32
    %scan3A_17 = arith.constant 1 : i32
    scf.for %scan3A_19 = %scan3A_14 to %scan3A_16 step %scan3A_17  : i32 {
      %mul3A_20 = arith.constant 1 : i32
      %mul3A_21 = arith.muli %scan3A_19, %mul3A_20 : i32
      %add3A_22 = arith.constant 0 : i32
      %add3A_23 = arith.addi %add3A_22, %mul3A_21 : i32
      %mul3A_24 = arith.constant 5 : i32
      %mul3A_25 = arith.muli %arg1, %mul3A_24 : i32
      %add3A_26 = arith.addi %mul3A_25, %add3A_23 : i32
      %mul3A_27 = arith.constant 128 : i32
      %mul3A_28 = arith.muli %add3A_26, %mul3A_27 : i32
      "tpu.region"() ({
        %run_scoped3A = tpu.sem_alloc : memref<!tpu.dma_semaphore, #tpu.memory_space<semaphore_mem>>
        %dma_start3A = arith.constant 0 : i32
        %dma_start3A_29 = tpu.memref_slice %arg7[%arg0, %mul3A_28, %dma_start3A] : memref<2x10240x128xf32, #tpu.memory_space<hbm>> -> memref<1x128x128xf32, #tpu.memory_space<hbm>>
        %dma_start3A_30 = tpu.memref_squeeze %dma_start3A_29 : memref<1x128x128xf32, #tpu.memory_space<hbm>> -> memref<128x128xf32, #tpu.memory_space<hbm>>
        %dma_start3A_31 = arith.constant 0 : i32
        %dma_start3A_32 = tpu.memref_slice %arg9[%mul3A_28, %dma_start3A_31] : memref<10240x128xf32, #tpu.memory_space<vmem_shared>> -> memref<128x128xf32, #tpu.memory_space<vmem_shared>>
        tpu.enqueue_dma source(%dma_start3A_32 : memref<128x128xf32, #tpu.memory_space<vmem_shared>>) target(%dma_start3A_30 : memref<128x128xf32, #tpu.memory_space<hbm>>) target_semaphore(%run_scoped3A : memref<!tpu.dma_semaphore, #tpu.memory_space<semaphore_mem>>)
        %dma_wait3A = arith.constant 0 : i32
        %dma_wait3A_33 = tpu.memref_slice %arg7[%arg0, %mul3A_28, %dma_wait3A] : memref<2x10240x128xf32, #tpu.memory_space<hbm>> -> memref<1x128x128xf32, #tpu.memory_space<hbm>>
        %dma_wait3A_34 = tpu.memref_squeeze %dma_wait3A_33 : memref<1x128x128xf32, #tpu.memory_space<hbm>> -> memref<128x128xf32, #tpu.memory_space<hbm>>
        %dma_wait3A_35 = arith.constant 0 : i32
        %dma_wait3A_36 = tpu.memref_slice %arg9[%mul3A_28, %dma_wait3A_35] : memref<10240x128xf32, #tpu.memory_space<vmem_shared>> -> memref<128x128xf32, #tpu.memory_space<vmem_shared>>
        tpu.wait_dma2 semaphore(%run_scoped3A : memref<!tpu.dma_semaphore, #tpu.memory_space<semaphore_mem>>) src(%dma_wait3A_36 : memref<128x128xf32, #tpu.memory_space<vmem_shared>>) dst(%dma_wait3A_34 : memref<128x128xf32, #tpu.memory_space<hbm>>)
        tpu.yield
      }) : () -> ()
    }
    %scan3A_18 = arith.constant 5 : i32
    "tpu.region"() ({
      %run_scoped3A = tpu.sem_alloc : memref<!tpu.dma_semaphore, #tpu.memory_space<semaphore_mem>>
      %dma_start3A = tpu.memref_slice %arg8[%arg0, %mul3A_4] : memref<2x10240xf32, #tpu.memory_space<hbm>> -> memref<1x640xf32, #tpu.memory_space<hbm>>
      %dma_start3A_19 = tpu.memref_squeeze %dma_start3A : memref<1x640xf32, #tpu.memory_space<hbm>> -> memref<640xf32, #tpu.memory_space<hbm>>
      %dma_start3A_20 = tpu.memref_slice %arg10[%mul3A_4] : memref<10240xf32, #tpu.memory_space<vmem_shared>> -> memref<640xf32, #tpu.memory_space<vmem_shared>>
      tpu.enqueue_dma source(%dma_start3A_20 : memref<640xf32, #tpu.memory_space<vmem_shared>>) target(%dma_start3A_19 : memref<640xf32, #tpu.memory_space<hbm>>) target_semaphore(%run_scoped3A : memref<!tpu.dma_semaphore, #tpu.memory_space<semaphore_mem>>)
      %dma_wait3A = tpu.memref_slice %arg8[%arg0, %mul3A_4] : memref<2x10240xf32, #tpu.memory_space<hbm>> -> memref<1x640xf32, #tpu.memory_space<hbm>>
      %dma_wait3A_21 = tpu.memref_squeeze %dma_wait3A : memref<1x640xf32, #tpu.memory_space<hbm>> -> memref<640xf32, #tpu.memory_space<hbm>>
      %dma_wait3A_22 = tpu.memref_slice %arg10[%mul3A_4] : memref<10240xf32, #tpu.memory_space<vmem_shared>> -> memref<640xf32, #tpu.memory_space<vmem_shared>>
      tpu.wait_dma2 semaphore(%run_scoped3A : memref<!tpu.dma_semaphore, #tpu.memory_space<semaphore_mem>>) src(%dma_wait3A_22 : memref<640xf32, #tpu.memory_space<vmem_shared>>) dst(%dma_wait3A_21 : memref<640xf32, #tpu.memory_space<hbm>>)
      tpu.yield
    }) : () -> ()
    return
  }
}

module attributes {stable_mosaic.version = 14 : i64} {
  func.func @_node_pre_body(%arg0: i32, %arg1: memref<1024x128xf32, #tpu.memory_space<vmem>>, %arg2: memref<128x128xf32, #tpu.memory_space<vmem>>, %arg3: memref<1x128xf32, #tpu.memory_space<vmem>>, %arg4: memref<128x144xf32, #tpu.memory_space<vmem>>, %arg5: memref<1x128xf32, #tpu.memory_space<vmem>>, %arg6: memref<1024x128xf32, #tpu.memory_space<vmem>>, %arg7: memref<1024x128xf32, #tpu.memory_space<vmem>>, %arg8: memref<1x1024xf32, #tpu.memory_space<vmem>>) attributes {dimension_semantics = [#tpu.dimension_semantics<arbitrary>], iteration_bounds = array<i64: 10>, scalar_prefetch = 0 : i64, scratch_operands = 0 : i64, tpu.core_type = #tpu.core_type<tc>, window_params = [{transform_indices = @transform_0, window_bounds = array<i64: 1024, 128>}, {pipeline_mode = #tpu.pipeline_mode<synchronous>, transform_indices = @transform_1, window_bounds = array<i64: 128, 128>}, {pipeline_mode = #tpu.pipeline_mode<synchronous>, transform_indices = @transform_2, window_bounds = array<i64: 1, 128>}, {pipeline_mode = #tpu.pipeline_mode<synchronous>, transform_indices = @transform_3, window_bounds = array<i64: 128, 144>}, {pipeline_mode = #tpu.pipeline_mode<synchronous>, transform_indices = @transform_4, window_bounds = array<i64: 1, 128>}, {transform_indices = @transform_5, window_bounds = array<i64: 1024, 128>}, {transform_indices = @transform_6, window_bounds = array<i64: 1024, 128>}, {transform_indices = @transform_7, window_bounds = array<i64: 1, 1024>}]} {
    %get3A = arith.constant 0 : index
    %get3A_0 = arith.constant 0 : index
    %get3A_1 = vector.load %arg1[%get3A, %get3A_0] : memref<1024x128xf32, #tpu.memory_space<vmem>>, vector<1024x128xf32>
    %get3A_2 = arith.constant 0 : index
    %get3A_3 = arith.constant 0 : index
    %get3A_4 = vector.load %arg2[%get3A_2, %get3A_3] : memref<128x128xf32, #tpu.memory_space<vmem>>, vector<128x128xf32>
    %dot_general3A = arith.constant dense<0.000000e+00> : vector<1024x128xf32>
    %dot_general3A_5 = tpu.matmul %get3A_1, %get3A_4, %dot_general3A {dimension_numbers = #tpu.dot_dimension_numbers<[1], [1], [0], [0], [0, 0, 1, 0], [], []>, transpose_lhs_hint = false} : vector<1024x128xf32>, vector<128x128xf32>, vector<1024x128xf32> -> vector<1024x128xf32>
    %get3A_6 = arith.constant 0 : index
    %get3A_7 = arith.constant 0 : index
    %get3A_8 = vector.load %arg3[%get3A_6, %get3A_7] : memref<1x128xf32, #tpu.memory_space<vmem>>, vector<1x128xf32>
    %add3A = vector.broadcast %get3A_8 : vector<1x128xf32> to vector<1024x128xf32>
    %add3A_9 = arith.addf %dot_general3A_5, %add3A : vector<1024x128xf32>
    %ge3A = arith.constant 0.000000e+00 : f32
    %ge3A_10 = vector.broadcast %ge3A : f32 to vector<1024x128xf32>
    %ge3A_11 = arith.cmpf oge, %add3A_9, %ge3A_10 : vector<1024x128xf32>
    %mul3A = arith.constant 0.00999999977 : f32
    %mul3A_12 = vector.broadcast %mul3A : f32 to vector<1024x128xf32>
    %mul3A_13 = arith.mulf %mul3A_12, %add3A_9 : vector<1024x128xf32>
    %select_n3A = arith.select %ge3A_11, %add3A_9, %mul3A_13 : vector<1024x128xi1>, vector<1024x128xf32>
    %swap3A = arith.constant 0 : index
    %swap3A_14 = arith.constant 0 : index
    %swap3A_15 = vector.load %arg6[%swap3A, %swap3A_14] : memref<1024x128xf32, #tpu.memory_space<vmem>>, vector<1024x128xf32>
    tpu.vector_store %arg6[%swap3A, %swap3A_14], %select_n3A {strides = array<i32>} : memref<1024x128xf32, #tpu.memory_space<vmem>>, vector<1024x128xf32>,
    %get3A_16 = arith.constant 0 : index
    %get3A_17 = arith.constant 0 : index
    %get3A_18 = vector.load %arg4[%get3A_16, %get3A_17] : memref<128x144xf32, #tpu.memory_space<vmem>>, vector<128x144xf32>
    %slice3A = vector.extract_strided_slice %get3A_18 {offsets = [0, 0], sizes = [128, 128], strides = [1, 1]} : vector<128x144xf32> to vector<128x128xf32>
    %dot_general3A_19 = arith.constant dense<0.000000e+00> : vector<1024x128xf32>
    %dot_general3A_20 = tpu.matmul %select_n3A, %slice3A, %dot_general3A_19 {dimension_numbers = #tpu.dot_dimension_numbers<[1], [1], [0], [0], [0, 0, 1, 0], [], []>, transpose_lhs_hint = false} : vector<1024x128xf32>, vector<128x128xf32>, vector<1024x128xf32> -> vector<1024x128xf32>
    %swap3A_21 = arith.constant 0 : index
    %swap3A_22 = arith.constant 0 : index
    %swap3A_23 = vector.load %arg7[%swap3A_21, %swap3A_22] : memref<1024x128xf32, #tpu.memory_space<vmem>>, vector<1024x128xf32>
    tpu.vector_store %arg7[%swap3A_21, %swap3A_22], %dot_general3A_20 {strides = array<i32>} : memref<1024x128xf32, #tpu.memory_space<vmem>>, vector<1024x128xf32>,
    %get3A_24 = arith.constant 0 : index
    %get3A_25 = arith.constant 0 : index
    %get3A_26 = vector.load %arg5[%get3A_24, %get3A_25] : memref<1x128xf32, #tpu.memory_space<vmem>>, vector<1x128xf32>
    %dot_general3A_27 = arith.constant dense<0.000000e+00> : vector<1x1024xf32>
    %dot_general3A_28 = tpu.matmul %get3A_26, %select_n3A, %dot_general3A_27 {dimension_numbers = #tpu.dot_dimension_numbers<[1], [1], [0], [0], [0, 0, 1, 0], [], []>, transpose_lhs_hint = false} : vector<1x128xf32>, vector<1024x128xf32>, vector<1x1024xf32> -> vector<1x1024xf32>
    %swap3A_29 = arith.constant 0 : index
    %swap3A_30 = arith.constant 0 : index
    %swap3A_31 = vector.load %arg8[%swap3A_29, %swap3A_30] : memref<1x1024xf32, #tpu.memory_space<vmem>>, vector<1x1024xf32>
    tpu.vector_store %arg8[%swap3A_29, %swap3A_30], %dot_general3A_28 {strides = array<i32>} : memref<1x1024xf32, #tpu.memory_space<vmem>>, vector<1x1024xf32>,
    return
  }
  func.func @transform_0(%arg0: i32) -> (i32, i32) {
    %c0_i32 = arith.constant 0 : i32
    %c0_i32_0 = arith.constant 0 : i32
    return %arg0, %c0_i32 : i32, i32
  }
  func.func @transform_1(%arg0: i32) -> (i32, i32) {
    %c0_i32 = arith.constant 0 : i32
    %c0_i32_0 = arith.constant 0 : i32
    %c0_i32_1 = arith.constant 0 : i32
    return %c0_i32, %c0_i32_0 : i32, i32
  }
  func.func @transform_2(%arg0: i32) -> (i32, i32) {
    %c0_i32 = arith.constant 0 : i32
    %c0_i32_0 = arith.constant 0 : i32
    %c0_i32_1 = arith.constant 0 : i32
    return %c0_i32, %c0_i32_0 : i32, i32
  }
  func.func @transform_3(%arg0: i32) -> (i32, i32) {
    %c0_i32 = arith.constant 0 : i32
    %c0_i32_0 = arith.constant 0 : i32
    %c0_i32_1 = arith.constant 0 : i32
    return %c0_i32, %c0_i32_0 : i32, i32
  }
  func.func @transform_4(%arg0: i32) -> (i32, i32) {
    %c0_i32 = arith.constant 0 : i32
    %c0_i32_0 = arith.constant 0 : i32
    %c0_i32_1 = arith.constant 0 : i32
    return %c0_i32, %c0_i32_0 : i32, i32
  }
  func.func @transform_5(%arg0: i32) -> (i32, i32) {
    %c0_i32 = arith.constant 0 : i32
    %c0_i32_0 = arith.constant 0 : i32
    return %arg0, %c0_i32 : i32, i32
  }
  func.func @transform_6(%arg0: i32) -> (i32, i32) {
    %c0_i32 = arith.constant 0 : i32
    %c0_i32_0 = arith.constant 0 : i32
    return %arg0, %c0_i32 : i32, i32
  }
  func.func @transform_7(%arg0: i32) -> (i32, i32) {
    %c0_i32 = arith.constant 0 : i32
    %c0_i32_0 = arith.constant 0 : i32
    return %c0_i32, %arg0 : i32, i32
  }
}

module attributes {stable_mosaic.version = 14 : i64} {
  func.func @_edge_body(%arg0: i32, %arg1: memref<2560x128xf32, #tpu.memory_space<vmem>>, %arg2: memref<2560x16xf32, #tpu.memory_space<vmem>>, %arg3: memref<1x2560xf32, #tpu.memory_space<vmem>>, %arg4: memref<128x144xf32, #tpu.memory_space<vmem>>, %arg5: memref<128x128xf32, #tpu.memory_space<vmem>>, %arg6: memref<1x128xf32, #tpu.memory_space<vmem>>, %arg7: memref<2560x128xf32, #tpu.memory_space<vmem>>, %arg8: memref<1x2560xf32, #tpu.memory_space<vmem>>) attributes {dimension_semantics = [#tpu.dimension_semantics<arbitrary>], iteration_bounds = array<i64: 125>, scalar_prefetch = 0 : i64, scratch_operands = 0 : i64, tpu.core_type = #tpu.core_type<tc>, window_params = [{transform_indices = @transform_0, window_bounds = array<i64: 2560, 128>}, {transform_indices = @transform_1, window_bounds = array<i64: 2560, 16>}, {transform_indices = @transform_2, window_bounds = array<i64: 1, 2560>}, {pipeline_mode = #tpu.pipeline_mode<synchronous>, transform_indices = @transform_3, window_bounds = array<i64: 128, 144>}, {pipeline_mode = #tpu.pipeline_mode<synchronous>, transform_indices = @transform_4, window_bounds = array<i64: 128, 128>}, {pipeline_mode = #tpu.pipeline_mode<synchronous>, transform_indices = @transform_5, window_bounds = array<i64: 1, 128>}, {transform_indices = @transform_6, window_bounds = array<i64: 2560, 128>}, {transform_indices = @transform_7, window_bounds = array<i64: 1, 2560>}]} {
    %get3A = arith.constant 0 : index
    %get3A_0 = arith.constant 0 : index
    %get3A_1 = vector.load %arg1[%get3A, %get3A_0] : memref<2560x128xf32, #tpu.memory_space<vmem>>, vector<2560x128xf32>
    %get3A_2 = arith.constant 0 : index
    %get3A_3 = arith.constant 0 : index
    %get3A_4 = vector.load %arg2[%get3A_2, %get3A_3] : memref<2560x16xf32, #tpu.memory_space<vmem>>, vector<2560x16xf32>
    %convert_element_type3A = arith.truncf %get3A_4 : vector<2560x16xf32> to vector<2560x16xbf16>
    %get3A_5 = arith.constant 0 : index
    %get3A_6 = arith.constant 0 : index
    %get3A_7 = vector.load %arg4[%get3A_5, %get3A_6] : memref<128x144xf32, #tpu.memory_space<vmem>>, vector<128x144xf32>
    %slice3A = vector.extract_strided_slice %get3A_7 {offsets = [0, 128], sizes = [128, 16], strides = [1, 1]} : vector<128x144xf32> to vector<128x16xf32>
    %convert_element_type3A_8 = arith.truncf %slice3A : vector<128x16xf32> to vector<128x16xbf16>
    %dot_general3A = arith.constant dense<0.000000e+00> : vector<2560x128xf32>
    %dot_general3A_9 = tpu.matmul %convert_element_type3A, %convert_element_type3A_8, %dot_general3A {dimension_numbers = #tpu.dot_dimension_numbers<[1], [1], [0], [0], [0, 0, 1, 0], [], []>, transpose_lhs_hint = false} : vector<2560x16xbf16>, vector<128x16xbf16>, vector<2560x128xf32> -> vector<2560x128xf32>
    %add3A = arith.addf %get3A_1, %dot_general3A_9 : vector<2560x128xf32>
    %ge3A = arith.constant 0.000000e+00 : f32
    %ge3A_10 = vector.broadcast %ge3A : f32 to vector<2560x128xf32>
    %ge3A_11 = arith.cmpf oge, %add3A, %ge3A_10 : vector<2560x128xf32>
    %mul3A = arith.constant 0.00999999977 : f32
    %mul3A_12 = vector.broadcast %mul3A : f32 to vector<2560x128xf32>
    %mul3A_13 = arith.mulf %mul3A_12, %add3A : vector<2560x128xf32>
    %select_n3A = arith.select %ge3A_11, %add3A, %mul3A_13 : vector<2560x128xi1>, vector<2560x128xf32>
    %convert_element_type3A_14 = arith.truncf %select_n3A : vector<2560x128xf32> to vector<2560x128xbf16>
    %get3A_15 = arith.constant 0 : index
    %get3A_16 = arith.constant 0 : index
    %get3A_17 = vector.load %arg5[%get3A_15, %get3A_16] : memref<128x128xf32, #tpu.memory_space<vmem>>, vector<128x128xf32>
    %convert_element_type3A_18 = arith.truncf %get3A_17 : vector<128x128xf32> to vector<128x128xbf16>
    %dot_general3A_19 = arith.constant dense<0.000000e+00> : vector<2560x128xf32>
    %dot_general3A_20 = tpu.matmul %convert_element_type3A_14, %convert_element_type3A_18, %dot_general3A_19 {dimension_numbers = #tpu.dot_dimension_numbers<[1], [1], [0], [0], [0, 0, 1, 0], [], []>, transpose_lhs_hint = false} : vector<2560x128xbf16>, vector<128x128xbf16>, vector<2560x128xf32> -> vector<2560x128xf32>
    %get3A_21 = arith.constant 0 : index
    %get3A_22 = arith.constant 0 : index
    %get3A_23 = vector.load %arg6[%get3A_21, %get3A_22] : memref<1x128xf32, #tpu.memory_space<vmem>>, vector<1x128xf32>
    %mul3A_24 = vector.broadcast %get3A_23 : vector<1x128xf32> to vector<2560x128xf32>
    %mul3A_25 = arith.mulf %select_n3A, %mul3A_24 : vector<2560x128xf32>
    %reduce_sum3A = arith.constant dense<0.000000e+00> : vector<2560xf32>
    %reduce_sum3A_26 = vector.multi_reduction <add>, %mul3A_25, %reduce_sum3A [1] : vector<2560x128xf32> to vector<2560xf32>
    %broadcast_in_dim3A = vector.shape_cast %reduce_sum3A_26 : vector<2560xf32> to vector<2560x1xf32>
    %get3A_27 = arith.constant 0 : index
    %get3A_28 = arith.constant 0 : index
    %get3A_29 = vector.load %arg3[%get3A_27, %get3A_28] : memref<1x2560xf32, #tpu.memory_space<vmem>>, vector<1x2560xf32>
    %transpose3A = tpu.transpose %get3A_29, [1, 0] : vector<1x2560xf32> -> vector<2560x1xf32>
    %add3A_30 = arith.addf %broadcast_in_dim3A, %transpose3A : vector<2560x1xf32>
    %ge3A_31 = arith.constant 0.000000e+00 : f32
    %ge3A_32 = vector.broadcast %ge3A_31 : f32 to vector<2560x1xf32>
    %ge3A_33 = arith.cmpf oge, %add3A_30, %ge3A_32 : vector<2560x1xf32>
    %mul3A_34 = arith.constant 0.00999999977 : f32
    %mul3A_35 = vector.broadcast %mul3A_34 : f32 to vector<2560x1xf32>
    %mul3A_36 = arith.mulf %mul3A_35, %add3A_30 : vector<2560x1xf32>
    %select_n3A_37 = arith.select %ge3A_33, %add3A_30, %mul3A_36 : vector<2560x1xi1>, vector<2560x1xf32>
    %sub3A = arith.constant 2.000000e+01 : f32
    %sub3A_38 = vector.broadcast %sub3A : f32 to vector<2560x1xf32>
    %sub3A_39 = arith.subf %select_n3A_37, %sub3A_38 : vector<2560x1xf32>
    %exp3A = math.exp %sub3A_39 : vector<2560x1xf32>
    %mul3A_40 = vector.broadcast %exp3A : vector<2560x1xf32> to vector<2560x128xf32>
    %mul3A_41 = arith.mulf %dot_general3A_20, %mul3A_40 : vector<2560x128xf32>
    %swap3A = arith.constant 0 : index
    %swap3A_42 = arith.constant 0 : index
    %swap3A_43 = vector.load %arg7[%swap3A, %swap3A_42] : memref<2560x128xf32, #tpu.memory_space<vmem>>, vector<2560x128xf32>
    tpu.vector_store %arg7[%swap3A, %swap3A_42], %mul3A_41 {strides = array<i32>} : memref<2560x128xf32, #tpu.memory_space<vmem>>, vector<2560x128xf32>,
    %transpose3A_44 = tpu.transpose %exp3A, [1, 0] : vector<2560x1xf32> -> vector<1x2560xf32>
    %swap3A_45 = arith.constant 0 : index
    %swap3A_46 = arith.constant 0 : index
    %swap3A_47 = vector.load %arg8[%swap3A_45, %swap3A_46] : memref<1x2560xf32, #tpu.memory_space<vmem>>, vector<1x2560xf32>
    tpu.vector_store %arg8[%swap3A_45, %swap3A_46], %transpose3A_44 {strides = array<i32>} : memref<1x2560xf32, #tpu.memory_space<vmem>>, vector<1x2560xf32>,
    return
  }
  func.func @transform_0(%arg0: i32) -> (i32, i32) {
    %c0_i32 = arith.constant 0 : i32
    %c0_i32_0 = arith.constant 0 : i32
    return %arg0, %c0_i32 : i32, i32
  }
  func.func @transform_1(%arg0: i32) -> (i32, i32) {
    %c0_i32 = arith.constant 0 : i32
    %c0_i32_0 = arith.constant 0 : i32
    return %arg0, %c0_i32 : i32, i32
  }
  func.func @transform_2(%arg0: i32) -> (i32, i32) {
    %c0_i32 = arith.constant 0 : i32
    %c0_i32_0 = arith.constant 0 : i32
    return %c0_i32, %arg0 : i32, i32
  }
  func.func @transform_3(%arg0: i32) -> (i32, i32) {
    %c0_i32 = arith.constant 0 : i32
    %c0_i32_0 = arith.constant 0 : i32
    %c0_i32_1 = arith.constant 0 : i32
    return %c0_i32, %c0_i32_0 : i32, i32
  }
  func.func @transform_4(%arg0: i32) -> (i32, i32) {
    %c0_i32 = arith.constant 0 : i32
    %c0_i32_0 = arith.constant 0 : i32
    %c0_i32_1 = arith.constant 0 : i32
    return %c0_i32, %c0_i32_0 : i32, i32
  }
  func.func @transform_5(%arg0: i32) -> (i32, i32) {
    %c0_i32 = arith.constant 0 : i32
    %c0_i32_0 = arith.constant 0 : i32
    %c0_i32_1 = arith.constant 0 : i32
    return %c0_i32, %c0_i32_0 : i32, i32
  }
  func.func @transform_6(%arg0: i32) -> (i32, i32) {
    %c0_i32 = arith.constant 0 : i32
    %c0_i32_0 = arith.constant 0 : i32
    return %arg0, %c0_i32 : i32, i32
  }
  func.func @transform_7(%arg0: i32) -> (i32, i32) {
    %c0_i32 = arith.constant 0 : i32
    %c0_i32_0 = arith.constant 0 : i32
    return %c0_i32, %arg0 : i32, i32
  }
}

module attributes {stable_mosaic.version = 14 : i64} {
  func.func @_node_post_body(%arg0: i32, %arg1: memref<1024x128xf32, #tpu.memory_space<vmem>>, %arg2: memref<1024x128xf32, #tpu.memory_space<vmem>>, %arg3: memref<2x1024x1xf32, #tpu.memory_space<vmem>>, %arg4: memref<1024x128xf32, #tpu.memory_space<vmem>>, %arg5: memref<1x128xf32, #tpu.memory_space<vmem>>, %arg6: memref<384x128xf32, #tpu.memory_space<vmem>>, %arg7: memref<384x128xf32, #tpu.memory_space<vmem>>, %arg8: memref<1x384xf32, #tpu.memory_space<vmem>>, %arg9: memref<1x384xf32, #tpu.memory_space<vmem>>, %arg10: memref<1024x128xf32, #tpu.memory_space<vmem>>) attributes {dimension_semantics = [#tpu.dimension_semantics<arbitrary>], iteration_bounds = array<i64: 10>, scalar_prefetch = 0 : i64, scratch_operands = 0 : i64, tpu.core_type = #tpu.core_type<tc>, window_params = [{transform_indices = @transform_0, window_bounds = array<i64: 1024, 128>}, {transform_indices = @transform_1, window_bounds = array<i64: 1024, 128>}, {transform_indices = @transform_2, window_bounds = array<i64: 2, 1024, 1>}, {transform_indices = @transform_3, window_bounds = array<i64: 1024, 128>}, {pipeline_mode = #tpu.pipeline_mode<synchronous>, transform_indices = @transform_4, window_bounds = array<i64: 1, 128>}, {pipeline_mode = #tpu.pipeline_mode<synchronous>, transform_indices = @transform_5, window_bounds = array<i64: 384, 128>}, {pipeline_mode = #tpu.pipeline_mode<synchronous>, transform_indices = @transform_6, window_bounds = array<i64: 384, 128>}, {pipeline_mode = #tpu.pipeline_mode<synchronous>, transform_indices = @transform_7, window_bounds = array<i64: 1, 384>}, {pipeline_mode = #tpu.pipeline_mode<synchronous>, transform_indices = @transform_8, window_bounds = array<i64: 1, 384>}, {transform_indices = @transform_9, window_bounds = array<i64: 1024, 128>}]} {
    %get3A = arith.constant 0 : index
    %get3A_0 = arith.constant 0 : index
    %get3A_1 = vector.load %arg1[%get3A, %get3A_0] : memref<1024x128xf32, #tpu.memory_space<vmem>>, vector<1024x128xf32>
    %get3A_2 = arith.constant 0 : index
    %get3A_3 = arith.constant 0 : index
    %get3A_4 = vector.load %arg2[%get3A_2, %get3A_3] : memref<1024x128xf32, #tpu.memory_space<vmem>>, vector<1024x128xf32>
    %add3A = arith.addf %get3A_1, %get3A_4 : vector<1024x128xf32>
    %get3A_5 = arith.constant 0 : index
    %get3A_6 = arith.constant 0 : index
    %get3A_7 = arith.constant 0 : index
    %get3A_8 = vector.load %arg3[%get3A_5, %get3A_6, %get3A_7] : memref<2x1024x1xf32, #tpu.memory_space<vmem>>, vector<2x1024x1xf32>
    %slice3A = vector.extract_strided_slice %get3A_8 {offsets = [0, 0, 0], sizes = [1, 1024, 1], strides = [1, 1, 1]} : vector<2x1024x1xf32> to vector<1x1024x1xf32>
    %squeeze3A = vector.shape_cast %slice3A : vector<1x1024x1xf32> to vector<1024x1xf32>
    %get3A_9 = arith.constant 0 : index
    %get3A_10 = arith.constant 0 : index
    %get3A_11 = arith.constant 0 : index
    %get3A_12 = vector.load %arg3[%get3A_9, %get3A_10, %get3A_11] : memref<2x1024x1xf32, #tpu.memory_space<vmem>>, vector<2x1024x1xf32>
    %slice3A_13 = vector.extract_strided_slice %get3A_12 {offsets = [1, 0, 0], sizes = [1, 1024, 1], strides = [1, 1, 1]} : vector<2x1024x1xf32> to vector<1x1024x1xf32>
    %squeeze3A_14 = vector.shape_cast %slice3A_13 : vector<1x1024x1xf32> to vector<1024x1xf32>
    %add3A_15 = arith.addf %squeeze3A, %squeeze3A_14 : vector<1024x1xf32>
    %add3A_16 = arith.constant 1.000000e-16 : f32
    %add3A_17 = vector.broadcast %add3A_16 : f32 to vector<1024x1xf32>
    %add3A_18 = arith.addf %add3A_15, %add3A_17 : vector<1024x1xf32>
    %div3A = vector.broadcast %add3A_18 : vector<1024x1xf32> to vector<1024x128xf32>
    %div3A_19 = arith.divf %add3A, %div3A : vector<1024x128xf32>
    %get3A_20 = arith.constant 0 : index
    %get3A_21 = arith.constant 0 : index
    %get3A_22 = vector.load %arg5[%get3A_20, %get3A_21] : memref<1x128xf32, #tpu.memory_space<vmem>>, vector<1x128xf32>
    %add3A_23 = vector.broadcast %get3A_22 : vector<1x128xf32> to vector<1024x128xf32>
    %add3A_24 = arith.addf %div3A_19, %add3A_23 : vector<1024x128xf32>
    %gt3A = arith.constant 0.000000e+00 : f32
    %gt3A_25 = vector.broadcast %gt3A : f32 to vector<1024x128xf32>
    %gt3A_26 = arith.cmpf ogt, %add3A_24, %gt3A_25 : vector<1024x128xf32>
    %exp3A = math.exp %add3A_24 : vector<1024x128xf32>
    %sub3A = arith.constant 1.000000e+00 : f32
    %sub3A_27 = vector.broadcast %sub3A : f32 to vector<1024x128xf32>
    %sub3A_28 = arith.subf %exp3A, %sub3A_27 : vector<1024x128xf32>
    %select_n3A = arith.select %gt3A_26, %add3A_24, %sub3A_28 : vector<1024x128xi1>, vector<1024x128xf32>
    %get3A_29 = arith.constant 0 : index
    %get3A_30 = arith.constant 0 : index
    %get3A_31 = vector.load %arg4[%get3A_29, %get3A_30] : memref<1024x128xf32, #tpu.memory_space<vmem>>, vector<1024x128xf32>
    %get3A_32 = arith.constant 0 : index
    %get3A_33 = arith.constant 0 : index
    %get3A_34 = vector.load %arg6[%get3A_32, %get3A_33] : memref<384x128xf32, #tpu.memory_space<vmem>>, vector<384x128xf32>
    %dot_general3A = arith.constant dense<0.000000e+00> : vector<1024x384xf32>
    %dot_general3A_35 = tpu.matmul %select_n3A, %get3A_34, %dot_general3A {dimension_numbers = #tpu.dot_dimension_numbers<[1], [1], [0], [0], [0, 0, 1, 0], [], []>, transpose_lhs_hint = false} : vector<1024x128xf32>, vector<384x128xf32>, vector<1024x384xf32> -> vector<1024x384xf32>
    %get3A_36 = arith.constant 0 : index
    %get3A_37 = arith.constant 0 : index
    %get3A_38 = vector.load %arg8[%get3A_36, %get3A_37] : memref<1x384xf32, #tpu.memory_space<vmem>>, vector<1x384xf32>
    %add3A_39 = vector.broadcast %get3A_38 : vector<1x384xf32> to vector<1024x384xf32>
    %add3A_40 = arith.addf %dot_general3A_35, %add3A_39 : vector<1024x384xf32>
    %get3A_41 = arith.constant 0 : index
    %get3A_42 = arith.constant 0 : index
    %get3A_43 = vector.load %arg7[%get3A_41, %get3A_42] : memref<384x128xf32, #tpu.memory_space<vmem>>, vector<384x128xf32>
    %dot_general3A_44 = arith.constant dense<0.000000e+00> : vector<1024x384xf32>
    %dot_general3A_45 = tpu.matmul %get3A_31, %get3A_43, %dot_general3A_44 {dimension_numbers = #tpu.dot_dimension_numbers<[1], [1], [0], [0], [0, 0, 1, 0], [], []>, transpose_lhs_hint = false} : vector<1024x128xf32>, vector<384x128xf32>, vector<1024x384xf32> -> vector<1024x384xf32>
    %get3A_46 = arith.constant 0 : index
    %get3A_47 = arith.constant 0 : index
    %get3A_48 = vector.load %arg9[%get3A_46, %get3A_47] : memref<1x384xf32, #tpu.memory_space<vmem>>, vector<1x384xf32>
    %add3A_49 = vector.broadcast %get3A_48 : vector<1x384xf32> to vector<1024x384xf32>
    %add3A_50 = arith.addf %dot_general3A_45, %add3A_49 : vector<1024x384xf32>
    %slice3A_51 = vector.extract_strided_slice %add3A_40 {offsets = [0, 0], sizes = [1024, 128], strides = [1, 1]} : vector<1024x384xf32> to vector<1024x128xf32>
    %slice3A_52 = vector.extract_strided_slice %add3A_50 {offsets = [0, 0], sizes = [1024, 128], strides = [1, 1]} : vector<1024x384xf32> to vector<1024x128xf32>
    %add3A_53 = arith.addf %slice3A_51, %slice3A_52 : vector<1024x128xf32>
    %logistic3A = arith.negf %add3A_53 : vector<1024x128xf32>
    %logistic3A_54 = math.exp %logistic3A : vector<1024x128xf32>
    %logistic3A_55 = arith.constant 1.000000e+00 : f32
    %logistic3A_56 = vector.broadcast %logistic3A_55 : f32 to vector<1024x128xf32>
    %logistic3A_57 = arith.addf %logistic3A_56, %logistic3A_54 : vector<1024x128xf32>
    %logistic3A_58 = arith.divf %logistic3A_56, %logistic3A_57 : vector<1024x128xf32>
    %slice3A_59 = vector.extract_strided_slice %add3A_40 {offsets = [0, 128], sizes = [1024, 128], strides = [1, 1]} : vector<1024x384xf32> to vector<1024x128xf32>
    %slice3A_60 = vector.extract_strided_slice %add3A_50 {offsets = [0, 128], sizes = [1024, 128], strides = [1, 1]} : vector<1024x384xf32> to vector<1024x128xf32>
    %add3A_61 = arith.addf %slice3A_59, %slice3A_60 : vector<1024x128xf32>
    %logistic3A_62 = arith.negf %add3A_61 : vector<1024x128xf32>
    %logistic3A_63 = math.exp %logistic3A_62 : vector<1024x128xf32>
    %logistic3A_64 = arith.constant 1.000000e+00 : f32
    %logistic3A_65 = vector.broadcast %logistic3A_64 : f32 to vector<1024x128xf32>
    %logistic3A_66 = arith.addf %logistic3A_65, %logistic3A_63 : vector<1024x128xf32>
    %logistic3A_67 = arith.divf %logistic3A_65, %logistic3A_66 : vector<1024x128xf32>
    %slice3A_68 = vector.extract_strided_slice %add3A_40 {offsets = [0, 256], sizes = [1024, 128], strides = [1, 1]} : vector<1024x384xf32> to vector<1024x128xf32>
    %slice3A_69 = vector.extract_strided_slice %add3A_50 {offsets = [0, 256], sizes = [1024, 128], strides = [1, 1]} : vector<1024x384xf32> to vector<1024x128xf32>
    %mul3A = arith.mulf %logistic3A_58, %slice3A_69 : vector<1024x128xf32>
    %add3A_70 = arith.addf %slice3A_68, %mul3A : vector<1024x128xf32>
    %tanh3A = math.tanh %add3A_70 : vector<1024x128xf32>
    %sub3A_71 = arith.constant 1.000000e+00 : f32
    %sub3A_72 = vector.broadcast %sub3A_71 : f32 to vector<1024x128xf32>
    %sub3A_73 = arith.subf %sub3A_72, %logistic3A_67 : vector<1024x128xf32>
    %mul3A_74 = arith.mulf %sub3A_73, %tanh3A : vector<1024x128xf32>
    %mul3A_75 = arith.mulf %logistic3A_67, %get3A_31 : vector<1024x128xf32>
    %add3A_76 = arith.addf %mul3A_74, %mul3A_75 : vector<1024x128xf32>
    %swap3A = arith.constant 0 : index
    %swap3A_77 = arith.constant 0 : index
    %swap3A_78 = vector.load %arg10[%swap3A, %swap3A_77] : memref<1024x128xf32, #tpu.memory_space<vmem>>, vector<1024x128xf32>
    tpu.vector_store %arg10[%swap3A, %swap3A_77], %add3A_76 {strides = array<i32>} : memref<1024x128xf32, #tpu.memory_space<vmem>>, vector<1024x128xf32>,
    return
  }
  func.func @transform_0(%arg0: i32) -> (i32, i32) {
    %c0_i32 = arith.constant 0 : i32
    %c0_i32_0 = arith.constant 0 : i32
    return %arg0, %c0_i32 : i32, i32
  }
  func.func @transform_1(%arg0: i32) -> (i32, i32) {
    %c0_i32 = arith.constant 0 : i32
    %c0_i32_0 = arith.constant 0 : i32
    return %arg0, %c0_i32 : i32, i32
  }
  func.func @transform_2(%arg0: i32) -> (i32, i32, i32) {
    %c0_i32 = arith.constant 0 : i32
    %c0_i32_0 = arith.constant 0 : i32
    %c0_i32_1 = arith.constant 0 : i32
    return %c0_i32, %arg0, %c0_i32_0 : i32, i32, i32
  }
  func.func @transform_3(%arg0: i32) -> (i32, i32) {
    %c0_i32 = arith.constant 0 : i32
    %c0_i32_0 = arith.constant 0 : i32
    return %arg0, %c0_i32 : i32, i32
  }
  func.func @transform_4(%arg0: i32) -> (i32, i32) {
    %c0_i32 = arith.constant 0 : i32
    %c0_i32_0 = arith.constant 0 : i32
    %c0_i32_1 = arith.constant 0 : i32
    return %c0_i32, %c0_i32_0 : i32, i32
  }
  func.func @transform_5(%arg0: i32) -> (i32, i32) {
    %c0_i32 = arith.constant 0 : i32
    %c0_i32_0 = arith.constant 0 : i32
    %c0_i32_1 = arith.constant 0 : i32
    return %c0_i32, %c0_i32_0 : i32, i32
  }
  func.func @transform_6(%arg0: i32) -> (i32, i32) {
    %c0_i32 = arith.constant 0 : i32
    %c0_i32_0 = arith.constant 0 : i32
    %c0_i32_1 = arith.constant 0 : i32
    return %c0_i32, %c0_i32_0 : i32, i32
  }
  func.func @transform_7(%arg0: i32) -> (i32, i32) {
    %c0_i32 = arith.constant 0 : i32
    %c0_i32_0 = arith.constant 0 : i32
    %c0_i32_1 = arith.constant 0 : i32
    return %c0_i32, %c0_i32_0 : i32, i32
  }
  func.func @transform_8(%arg0: i32) -> (i32, i32) {
    %c0_i32 = arith.constant 0 : i32
    %c0_i32_0 = arith.constant 0 : i32
    %c0_i32_1 = arith.constant 0 : i32
    return %c0_i32, %c0_i32_0 : i32, i32
  }
  func.func @transform_9(%arg0: i32) -> (i32, i32) {
    %c0_i32 = arith.constant 0 : i32
    %c0_i32_0 = arith.constant 0 : i32
    return %arg0, %c0_i32 : i32, i32
  }
}

</mosaic_0001>

<sc_bundles>
// kernel: kernel.10.cloned.1.call-start
scs
__scs_entry_jumppad:
0x0: {  	(pc) =	sbr.rel $0x88, $3  }
0x1: {  	(tag) =	ssettag $0x0;
	lr =	simm.s32 $0x1  }
0x2: {  	[smem:$0x3F93] =	sst lr;
	_ =	strace $0xD0000000  }
0x3: {  	_ = 	snop  }
0x4: {  	_ = 	snop  }
0x5: {  	_ = 	snop  }
0x6: {  	_ = 	snop  }
0x7: {  	_ = 	snop  }
__scs_overlays_trampoline_lowered:
0x8: {  	[smem:$0x3FA2] =	sst s0  }
0x9: {  	[smem:$0x3FA3] =	sst s1  }
0xa: {  	[smem:$0x3FA4] =	sst s2  }
0xb: {  	[smem:$0x3FA5] =	sst s3  }
0xc: {  	[smem:$0x3FA6] =	sst s4  }
0xd: {  	[smem:$0x3FA7] =	sst s5  }
0xe: {  	[smem:$0x3FA8] =	sst s6  }
0xf: {  	[smem:$0x3FA9] =	sst s7  }
0x10: {  	[smem:$0x3FAA] =	sst s8  }
0x11: {  	[smem:$0x3FAB] =	sst s9;
	s0 =	simm.s32 @!p0 $0x0  }
0x12: {  	s1 =	sld [smem:$0x3F91];
	s0 =	simm.s32 @p0 $0x1  }
0x13: {  	[smem:$0x3FAC] =	sst s0;
	s0 =	simm.s32 @!p1 $0x0  }
0x14: {  	s2 =	sld [smem:$0x3F90];
	s0 =	simm.s32 @p1 $0x1  }
0x15: {  	[smem:$0x3FAD] =	sst s0;
	s0 =	simm.s32 @!p2 $0x0  }
0x16: {  	s3 =	sld [smem:$0x3FDB];
	s0 =	simm.s32 @p2 $0x1  }
0x17: {  	s4 =	simm.s32 $0x1BF5;
	[smem:$0x3FAF] =	sst s0  }
0x18: {  	s0 =	sld [smem:$0x3F92];
	_ =	swait.ge [sflag:s4], $0x0  }
0x19: {  	s7 =	sld [smem:$0x3F93]  }
0x1a: {  	s8 =	sadd.s32 $0xFFFFE003, lr  }
0x1b: {  	s9 =	sadd.s32 $0xFFFFFEF7, lr;
	s5 =	simm.s32 $0xFFFFFFFF;
	p2 =	slt.u32 s8, $0xFFFFF086  }
0x1c: {  	p1 =	slt.u32 s9, $0xF7A;
	s5 =	simm.s32 @!p2 $0x0  }
0x1d: {  	s5 =	simm.s32 @p1 $0x1;
	p0 =	seq.s32 s7, s2  }
0x1e: {  	s7 =	smul.u32 @!p0 $0xF7A, s2;
	p2 =	seq.s32 @!p0 s5, $0x0  }
0x1f: {  	s9 =	smul.u32 $0xF7A, s1;
	s8 =	simm.s32 @!p0 $0x1BF5;
	p2 =	por !p2, p0  }
0x20: {  	[sflag:s8] =	ssyncset.s32 @!p0 $0xFFFFF086;
	s6 =	sadd.s32 @!p0 s3, s7;
	s7 =	simm.s32 @!p0 $0x108  }
0x21: {  	s3 =	sadd.s32 s3, s9;
	s6 =	sadd.s32 @!p0 $0x88, s6;
	s7 =	simm.s32 @p2 $0x1082  }
0x22: {  	[simem:s7], [sflag:s8] =	dma.local @!p0 [hbm:s6], $0xF7A  }
0x23: {  	s9 =	sor.u32 $0xD0000000, s2;
	s6 =	simm.s32 $0x108;
	_ =	swait.ge @!p0 [sflag:s8], $0x0  }
0x24: {  	s3 =	sadd.s32 $0x88, s3;
	s6 =	simm.s32 @!p1 $0x1082;
	[sflag:s4] =	ssyncset.s32 $0xFFFFF086  }
0x25: {  	[simem:s6], [sflag:s4] =	dma.local [hbm:s3], $0xF7A  }
0x26: {  	[smem:$0x3F93] =	sst s1;
	(tag) =	ssettag s2;
	_ =	strace s9  }
0x27: {  	s1 =	sld [smem:$0x3FA3]  }
0x28: {  	s2 =	sld [smem:$0x3FA4]  }
0x29: {  	s4 =	sld [smem:$0x3FA6]  }
0x2a: {  	p0 =	seq.s32 s5, $0x0;
	s5 =	sld [smem:$0x3FA7]  }
0x2b: {  	s6 =	sld [smem:$0x3FA8]  }
0x2c: {  	s7 =	sld [smem:$0x3FA9]  }
0x2d: {  	s3 =	simm.s32 $0x108;
	s8 =	sld [smem:$0x3FAA]  }
0x2e: {  	s3 =	simm.s32 @!p0 $0x1082;
	s9 =	sld [smem:$0x3FAB]  }
0x2f: {  	lr =	sadd.s32 s0, s3;
	s0 =	sld [smem:$0x3FA2]  }
0x30: {  	s3 =	sld [smem:$0x3FA5]  }
0x31: {  	[smem:$0x3FAE] =	sst s10  }
0x32: {  	s10 =	sld [smem:$0x3FAC];
	_ =	sdelay $0x3  }
0x33: {  	p0 =	seq.s32 s10, $0x1;
	s10 =	sld [smem:$0x3FAE];
	_ =	sdelay $0x3  }
0x34: {  	[smem:$0x3FAE] =	sst s10  }
0x35: {  	s10 =	sld [smem:$0x3FAD];
	_ =	sdelay $0x3  }
0x36: {  	p1 =	seq.s32 s10, $0x1;
	s10 =	sld [smem:$0x3FAE];
	_ =	sdelay $0x3  }
0x37: {  	[smem:$0x3FAE] =	sst s10  }
0x38: {  	s10 =	sld [smem:$0x3FAF]  }
0x39: {  	_ = 	snop;
	(pc) =	sbr.ind lr, $3  }
0x3a: {  	_ = 	snop  }
0x3b: {  	_ = 	snop  }
0x3c: {  	p2 =	seq.s32 s10, $0x1;
	s10 =	sld [smem:$0x3FAE]  }
0x3d: {  	_ =	shalt  }
0x3e: {  	_ =	shalt  }
0x3f: {  	_ =	shalt  }
0x40: {  	_ =	shalt  }
0x41: {  	_ =	shalt  }
0x42: {  	_ =	shalt  }
0x43: {  	_ =	shalt  }
0x44: {  	_ =	shalt  }
0x45: {  	_ =	shalt  }
0x46: {  	_ =	shalt  }
0x47: {  	_ =	shalt  }
0x48: {  	_ =	shalt  }
0x49: {  	_ =	shalt  }
0x4a: {  	_ =	shalt  }
0x4b: {  	_ =	shalt  }
0x4c: {  	_ =	shalt  }
0x4d: {  	_ =	shalt  }
0x4e: {  	_ =	shalt  }
0x4f: {  	_ =	shalt  }
0x50: {  	_ =	shalt  }
0x51: {  	_ =	shalt  }
0x52: {  	_ =	shalt  }
0x53: {  	_ =	shalt  }
0x54: {  	_ =	shalt  }
0x55: {  	_ =	shalt  }
0x56: {  	_ =	shalt  }
0x57: {  	_ =	shalt  }
0x58: {  	_ =	shalt  }
0x59: {  	_ =	shalt  }
0x5a: {  	_ =	shalt  }
0x5b: {  	_ =	shalt  }
0x5c: {  	_ =	shalt  }
0x5d: {  	_ =	shalt  }
0x5e: {  	_ =	shalt  }
0x5f: {  	_ =	shalt  }
0x60: {  	_ =	shalt  }
0x61: {  	_ =	shalt  }
0x62: {  	_ =	shalt  }
0x63: {  	_ =	shalt  }
0x64: {  	_ =	shalt  }
0x65: {  	_ =	shalt  }
0x66: {  	_ =	shalt  }
0x67: {  	_ =	shalt  }
0x68: {  	_ =	shalt  }
0x69: {  	_ =	shalt  }
0x6a: {  	_ =	shalt  }
0x6b: {  	_ =	shalt  }
0x6c: {  	_ =	shalt  }
0x6d: {  	_ =	shalt  }
0x6e: {  	_ =	shalt  }
0x6f: {  	_ =	shalt  }
0x70: {  	_ =	shalt  }
0x71: {  	_ =	shalt  }
0x72: {  	_ =	shalt  }
0x73: {  	_ =	shalt  }
0x74: {  	_ =	shalt  }
0x75: {  	_ =	shalt  }
0x76: {  	_ =	shalt  }
0x77: {  	_ =	shalt  }
0x78: {  	_ =	shalt  }
0x79: {  	_ =	shalt  }
0x7a: {  	_ =	shalt  }
0x7b: {  	_ =	shalt  }
0x7c: {  	_ =	shalt  }
0x7d: {  	_ =	shalt  }
0x7e: {  	_ =	shalt  }
0x7f: {  	_ =	shalt  }
0x80: {  	_ =	shalt  }
0x81: {  	_ =	shalt  }
0x82: {  	_ =	shalt  }
0x83: {  	_ =	shalt  }
0x84: {  	_ =	shalt  }
0x85: {  	_ =	shalt  }
0x86: {  	_ =	shalt  }
0x87: {  	_ =	shalt  }
.Lfunc_end0:
.L_simem_size_0:
called_computation.1_lowered:
.L_overlay_start_0:
0x88: {  	s2 =	sld [smem:$0x3FD9]  }
0x89: {  	s3 =	sld [smem:$0x3FFE];
	_ =	sdelay $0x1  }
0x8a: {  	s1 =	srdreg.scid  }
0x8b: {  	s0 =	sand.u32 $0x1, s1  }
0x8c: {  	s17 =	sshll.u32 s0, $0xA;
	s2 =	sadd.s32 s3, s2  }
0x8d: {  	s2 =	sadd.s32 s2, s17  }
0x8e: {  	[smem:$0x3FBA] =	sst s2  }
0x8f: {  	_ = 	snop  }
0x90: {  	s2 =	sld [smem:$0x3FD0];
	(tm) =	ssettm $0x1  }
0x91: {  	s18 =	sld [smem:$0x3FFB];
	_ =	sdelay $0x3  }
0x92: {  	_ =	strace s18  }
0x93: {  	s3 =	sld [smem:$0x3FFC];
	_ =	sdelay $0x3  }
0x94: {  	_ =	strace s3  }
0x95: {  	s3 =	sld [smem:$0x3FFD];
	_ =	sdelay $0x3  }
0x96: {  	_ =	strace s3  }
0x97: {  	_ =	strace $0x8FFFFFFF  }
0x98: {  	s19 =	sld [smem:$0x3FDB];
	_ =	sdelay $0x1  }
0x99: {  	s4 =	simm.s32 $_scs_section_size  }
0x9a: {  	s5 =	simm.s32 $_size__tile_overlayer_lowered;
	s6 =	simm.s32 $_tile_overlayer_lowered  }
0x9b: {  	s22 =	simm.s32 $0x1BFF;
	s21 =	sshll.u32 s6, $0x1;
	s3 =	sadd.s32 s4, s19  }
0x9c: {  	s7 =	simm.s32 $0x0;
	s20 =	sshll.u32 s5, $0x1;
	s5 =	sadd.s32 s21, s3  }
0x9d: {  	[timem:s7], [sflag:s22] =	dma.local [hbm:s5], s20  }
0x9e: {  	_ =	swait.ge [sflag:s22], s20  }
0x9f: {  	s4 =	ssub.s32 $0x0, s20;
	[sflag:s22] =	ssyncset.done $0x0  }
0xa0: {  	[sflag:s22] =	ssyncadd.s32 s4;
	_ =	sdelay $0x1  }
0xa1: {  	s23 =	simm.s32 $0x1B8B  }
0xa2: {  	_ =	swait.ge [sflag:s23], $0x1  }
0xa3: {  	[sflag:s23] =	ssyncset.done $0x0  }
0xa4: {  	s25 =	simm.s32 $0x1B8E;
	s24 =	sld [smem:$0x3FFE];
	[sflag:s23] =	ssyncadd.s32 $0xFFFFFFFF  }
0xa5: {  	s26 =	simm.s32 $execute0_lowered;
	[smem:$0x3FD2] =	sst s25  }
0xa6: {  	s5 =	sshll.u32 s26, $0x1;
	_ =	strace $0x80000054;
	[dreg:$0x1] =	wrdreg $0xFFFFFFFF  }
0xa7: {  	s28 =	simm.s32 $_size_execute0_lowered;
	s3 =	sadd.s32 s3, s5;
	[dreg:$0x0] =	wrdreg $0x0  }
0xa8: {  	s5 =	sshll.u32 s28, $0x1;
	[dreg:$0x2] =	wrdreg s3  }
0xa9: {  	[dreg:$0x3] =	wrdreg s5  }
0xaa: {  	[dreg:$0x4] =	wrdreg $0xC0  }
0xab: {  	_ =	task [dreg:s7], $0x5FFFF  }
0xac: {  	[dreg:$0x1] =	wrdreg $0xFFFFFFFF  }
0xad: {  	[dreg:$0x0] =	wrdreg $0x60  }
0xae: {  	[dreg:$0x2] =	wrdreg s24  }
0xaf: {  	[dreg:$0x3] =	wrdreg s2  }
0xb0: {  	[dreg:$0x4] =	wrdreg $0x0  }
0xb1: {  	[dreg:$0x5] =	wrdreg $0x140000  }
0xb2: {  	[dreg:$0x6] =	wrdreg $0x9  }
0xb3: {  	_ =	task.clear_ibuf [dreg:s7], $0x7FFFF;
	_ =	strace $0x90000054  }
0xb4: {  	s29 =	simm.s32 $0x9;
	_ =	strace $0x8000005E  }
0xb5: {  	_ =	swait.ge [sflag:s29], $0x1  }
0xb6: {  	[sflag:s29] =	ssyncadd.s32 $0xFFFFFFFF  }
0xb7: {  	_ =	strace $0x9000005E  }
0xb8: {  	_ =	sfence  }
0xb9: {  	s30 =	sld [smem:$0x0];
	_ =	sdelay $0x2  }
0xba: {  	s31 =	sshll.u32 s1, $0xD;
	s1 =	sshrl.u32 s1, $0x2  }
0xbb: {  	s3 =	sand.u32 $0x4000, s31;
	s1 =	sadd.s32 s1, s30  }
0xbc: {  	s0 =	sor.u32 s3, s0;
	s1 =	sshll.u32 s1, $0x11  }
0xbd: {  	s0 =	sor.u32 s1, s0  }
0xbe: {  	s0 =	sadd.s32 $0x8F2B, s0  }
0xbf: {  	[sflag:s0] =	ssyncadd.remote.s32 $0x1  }
0xc0: {  	_ =	sfence.sel $0xFFFF  }
0xc1: {  	[dreg:$0x0] =	wrdreg $0xFFFFFFFF;
	(pc) =	sbr.abs _section_cstart, $3  }
0xc2: {  	[dreg:$0x1] =	wrdreg $0xFFFFFFFF  }
0xc3: {  	_ =	task.clear_ibuf [dreg:s7], $0x2FFFF;
	_ =	strace $0x9FFFFFFF  }
0xc4: {  	(tm) =	ssettm $0x7FFFFFFF  }
0xc5: {  	_ =	shalt  }
tec
execute0_lowered:
.L_overlay_start_1:
0x0: {  	(tag) =	ssettag $0x1  }
0x1: {  	s0 =	rddreg [dreg:$0x0]  }
0x2: {  	s1 =	rddreg [dreg:$0x1]  }
0x3: {  	s29 =	rddreg [dreg:$0x2]  }
0x4: {  	s3 =	rddreg [dreg:$0x3];
	s2 =	simm.s32 $0x0;
	s4 =	srdreg.scid  }
0x5: {  	s26 =	simm.s32 $0x16A80;
	s30 =	simm.s32 $0x19370;
	[smem:$0x7FF] =	sst s2  }
0x6: {  	s2 =	stileid.u32;
	s6 =	sadd.s32 $0xA44600, s0;
	s8 =	sadd.s32 $0xE400, s0  }
0x7: {  	s16 =	sadd.s32 $0xEC00, s0;
	_ =	strace $0x80000055;
	[dreg:$0xb] =	wrdreg s8  }
0x8: {  	s4 =	sand.u32 $0x1, s4;
	s5 =	smul.u32 $0x280, s2;
	[dreg:$0xc] =	wrdreg s16  }
0x9: {  	s7 =	sadd.s32 $0x4600, s0;
	s9 =	smul.u32 $0x2800, s4;
	[dreg:$0x6] =	wrdreg s26  }
0xa: {  	s10 =	sadd.s32 $0x68800, s0;
	s11 =	smul.u32 $0x140000, s4;
	[dreg:$0x7] =	wrdreg s30  }
0xb: {  	s12 =	sshll.u32 s4, $0x4;
	s13 =	smul.u32 $0x14000, s2;
	[dreg:$0x9] =	wrdreg s6  }
0xc: {  	s4 =	ssub.s32 $0x2, s4;
	[dreg:$0xa] =	wrdreg s7;
	s12 =	sor.u32 s2, s12  }
0xd: {  	s14 =	sshrl.u32 s4, $0x1;
	s9 =	sadd.s32 s5, s9;
	s15 =	smul.u32 $0x7D, s12  }
0xe: {  	s16 =	sadd.s32 s11, s13;
	s4 =	ssub.s32 s4, s14;
	s31 =	smul.u32 $0x27100, s12  }
0xf: {  	s14 =	sadd.s32 $0x8000, s13;
	s12 =	smul.u32 $0x4E2, s12;
	s5 =	sadd.s32 s5, s3  }
0x10: {  	s9 =	sshrl.u32 s9, $0x3;
	s17 =	sshrl.u32 s16, $0x3;
	[dreg:$0x13] =	wrdreg s5  }
0x11: {  	s16 =	sadd.s32 $0xC000, s13;
	s0 =	sadd.s32 s9, s0;
	[dreg:$0x5] =	wrdreg s15  }
0x12: {  	s18 =	sadd.s32 s10, s17;
	s9 =	sadd.s32 $0x4000, s13;
	s17 =	sadd.s32 $0x10000, s13  }
0x13: {  	s22 =	sadd.s32 s11, s16;
	s1 =	sadd.s32 s1, s12;
	[dreg:$0xd] =	wrdreg s18  }
0x14: {  	s26 =	sadd.s32 s16, s29;
	s19 =	sadd.s32 s11, s9;
	[dreg:$0x15] =	wrdreg s1  }
0x15: {  	s18 =	sadd.s32 s11, s14;
	s0 =	sadd.s32 $0xEE00, s0;
	[dreg:$0x1b] =	wrdreg s26  }
0x16: {  	s24 =	sshrl.u32 s22, $0x3;
	s22 =	smax.u32 s4, $0x1;
	[dreg:$0x17] =	wrdreg s0  }
0x17: {  	s11 =	sadd.s32 s11, s17;
	s25 =	sadd.s32 s10, s24;
	[dreg:$0x18] =	wrdreg s22  }
0x18: {  	s15 =	sshrl.u32 s19, $0x3;
	s24 =	sadd.s32 s9, s29;
	[dreg:$0x10] =	wrdreg s25  }
0x19: {  	s21 =	sshrl.u32 s18, $0x3;
	s20 =	sadd.s32 s10, s15;
	[dreg:$0x19] =	wrdreg s24  }
0x1a: {  	s11 =	sshrl.u32 s11, $0x3;
	s23 =	sadd.s32 s10, s21;
	[dreg:$0xe] =	wrdreg s20  }
0x1b: {  	s28 =	sadd.s32 s10, s11;
	[dreg:$0xf] =	wrdreg s23  }
0x1c: {  	s15 =	simm.s32 $0x192D0;
	[dreg:$0x11] =	wrdreg s28  }
0x1d: {  	s30 =	sadd.s32 s13, s29;
	s21 =	sadd.s32 s7, s12;
	[dreg:$0x8] =	wrdreg s15  }
0x1e: {  	s18 =	sshll.u32 s2, $0x6;
	s25 =	sadd.s32 s14, s29;
	[dreg:$0x16] =	wrdreg s21  }
0x1f: {  	s19 =	smul.u32 $0x50000, s2;
	s8 =	sor.u32 $0x1C01, s18;
	[dreg:$0x1a] =	wrdreg s25  }
0x20: {  	s4 =	simm.s32 $0x7;
	s20 =	sadd.s32 s6, s31;
	[dreg:$0x12] =	wrdreg s8  }
0x21: {  	s23 =	sshrl.u32 s19, $0x2;
	s28 =	sadd.s32 s17, s29;
	[dreg:$0x14] =	wrdreg s20  }
0x22: {  	s31 =	sshrl.u32 s30, $0x3;
	s0 =	sadd.s32 s23, s29;
	[dreg:$0x1c] =	wrdreg s28  }
0x23: {  	s2 =	simm.s32 $0x0;
	[dreg:$0x1e] =	wrdreg s31;
	s0 =	sshrl.u32 s0, $0x3  }
0x24: {  	s6 =	simm.s32 $0x1;
	[dreg:$0x1d] =	wrdreg s0;
	s0 =	simm.s32 $0x50  }
.LBB2_1:
0x25: {  	[dreg:$0x1f] =	wrdreg s2  }
0x26: {  	s1 =	rddreg [dreg:$0xb]  }
0x27: {  	s12 =	rddreg [dreg:$0x1d]  }
0x28: {  	[spmem:s12], [sflag:s8] =	dma.local [hbm:s1], $0x800  }
0x29: {  	_ =	swait.ge [sflag:s6], $0x800  }
0x2a: {  	s13 =	rddreg [dreg:$0x19]  }
0x2b: {  	[sflag:s6] =	ssyncset.done $0x0;
	s2 =	sshrl.u32 s13, $0x3  }
0x2c: {  	[sflag:s6] =	ssyncadd.s32 $0xFFFFF800;
	[smem:$0x7F9] =	sst s2  }
0x2d: {  	[spmem:s2], [sflag:s8] =	dma.local [hbm:s1], $0x800  }
0x2e: {  	_ =	swait.ge [sflag:s6], $0x800  }
0x2f: {  	s14 =	rddreg [dreg:$0x1a]  }
0x30: {  	[sflag:s6] =	ssyncset.done $0x0;
	s2 =	sshrl.u32 s14, $0x3  }
0x31: {  	[sflag:s6] =	ssyncadd.s32 $0xFFFFF800;
	[smem:$0x7FA] =	sst s2  }
0x32: {  	[spmem:s2], [sflag:s8] =	dma.local [hbm:s1], $0x800  }
0x33: {  	_ =	swait.ge [sflag:s6], $0x800  }
0x34: {  	s15 =	rddreg [dreg:$0x1b]  }
0x35: {  	[sflag:s6] =	ssyncset.done $0x0;
	s2 =	sshrl.u32 s15, $0x3  }
0x36: {  	[sflag:s6] =	ssyncadd.s32 $0xFFFFF800;
	[smem:$0x7FB] =	sst s2  }
0x37: {  	[spmem:s2], [sflag:s8] =	dma.local [hbm:s1], $0x800  }
0x38: {  	_ =	swait.ge [sflag:s6], $0x800  }
0x39: {  	s16 =	rddreg [dreg:$0x1c]  }
0x3a: {  	[sflag:s6] =	ssyncset.done $0x0;
	s2 =	sshrl.u32 s16, $0x3  }
0x3b: {  	[sflag:s6] =	ssyncadd.s32 $0xFFFFF800;
	[smem:$0x7FC] =	sst s2  }
0x3c: {  	[spmem:s2], [sflag:s8] =	dma.local [hbm:s1], $0x800  }
0x3d: {  	_ =	swait.ge [sflag:s6], $0x800  }
0x3e: {  	s17 =	rddreg [dreg:$0x13]  }
0x3f: {  	[sflag:s6] =	ssyncset.done $0x0;
	s19 =	rddreg [dreg:$0xc];
	s18 =	sshrl.u32 s17, $0x3  }
0x40: {  	[sflag:s6] =	ssyncadd.s32 $0xFFFFF800;
	[smem:$0x7FD] =	sst s18  }
0x41: {  	[spmem:s18], [sflag:s8] =	dma.local [hbm:s19], $0x50  }
0x42: {  	_ =	swait.ge [sflag:s6], $0x50  }
0x43: {  	[sflag:s6] =	ssyncset.done $0x0  }
0x44: {  	[sflag:s6] =	ssyncadd.s32 $0xFFFFFFB0  }
0x45: {  	[bflag:$0x0] =	sbarrier.arrive $0xFFFF  }
0x46: {  	_ =	strace $0x80000056  }
0x47: {  	s20 =	simm.s32 $0x0;
	s5 =	simm.s32 $0x14280;
	s21 =	rddreg [dreg:$0x14]  }
0x48: {  	[tilespmem:s5], [sflag:$0x1] =	stream.linear.gather [hbm4b:s21+s20], $0x2800, $0x200038;
	[tilespmem:$0x193C0] =	vst v63  }
0x49: {  	s23 =	simm.s32 $0x19280;
	s22 =	rddreg [dreg:$0x15]  }
0x4a: {  	[tilespmem:s23], [sflag:$0x3] =	stream.linear.gather [hbm4b:s22+s20], $0x50, $0x200038;
	[tilespmem:$0x193C0] =	vst v63  }
0x4b: {  	s25 =	simm.s32 $0x19320;
	s24 =	rddreg [dreg:$0x16]  }
0x4c: {  	[tilespmem:s25], [sflag:$0x5] =	stream.linear.gather [hbm4b:s24+s20], $0x50, $0x200038;
	[tilespmem:$0x193C0] =	vst v63  }
0x4d: {  	p0 =	por $0x0, $0x0;
	s24 =	simm.s32 $0x1  }
0x4e: {  	p1 =	por $0x0, $0x0;
	s24 =	simm.s32 @p0 $0x0  }
0x4f: {  	p2 =	seq.s32 @!p1 s24, $0x0  }
0x50: {  	_ =	strace $0x90000056;
	p0 =	por p2, p1  }
0x51: {  	s5 =	rddreg [dreg:$0x5];
	s9 =	sand.u32 @!p0 $0x1, s6  }
0x52: {  	s5 =	sadd.s32 @!p0 s5, s24;
	s11 =	smul.u32 @!p0 $0xA000, s9  }
0x53: {  	s14 =	simm.s32 @!p0 $0x0;
	s12 =	smul.u32 @!p0 $0x2800, s5  }
0x54: {  	_ =	strace @!p0 $0x80000057;
	s10 =	smul.u32 @!p0 $0x140, s9;
	s13 =	sadd.s32 @!p0 $0x1, s9  }
0x55: {  	s1 =	rddreg [dreg:$0x9];
	s11 =	sshrl.u32 @!p0 s11, $0x2;
	s12 =	sshrl.u32 @!p0 s12, $0x3  }
0x56: {  	s5 =	smul.u32 @!p0 $0x50, s5;
	s11 =	sor.u32 @!p0 $0x14280, s11;
	s12 =	sadd.s32 @!p0 s1, s12  }
0x57: {  	[tilespmem:s11], [sflag:s13] =	stream.linear.gather @!p0 [hbm4b:s12+s14], $0x2800, $0x200038;
	[tilespmem:$0x193C0] =	vst v63  }
0x58: {  	s10 =	sshrl.u32 @!p0 s10, $0x2;
	_ =	strace @!p0 $0x90000057  }
0x59: {  	s5 =	sshrl.u32 @!p0 s5, $0x3;
	s11 =	sor.u32 @!p0 $0x19280, s10;
	s1 =	rddreg [dreg:$0x1]  }
0x5a: {  	s12 =	sadd.s32 @!p0 $0x3, s9;
	_ =	strace @!p0 $0x80000058;
	s13 =	sadd.s32 @!p0 s1, s5  }
0x5b: {  	[tilespmem:s11], [sflag:s12] =	stream.linear.gather @!p0 [hbm4b:s13+s14], $0x50, $0x200038;
	[tilespmem:$0x193C0] =	vst v63  }
0x5c: {  	_ =	strace @!p0 $0x90000058  }
0x5d: {  	s10 =	sadd.s32 @!p0 $0x19320, s10;
	s1 =	rddreg [dreg:$0xa]  }
0x5e: {  	s9 =	sadd.s32 @!p0 $0x5, s9;
	_ =	strace @!p0 $0x80000059;
	s5 =	sadd.s32 @!p0 s1, s5  }
0x5f: {  	[tilespmem:s10], [sflag:s9] =	stream.linear.gather @!p0 [hbm4b:s5+s14], $0x50, $0x200038;
	[tilespmem:$0x193C0] =	vst v63  }
0x60: {  	s31 =	sand.u32 $0x1, s20;
	_ =	strace @!p0 $0x90000059  }
0x61: {  	s26 =	sadd.s32 $0x1, s31;
	_ =	strace $0x8000005A  }
0x62: {  	_ =	swait.ge [sflag:s26], $0x2800  }
0x63: {  	s28 =	sadd.s32 $0x3, s31;
	[sflag:s26] =	ssyncset.done $0x0  }
0x64: {  	s30 =	sadd.s32 $0x5, s31;
	p4 =	seq.s32 s31, $0x1;
	[sflag:s26] =	ssyncadd.s32 $0xFFFFD800  }
0x65: {  	s17 =	simm.s32 $0x1;
	s20 =	simm.s32 $0x7B;
	_ =	strace $0x9000005A  }
0x66: {  	p2 =	por !p2, p1;
	s11 =	simm.s32 $0x0;
	_ =	strace $0x8000005B  }
0x67: {  	p3 =	sne.s32 s24, $0x0;
	s11 =	simm.s32 @p2 $0x1;
	_ =	swait.ge [sflag:s28], $0x50  }
0x68: {  	p3 =	por p1, p3;
	s11 =	simm.s32 @p1 $0x0;
	[sflag:s28] =	ssyncset.done $0x0  }
0x69: {  	s18 =	sadd.s32 $0x1, s11;
	s14 =	simm.s32 $0x7C;
	[sflag:s28] =	ssyncadd.s32 $0xFFFFFFB0  }
0x6a: {  	s10 =	simm.s32 @!p0 $0x2;
	s9 =	sadd.s32 $0x1, s24;
	_ =	strace $0x9000005B  }
0x6b: {  	s5 =	simm.s32 $0x1;
	s17 =	smov.u32 @p2 s10;
	_ =	strace $0x8000005C  }
0x6c: {  	p0 =	seq.s32 s9, $0x7D;
	s5 =	simm.s32 @!p3 $0x0;
	_ =	swait.ge [sflag:s30], $0x50  }
0x6d: {  	s16 =	smov.u32 s17;
	s17 =	smov.u32 @p1 s6;
	[sflag:s30] =	ssyncset.done $0x0  }
0x6e: {  	s16 =	smov.u32 @p1 s6;
	s26 =	sadd.s32 $0x0, s5;
	[sflag:s30] =	ssyncadd.s32 $0xFFFFFFB0  }
0x6f: {  	p1 =	seq.s32 s31, $0x1;
	s21 =	sand.u32 $0x1, s26;
	_ =	strace $0x9000005C  }
0x70: {  	s23 =	sand.u32 $0x1, s26;
	s13 =	sand.u32 $0x1, s26;
	_ =	strace $0x8000005D  }
0x71: {  	s22 =	smov.u32 s26;
	s25 =	smov.u32 s26;
	s12 =	rddreg [dreg:$0x6]  }
.LBB2_2:
0x72: {  	s11 =	smov.u32 s16;
	s10 =	smov.u32 s17;
	s19 =	smov.u32 s9  }
0x73: {  	p2 =	seq.s32 s14, $0x1;
	s8 =	rddreg [dreg:$0x7];
	s5 =	smov.u32 s21  }
0x74: {  	s28 =	smov.u32 s23;
	p6 =	seq.s32 s31, $0x1;
	s12 =	simm.s32 @!p1 $0x14280  }
0x75: {  	s6 =	smov.u32 s29;
	s7 =	smov.u32 s3;
	s19 =	simm.s32 @p0 $0x0  }
0x76: {  	s8 =	simm.s32 @!p6 $0x19320;
	p0 =	seq.s32 @!p2 s24, s19;
	p3 =	sne.s32 s24, s19  }
0x77: {  	[spmem:s29] =	stream.indirect.scatter.add.f32 [tilespmem:s12], [sflag:$0x7], $0x80, s8, s0, $0x2000b8;
	[tilespmem:$0x193C0] =	vst v63  }
0x78: {  	p5 =	por p2, p3;
	p1 =	por p0, p2;
	p3 =	por !p0, p2  }
0x79: {  	_ =	swait.ge [sflag:s4], $0x2800;
	s12 =	sand.u32 @!p1 $0x1, s17;
	s21 =	sand.u32 @!p1 $0x1, s18  }
0x7a: {  	s23 =	sand.u32 @!p1 $0x1, s16;
	s31 =	rddreg [dreg:$0x8];
	s24 =	smul.u32 @!p1 $0x140, s21  }
0x7b: {  	s15 =	sadd.s32 @!p1 $0x1, s16;
	[sflag:s4] =	ssyncset.done $0x0;
	s30 =	smul.u32 @!p1 $0x140, s23  }
0x7c: {  	s29 =	smul.u32 @!p1 $0xA000, s12;
	[sflag:s4] =	ssyncadd.s32 $0xFFFFD800;
	s31 =	simm.s32 @!p4 $0x19280  }
0x7d: {  	[spmem:s3] =	stream.indirect.scatter.add.f32 [tilespmem:s31], [sflag:$0x7], $0x1, s8, s0, $0x2000b8;
	[tilespmem:$0x193C0] =	vst v63  }
0x7e: {  	s16 =	smov.u32 @p3 s15;
	s15 =	sadd.s32 @!p1 $0x1, s17;
	s8 =	sadd.s32 @!p1 $0x1, s12  }
0x7f: {  	s16 =	smov.u32 @p2 s11;
	s11 =	simm.s32 $0x0;
	_ =	swait.ge [sflag:s4], $0x50  }
0x80: {  	s3 =	simm.s32 @!p1 $0x0;
	s17 =	smov.u32 @p3 s15;
	[sflag:s4] =	ssyncset.done $0x0  }
0x81: {  	s24 =	sshrl.u32 @!p1 s24, $0x2;
	s12 =	sshrl.u32 @!p1 s30, $0x2;
	[sflag:s4] =	ssyncadd.s32 $0xFFFFFFB0  }
0x82: {  	s29 =	sshrl.u32 @!p1 s29, $0x2;
	s30 =	sadd.s32 @!p1 $0x3, s23;
	_ =	strace $0x9000005D  }
0x83: {  	s11 =	simm.s32 @p3 $0x1;
	s1 =	sadd.s32 @!p1 $0x19320, s24;
	s23 =	rddreg [dreg:$0x5]  }
0x84: {  	s24 =	simm.s32 $0x1;
	s11 =	simm.s32 @p2 $0x0;
	s23 =	sadd.s32 @!p1 s23, s19  }
0x85: {  	s24 =	simm.s32 @!p5 $0x0;
	s18 =	sadd.s32 s18, s11;
	s11 =	smul.u32 @!p1 $0x2800, s23  }
0x86: {  	s29 =	sor.u32 @!p1 $0x14280, s29;
	s26 =	sadd.s32 s24, s26;
	_ =	strace @!p1 $0x80000057  }
0x87: {  	s22 =	sadd.s32 s24, s22;
	s15 =	rddreg [dreg:$0x9];
	s11 =	sshrl.u32 @!p1 s11, $0x3  }
0x88: {  	s25 =	sadd.s32 s24, s25;
	s24 =	smul.u32 @!p1 $0x50, s23;
	s11 =	sadd.s32 @!p1 s15, s11  }
0x89: {  	[tilespmem:s29], [sflag:s8] =	stream.linear.gather @!p1 [hbm4b:s11+s3], $0x2800, $0x200038;
	[tilespmem:$0x193C0] =	vst v63  }
0x8a: {  	s12 =	sor.u32 @!p1 $0x19280, s12;
	_ =	strace @!p1 $0x90000057  }
0x8b: {  	s15 =	sshrl.u32 @!p1 s24, $0x3;
	s29 =	smov.u32 s6;
	s8 =	rddreg [dreg:$0x1]  }
0x8c: {  	s6 =	rddreg [dreg:$0xa];
	_ =	strace @!p1 $0x80000058;
	s8 =	sadd.s32 @!p1 s8, s15  }
0x8d: {  	[tilespmem:s12], [sflag:s30] =	stream.linear.gather @!p1 [hbm4b:s8+s3], $0x50, $0x200038;
	[tilespmem:$0x193C0] =	vst v63  }
0x8e: {  	_ =	strace @!p1 $0x90000058  }
0x8f: {  	s2 =	sadd.s32 @!p1 $0x5, s21;
	s11 =	sadd.s32 @!p1 s6, s15;
	_ =	strace @!p1 $0x80000059  }
0x90: {  	[tilespmem:s1], [sflag:s2] =	stream.linear.gather @!p1 [hbm4b:s11+s3], $0x50, $0x200038;
	[tilespmem:$0x193C0] =	vst v63  }
0x91: {  	_ =	strace @!p1 $0x90000059  }
0x92: {  	s15 =	sadd.s32 $0x1, s5;
	_ =	strace $0x8000005A  }
0x93: {  	_ =	swait.ge [sflag:s15], $0x2800  }
0x94: {  	[sflag:s15] =	ssyncset.done $0x0  }
0x95: {  	[sflag:s15] =	ssyncadd.s32 $0xFFFFD800  }
0x96: {  	s9 =	sadd.s32 $0x1, s19;
	_ =	strace $0x9000005A  }
0x97: {  	s24 =	smov.u32 s19;
	s19 =	sadd.s32 $0x3, s28;
	_ =	strace $0x8000005B  }
0x98: {  	_ =	swait.ge [sflag:s19], $0x50  }
0x99: {  	[sflag:s19] =	ssyncset.done $0x0  }
0x9a: {  	[sflag:s19] =	ssyncadd.s32 $0xFFFFFFB0  }
0x9b: {  	s14 =	smov.u32 s20;
	s31 =	smov.u32 s13;
	_ =	strace $0x9000005B  }
0x9c: {  	s20 =	sadd.s32 $0xFFFFFFFF, s20;
	s30 =	sadd.s32 $0x5, s31;
	_ =	strace $0x8000005C  }
0x9d: {  	s17 =	smov.u32 @p2 s10;
	p2 =	sne.s32 s20, $0x0;
	_ =	swait.ge [sflag:s30], $0x50  }
.Ltmp0:
0x9e: {  	[sflag:s30] =	ssyncset.done $0x0;
	(pc) =	sbr.rel @p2 .LBB2_2-.Ltmp0, $4  }
0x9f: {  	p0 =	seq.s32 s9, $0x7D;
	p4 =	seq.s32 s28, $0x1;
	[sflag:s30] =	ssyncadd.s32 $0xFFFFFFB0  }
0xa0: {  	s21 =	sand.u32 $0x1, s26;
	s10 =	sand.u32 $0x1, s25;
	_ =	strace $0x9000005C  }
0xa1: {  	s13 =	smov.u32 s10;
	s23 =	sand.u32 $0x1, s22;
	_ =	strace $0x8000005D  }
0xa2: {  	s3 =	smov.u32 s7;
	p1 =	seq.s32 s5, $0x1;
	s12 =	rddreg [dreg:$0x6]  }
0xa3: {  	s1 =	rddreg [dreg:$0x7];
	p2 =	seq.s32 s31, $0x1  }
0xa4: {  	s12 =	simm.s32 @!p1 $0x14280;
	s1 =	simm.s32 @!p2 $0x19320  }
0xa5: {  	[spmem:s29] =	stream.indirect.scatter.add.f32 [tilespmem:s12], [sflag:$0x7], $0x80, s1, s0, $0x2000b8;
	[tilespmem:$0x193C0] =	vst v63  }
0xa6: {  	_ =	swait.ge [sflag:s4], $0x2800  }
0xa7: {  	s2 =	rddreg [dreg:$0x8];
	[sflag:s4] =	ssyncset.done $0x0  }
0xa8: {  	[sflag:s4] =	ssyncadd.s32 $0xFFFFD800;
	s2 =	simm.s32 @!p4 $0x19280  }
0xa9: {  	[spmem:s3] =	stream.indirect.scatter.add.f32 [tilespmem:s2], [sflag:$0x7], $0x1, s1, s0, $0x2000b8;
	[tilespmem:$0x193C0] =	vst v63  }
0xaa: {  	_ =	swait.ge [sflag:s4], $0x50  }
0xab: {  	s9 =	simm.s32 @p0 $0x0;
	p0 =	seq.s32 s14, $0x1;
	[sflag:s4] =	ssyncset.done $0x0  }
0xac: {  	p1 =	seq.s32 @!p0 s24, s9;
	[sflag:s4] =	ssyncadd.s32 $0xFFFFFFB0  }
0xad: {  	p0 =	por p1, p0;
	_ =	strace $0x9000005D  }
0xae: {  	s2 =	sand.u32 @!p0 $0x1, s17;
	s1 =	rddreg [dreg:$0x5]  }
0xaf: {  	s3 =	smul.u32 @!p0 $0xA000, s2;
	s1 =	sadd.s32 @!p0 s1, s9  }
0xb0: {  	s8 =	sand.u32 @!p0 $0x1, s16;
	s5 =	smul.u32 @!p0 $0x2800, s1  }
0xb1: {  	s2 =	sadd.s32 @!p0 $0x1, s2;
	s3 =	sshrl.u32 @!p0 s3, $0x2;
	_ =	strace @!p0 $0x80000057  }
0xb2: {  	s3 =	sor.u32 @!p0 $0x14280, s3;
	s6 =	rddreg [dreg:$0x9];
	s5 =	sshrl.u32 @!p0 s5, $0x3  }
0xb3: {  	s9 =	simm.s32 @!p0 $0x0;
	s1 =	smul.u32 @!p0 $0x50, s1;
	s5 =	sadd.s32 @!p0 s6, s5  }
0xb4: {  	[tilespmem:s3], [sflag:s2] =	stream.linear.gather @!p0 [hbm4b:s5+s9], $0x2800, $0x200038;
	[tilespmem:$0x193C0] =	vst v63  }
0xb5: {  	s1 =	sshrl.u32 @!p0 s1, $0x3;
	s2 =	smul.u32 @!p0 $0x140, s8  }
0xb6: {  	s3 =	sand.u32 @!p0 $0x1, s18;
	s8 =	sadd.s32 @!p0 $0x3, s8;
	_ =	strace @!p0 $0x90000057  }
0xb7: {  	s5 =	smul.u32 @!p0 $0x140, s3;
	s2 =	sshrl.u32 @!p0 s2, $0x2;
	s10 =	rddreg [dreg:$0x1]  }
0xb8: {  	_ =	strace @!p0 $0x80000058;
	s2 =	sor.u32 @!p0 $0x19280, s2;
	s10 =	sadd.s32 @!p0 s10, s1  }
0xb9: {  	[tilespmem:s2], [sflag:s8] =	stream.linear.gather @!p0 [hbm4b:s10+s9], $0x50, $0x200038;
	[tilespmem:$0x193C0] =	vst v63  }
0xba: {  	_ =	strace @!p0 $0x90000058  }
0xbb: {  	s3 =	sadd.s32 @!p0 $0x5, s3;
	s2 =	sshrl.u32 @!p0 s5, $0x2;
	s5 =	rddreg [dreg:$0xa]  }
0xbc: {  	s2 =	sadd.s32 @!p0 $0x19320, s2;
	_ =	strace @!p0 $0x80000059;
	s1 =	sadd.s32 @!p0 s5, s1  }
0xbd: {  	[tilespmem:s2], [sflag:s3] =	stream.linear.gather @!p0 [hbm4b:s1+s9], $0x50, $0x200038;
	[tilespmem:$0x193C0] =	vst v63  }
0xbe: {  	_ =	strace @!p0 $0x90000059  }
0xbf: {  	s12 =	sadd.s32 $0x1, s21;
	_ =	strace $0x8000005A  }
0xc0: {  	_ =	swait.ge [sflag:s12], $0x2800  }
0xc1: {  	[sflag:s12] =	ssyncset.done $0x0  }
0xc2: {  	[sflag:s12] =	ssyncadd.s32 $0xFFFFD800  }
0xc3: {  	_ =	strace $0x9000005A  }
0xc4: {  	s14 =	sadd.s32 $0x3, s23;
	_ =	strace $0x8000005B  }
0xc5: {  	_ =	swait.ge [sflag:s14], $0x50  }
0xc6: {  	[sflag:s14] =	ssyncset.done $0x0  }
0xc7: {  	[sflag:s14] =	ssyncadd.s32 $0xFFFFFFB0  }
0xc8: {  	_ =	strace $0x9000005B  }
0xc9: {  	s15 =	sadd.s32 $0x5, s13;
	_ =	strace $0x8000005C  }
0xca: {  	_ =	swait.ge [sflag:s15], $0x50  }
0xcb: {  	[sflag:s15] =	ssyncset.done $0x0  }
0xcc: {  	[sflag:s15] =	ssyncadd.s32 $0xFFFFFFB0  }
0xcd: {  	_ =	strace $0x9000005C  }
0xce: {  	_ =	strace $0x8000005D  }
0xcf: {  	s1 =	rddreg [dreg:$0x6]  }
0xd0: {  	p1 =	seq.s32 s13, $0x1;
	p0 =	seq.s32 s21, $0x1;
	s2 =	rddreg [dreg:$0x7]  }
0xd1: {  	s1 =	simm.s32 @!p0 $0x14280;
	s2 =	simm.s32 @!p1 $0x19320  }
0xd2: {  	[spmem:s29] =	stream.indirect.scatter.add.f32 [tilespmem:s1], [sflag:$0x7], $0x80, s2, s0, $0x2000b8;
	[tilespmem:$0x193C0] =	vst v63  }
0xd3: {  	_ =	swait.ge [sflag:s4], $0x2800  }
0xd4: {  	p0 =	seq.s32 s23, $0x1;
	s1 =	rddreg [dreg:$0x8];
	[sflag:s4] =	ssyncset.done $0x0  }
0xd5: {  	[sflag:s4] =	ssyncadd.s32 $0xFFFFD800;
	s1 =	simm.s32 @!p0 $0x19280  }
0xd6: {  	[spmem:s7] =	stream.indirect.scatter.add.f32 [tilespmem:s1], [sflag:$0x7], $0x1, s2, s0, $0x2000b8;
	[tilespmem:$0x193C0] =	vst v63  }
0xd7: {  	_ =	swait.ge [sflag:s4], $0x50  }
0xd8: {  	[sflag:s4] =	ssyncset.done $0x0  }
0xd9: {  	[sflag:s4] =	ssyncadd.s32 $0xFFFFFFB0  }
0xda: {  	_ =	strace $0x9000005D  }
0xdb: {  	[bflag:$0x0] =	sbarrier.arrive $0xFFFF  }
0xdc: {  	s16 =	rddreg [dreg:$0xd]  }
0xdd: {  	s8 =	rddreg [dreg:$0x12]  }
0xde: {  	s6 =	simm.s32 $0x1;
	s17 =	rddreg [dreg:$0x1e]  }
0xdf: {  	[hbm:s16], [sflag:s8] =	dma.local [spmem:s17], $0x800  }
0xe0: {  	_ =	swait.ge [sflag:s6], $0x800  }
0xe1: {  	s19 =	sld [smem:$0x7F9]  }
0xe2: {  	[sflag:s6] =	ssyncset.done $0x0  }
0xe3: {  	s18 =	rddreg [dreg:$0xe];
	[sflag:s6] =	ssyncadd.s32 $0xFFFFF800  }
0xe4: {  	[hbm:s18], [sflag:s8] =	dma.local [spmem:s19], $0x800  }
0xe5: {  	_ =	swait.ge [sflag:s6], $0x800  }
0xe6: {  	s21 =	sld [smem:$0x7FA]  }
0xe7: {  	[sflag:s6] =	ssyncset.done $0x0  }
0xe8: {  	s20 =	rddreg [dreg:$0xf];
	[sflag:s6] =	ssyncadd.s32 $0xFFFFF800  }
0xe9: {  	[hbm:s20], [sflag:s8] =	dma.local [spmem:s21], $0x800  }
0xea: {  	_ =	swait.ge [sflag:s6], $0x800  }
0xeb: {  	s23 =	sld [smem:$0x7FB]  }
0xec: {  	[sflag:s6] =	ssyncset.done $0x0  }
0xed: {  	s22 =	rddreg [dreg:$0x10];
	[sflag:s6] =	ssyncadd.s32 $0xFFFFF800  }
0xee: {  	[hbm:s22], [sflag:s8] =	dma.local [spmem:s23], $0x800  }
0xef: {  	_ =	swait.ge [sflag:s6], $0x800  }
0xf0: {  	s25 =	sld [smem:$0x7FC]  }
0xf1: {  	[sflag:s6] =	ssyncset.done $0x0  }
0xf2: {  	s24 =	rddreg [dreg:$0x11];
	[sflag:s6] =	ssyncadd.s32 $0xFFFFF800  }
0xf3: {  	[hbm:s24], [sflag:s8] =	dma.local [spmem:s25], $0x800  }
0xf4: {  	_ =	swait.ge [sflag:s6], $0x800  }
0xf5: {  	s28 =	sld [smem:$0x7FD]  }
0xf6: {  	[sflag:s6] =	ssyncset.done $0x0  }
0xf7: {  	s26 =	rddreg [dreg:$0x17];
	[sflag:s6] =	ssyncadd.s32 $0xFFFFF800  }
0xf8: {  	[hbm:s26], [sflag:s8] =	dma.local [spmem:s28], $0x50  }
0xf9: {  	_ =	swait.ge [sflag:s6], $0x50  }
0xfa: {  	s30 =	rddreg [dreg:$0x1f]  }
0xfb: {  	s31 =	rddreg [dreg:$0x18];
	s2 =	sadd.s32 $0x1, s30  }
0xfc: {  	p0 =	sne.s32 s2, s31  }
.Ltmp1:
0xfd: {  	_ = 	snop;
	(pc) =	sbr.rel @p0 .LBB2_1-.Ltmp1, $3  }
0xfe: {  	_ =	sdelay $0x1  }
0xff: {  	[sflag:s6] =	ssyncset.done $0x0  }
0x100: {  	s3 =	smov.u32 s7;
	[sflag:s6] =	ssyncadd.s32 $0xFFFFFFB0  }
0x101: {  	_ =	sfence.sel $0x180000  }
0x102: {  	[bflag:$0x0] =	sbarrier.arrive $0xFFFF  }
0x103: {  	_ =	strace $0x90000055  }
0x104: {  	s0 =	stileid.u32;
	[bflag:$0x2] =	sbarrier.arrive $0xFFFF  }
0x105: {  	p0 =	sne.s32 s0, $0x0;
	s0 =	rddreg [dreg:$0x4]  }
0x106: {  	s0 =	sadd.s32 @!p0 $0x100000, s0  }
0x107: {  	[sflag:s0] =	ssyncadd.tile.s32 @!p0 $0x1;
	_ =	shalt  }
.Lfunc_end2:
_tile_overlayer_lowered:
.L_overlay_start_2:
0x108: {  	(tag) =	ssettag $0x2  }
0x109: {  	s0 =	rddreg [dreg:$0x0];
	s2 =	stileid.u32  }
0x10a: {  	s1 =	rddreg [dreg:$0x1];
	p0 =	sne.s32 s2, $0x0  }
0x10b: {  	s3 =	rddreg [dreg:$0x2];
	[bflag:$0x3] =	sbarrier.arrive $0xFFFF;
	s2 =	simm.s32 @!p0 $0x1C01  }
0x10c: {  	[timem:s3], [sflag:s2] =	dma.local @!p0 [hbm:s0], s1  }
0x10d: {  	s0 =	simm.s32 @!p0 $0x1  }
0x10e: {  	_ =	swait.ge @!p0 [sflag:s0], s1  }
0x10f: {  	s1 =	ssub.s32 @!p0 $0x0, s1;
	[sflag:s0] =	ssyncset.done @!p0 $0x0  }
0x110: {  	[sflag:s0] =	ssyncadd.s32 @!p0 s1  }
0x111: {  	[bflag:$0x3] =	sbarrier.arrive $0xFFFF  }
0x112: {  	_ =	shalt  }

// kernel: kernel.7.cloned.1.call-start
scs
__scs_entry_jumppad:
0x0: {  	(pc) =	sbr.rel $0x88, $3  }
0x1: {  	(tag) =	ssettag $0x0;
	lr =	simm.s32 $0x1  }
0x2: {  	[smem:$0x3F93] =	sst lr;
	_ =	strace $0xD0000000  }
0x3: {  	_ = 	snop  }
0x4: {  	_ = 	snop  }
0x5: {  	_ = 	snop  }
0x6: {  	_ = 	snop  }
0x7: {  	_ = 	snop  }
__scs_overlays_trampoline_lowered:
0x8: {  	[smem:$0x3FA2] =	sst s0  }
0x9: {  	[smem:$0x3FA3] =	sst s1  }
0xa: {  	[smem:$0x3FA4] =	sst s2  }
0xb: {  	[smem:$0x3FA5] =	sst s3  }
0xc: {  	[smem:$0x3FA6] =	sst s4  }
0xd: {  	[smem:$0x3FA7] =	sst s5  }
0xe: {  	[smem:$0x3FA8] =	sst s6  }
0xf: {  	[smem:$0x3FA9] =	sst s7  }
0x10: {  	[smem:$0x3FAA] =	sst s8  }
0x11: {  	[smem:$0x3FAB] =	sst s9;
	s0 =	simm.s32 @!p0 $0x0  }
0x12: {  	s1 =	sld [smem:$0x3F91];
	s0 =	simm.s32 @p0 $0x1  }
0x13: {  	[smem:$0x3FAC] =	sst s0;
	s0 =	simm.s32 @!p1 $0x0  }
0x14: {  	s2 =	sld [smem:$0x3F90];
	s0 =	simm.s32 @p1 $0x1  }
0x15: {  	[smem:$0x3FAD] =	sst s0;
	s0 =	simm.s32 @!p2 $0x0  }
0x16: {  	s3 =	sld [smem:$0x3FDB];
	s0 =	simm.s32 @p2 $0x1  }
0x17: {  	s4 =	simm.s32 $0x1BF5;
	[smem:$0x3FAF] =	sst s0  }
0x18: {  	s0 =	sld [smem:$0x3F92];
	_ =	swait.ge [sflag:s4], $0x0  }
0x19: {  	s7 =	sld [smem:$0x3F93]  }
0x1a: {  	s8 =	sadd.s32 $0xFFFFE003, lr  }
0x1b: {  	s9 =	sadd.s32 $0xFFFFFEF7, lr;
	s5 =	simm.s32 $0xFFFFFFFF;
	p2 =	slt.u32 s8, $0xFFFFF086  }
0x1c: {  	p1 =	slt.u32 s9, $0xF7A;
	s5 =	simm.s32 @!p2 $0x0  }
0x1d: {  	s5 =	simm.s32 @p1 $0x1;
	p0 =	seq.s32 s7, s2  }
0x1e: {  	s7 =	smul.u32 @!p0 $0xF7A, s2;
	p2 =	seq.s32 @!p0 s5, $0x0  }
0x1f: {  	s9 =	smul.u32 $0xF7A, s1;
	s8 =	simm.s32 @!p0 $0x1BF5;
	p2 =	por !p2, p0  }
0x20: {  	[sflag:s8] =	ssyncset.s32 @!p0 $0xFFFFF086;
	s6 =	sadd.s32 @!p0 s3, s7;
	s7 =	simm.s32 @!p0 $0x108  }
0x21: {  	s3 =	sadd.s32 s3, s9;
	s6 =	sadd.s32 @!p0 $0x88, s6;
	s7 =	simm.s32 @p2 $0x1082  }
0x22: {  	[simem:s7], [sflag:s8] =	dma.local @!p0 [hbm:s6], $0xF7A  }
0x23: {  	s9 =	sor.u32 $0xD0000000, s2;
	s6 =	simm.s32 $0x108;
	_ =	swait.ge @!p0 [sflag:s8], $0x0  }
0x24: {  	s3 =	sadd.s32 $0x88, s3;
	s6 =	simm.s32 @!p1 $0x1082;
	[sflag:s4] =	ssyncset.s32 $0xFFFFF086  }
0x25: {  	[simem:s6], [sflag:s4] =	dma.local [hbm:s3], $0xF7A  }
0x26: {  	[smem:$0x3F93] =	sst s1;
	(tag) =	ssettag s2;
	_ =	strace s9  }
0x27: {  	s1 =	sld [smem:$0x3FA3]  }
0x28: {  	s2 =	sld [smem:$0x3FA4]  }
0x29: {  	s4 =	sld [smem:$0x3FA6]  }
0x2a: {  	p0 =	seq.s32 s5, $0x0;
	s5 =	sld [smem:$0x3FA7]  }
0x2b: {  	s6 =	sld [smem:$0x3FA8]  }
0x2c: {  	s7 =	sld [smem:$0x3FA9]  }
0x2d: {  	s3 =	simm.s32 $0x108;
	s8 =	sld [smem:$0x3FAA]  }
0x2e: {  	s3 =	simm.s32 @!p0 $0x1082;
	s9 =	sld [smem:$0x3FAB]  }
0x2f: {  	lr =	sadd.s32 s0, s3;
	s0 =	sld [smem:$0x3FA2]  }
0x30: {  	s3 =	sld [smem:$0x3FA5]  }
0x31: {  	[smem:$0x3FAE] =	sst s10  }
0x32: {  	s10 =	sld [smem:$0x3FAC];
	_ =	sdelay $0x3  }
0x33: {  	p0 =	seq.s32 s10, $0x1;
	s10 =	sld [smem:$0x3FAE];
	_ =	sdelay $0x3  }
0x34: {  	[smem:$0x3FAE] =	sst s10  }
0x35: {  	s10 =	sld [smem:$0x3FAD];
	_ =	sdelay $0x3  }
0x36: {  	p1 =	seq.s32 s10, $0x1;
	s10 =	sld [smem:$0x3FAE];
	_ =	sdelay $0x3  }
0x37: {  	[smem:$0x3FAE] =	sst s10  }
0x38: {  	s10 =	sld [smem:$0x3FAF]  }
0x39: {  	_ = 	snop;
	(pc) =	sbr.ind lr, $3  }
0x3a: {  	_ = 	snop  }
0x3b: {  	_ = 	snop  }
0x3c: {  	p2 =	seq.s32 s10, $0x1;
	s10 =	sld [smem:$0x3FAE]  }
0x3d: {  	_ =	shalt  }
0x3e: {  	_ =	shalt  }
0x3f: {  	_ =	shalt  }
0x40: {  	_ =	shalt  }
0x41: {  	_ =	shalt  }
0x42: {  	_ =	shalt  }
0x43: {  	_ =	shalt  }
0x44: {  	_ =	shalt  }
0x45: {  	_ =	shalt  }
0x46: {  	_ =	shalt  }
0x47: {  	_ =	shalt  }
0x48: {  	_ =	shalt  }
0x49: {  	_ =	shalt  }
0x4a: {  	_ =	shalt  }
0x4b: {  	_ =	shalt  }
0x4c: {  	_ =	shalt  }
0x4d: {  	_ =	shalt  }
0x4e: {  	_ =	shalt  }
0x4f: {  	_ =	shalt  }
0x50: {  	_ =	shalt  }
0x51: {  	_ =	shalt  }
0x52: {  	_ =	shalt  }
0x53: {  	_ =	shalt  }
0x54: {  	_ =	shalt  }
0x55: {  	_ =	shalt  }
0x56: {  	_ =	shalt  }
0x57: {  	_ =	shalt  }
0x58: {  	_ =	shalt  }
0x59: {  	_ =	shalt  }
0x5a: {  	_ =	shalt  }
0x5b: {  	_ =	shalt  }
0x5c: {  	_ =	shalt  }
0x5d: {  	_ =	shalt  }
0x5e: {  	_ =	shalt  }
0x5f: {  	_ =	shalt  }
0x60: {  	_ =	shalt  }
0x61: {  	_ =	shalt  }
0x62: {  	_ =	shalt  }
0x63: {  	_ =	shalt  }
0x64: {  	_ =	shalt  }
0x65: {  	_ =	shalt  }
0x66: {  	_ =	shalt  }
0x67: {  	_ =	shalt  }
0x68: {  	_ =	shalt  }
0x69: {  	_ =	shalt  }
0x6a: {  	_ =	shalt  }
0x6b: {  	_ =	shalt  }
0x6c: {  	_ =	shalt  }
0x6d: {  	_ =	shalt  }
0x6e: {  	_ =	shalt  }
0x6f: {  	_ =	shalt  }
0x70: {  	_ =	shalt  }
0x71: {  	_ =	shalt  }
0x72: {  	_ =	shalt  }
0x73: {  	_ =	shalt  }
0x74: {  	_ =	shalt  }
0x75: {  	_ =	shalt  }
0x76: {  	_ =	shalt  }
0x77: {  	_ =	shalt  }
0x78: {  	_ =	shalt  }
0x79: {  	_ =	shalt  }
0x7a: {  	_ =	shalt  }
0x7b: {  	_ =	shalt  }
0x7c: {  	_ =	shalt  }
0x7d: {  	_ =	shalt  }
0x7e: {  	_ =	shalt  }
0x7f: {  	_ =	shalt  }
0x80: {  	_ =	shalt  }
0x81: {  	_ =	shalt  }
0x82: {  	_ =	shalt  }
0x83: {  	_ =	shalt  }
0x84: {  	_ =	shalt  }
0x85: {  	_ =	shalt  }
0x86: {  	_ =	shalt  }
0x87: {  	_ =	shalt  }
.Lfunc_end0:
.L_simem_size_0:
called_computation_lowered:
.L_overlay_start_0:
0x88: {  	s2 =	sld [smem:$0x3FD9]  }
0x89: {  	s3 =	sld [smem:$0x3FFE];
	_ =	sdelay $0x1  }
0x8a: {  	s1 =	srdreg.scid  }
0x8b: {  	s0 =	sand.u32 $0x1, s1  }
0x8c: {  	s17 =	sshll.u32 s0, $0xA;
	s2 =	sadd.s32 s3, s2  }
0x8d: {  	s2 =	sadd.s32 s2, s17  }
0x8e: {  	[smem:$0x3FBA] =	sst s2  }
0x8f: {  	_ = 	snop  }
0x90: {  	s2 =	sld [smem:$0x3FD0];
	(tm) =	ssettm $0x1  }
0x91: {  	s18 =	sld [smem:$0x3FFB];
	_ =	sdelay $0x3  }
0x92: {  	_ =	strace s18  }
0x93: {  	s3 =	sld [smem:$0x3FFC];
	_ =	sdelay $0x3  }
0x94: {  	_ =	strace s3  }
0x95: {  	s3 =	sld [smem:$0x3FFD];
	_ =	sdelay $0x3  }
0x96: {  	_ =	strace s3  }
0x97: {  	_ =	strace $0x8FFFFFFF  }
0x98: {  	s19 =	sld [smem:$0x3FDB];
	_ =	sdelay $0x1  }
0x99: {  	s4 =	simm.s32 $_scs_section_size  }
0x9a: {  	s5 =	simm.s32 $_size__tile_overlayer_lowered;
	s6 =	simm.s32 $_tile_overlayer_lowered  }
0x9b: {  	s22 =	simm.s32 $0x1BFF;
	s21 =	sshll.u32 s6, $0x1;
	s3 =	sadd.s32 s4, s19  }
0x9c: {  	s7 =	simm.s32 $0x0;
	s20 =	sshll.u32 s5, $0x1;
	s5 =	sadd.s32 s21, s3  }
0x9d: {  	[timem:s7], [sflag:s22] =	dma.local [hbm:s5], s20  }
0x9e: {  	_ =	swait.ge [sflag:s22], s20  }
0x9f: {  	s4 =	ssub.s32 $0x0, s20;
	[sflag:s22] =	ssyncset.done $0x0  }
0xa0: {  	[sflag:s22] =	ssyncadd.s32 s4;
	_ =	sdelay $0x1  }
0xa1: {  	s23 =	simm.s32 $0x1B8B  }
0xa2: {  	_ =	swait.ge [sflag:s23], $0x1  }
0xa3: {  	[sflag:s23] =	ssyncset.done $0x0  }
0xa4: {  	s25 =	simm.s32 $0x1B8E;
	s24 =	sld [smem:$0x3FFE];
	[sflag:s23] =	ssyncadd.s32 $0xFFFFFFFF  }
0xa5: {  	s26 =	simm.s32 $execute0_lowered;
	[smem:$0x3FD2] =	sst s25  }
0xa6: {  	s5 =	sshll.u32 s26, $0x1;
	_ =	strace $0x80000046;
	[dreg:$0x1] =	wrdreg $0xFFFFFFFF  }
0xa7: {  	s28 =	simm.s32 $_size_execute0_lowered;
	s3 =	sadd.s32 s3, s5;
	[dreg:$0x0] =	wrdreg $0x0  }
0xa8: {  	s5 =	sshll.u32 s28, $0x1;
	[dreg:$0x2] =	wrdreg s3  }
0xa9: {  	[dreg:$0x3] =	wrdreg s5  }
0xaa: {  	[dreg:$0x4] =	wrdreg $0xC0  }
0xab: {  	_ =	task [dreg:s7], $0x5FFFF  }
0xac: {  	[dreg:$0x1] =	wrdreg $0xFFFFFFFF  }
0xad: {  	[dreg:$0x0] =	wrdreg $0x60  }
0xae: {  	[dreg:$0x2] =	wrdreg s24  }
0xaf: {  	[dreg:$0x3] =	wrdreg s2  }
0xb0: {  	[dreg:$0x4] =	wrdreg $0x0  }
0xb1: {  	[dreg:$0x5] =	wrdreg $0x140000  }
0xb2: {  	[dreg:$0x6] =	wrdreg $0x9  }
0xb3: {  	_ =	task.clear_ibuf [dreg:s7], $0x7FFFF;
	_ =	strace $0x90000046  }
0xb4: {  	s29 =	simm.s32 $0x9;
	_ =	strace $0x80000053  }
0xb5: {  	_ =	swait.ge [sflag:s29], $0x1  }
0xb6: {  	[sflag:s29] =	ssyncadd.s32 $0xFFFFFFFF  }
0xb7: {  	_ =	strace $0x90000053  }
0xb8: {  	_ =	sfence  }
0xb9: {  	s30 =	sld [smem:$0x0];
	_ =	sdelay $0x2  }
0xba: {  	s31 =	sshll.u32 s1, $0xD;
	s1 =	sshrl.u32 s1, $0x2  }
0xbb: {  	s3 =	sand.u32 $0x4000, s31;
	s1 =	sadd.s32 s1, s30  }
0xbc: {  	s0 =	sor.u32 s3, s0;
	s1 =	sshll.u32 s1, $0x11  }
0xbd: {  	s0 =	sor.u32 s1, s0  }
0xbe: {  	s0 =	sadd.s32 $0x8F2B, s0  }
0xbf: {  	[sflag:s0] =	ssyncadd.remote.s32 $0x1  }
0xc0: {  	_ =	sfence.sel $0xFFFF  }
0xc1: {  	[dreg:$0x0] =	wrdreg $0xFFFFFFFF;
	(pc) =	sbr.abs _section_cstart, $3  }
0xc2: {  	[dreg:$0x1] =	wrdreg $0xFFFFFFFF  }
0xc3: {  	_ =	task.clear_ibuf [dreg:s7], $0x2FFFF;
	_ =	strace $0x9FFFFFFF  }
0xc4: {  	(tm) =	ssettm $0x7FFFFFFF  }
0xc5: {  	_ =	shalt  }
tec
execute0_lowered:
.L_overlay_start_1:
0x0: {  	(tag) =	ssettag $0x1  }
0x1: {  	s0 =	rddreg [dreg:$0x0]  }
0x2: {  	s2 =	rddreg [dreg:$0x1]  }
0x3: {  	s3 =	rddreg [dreg:$0x2]  }
0x4: {  	s4 =	rddreg [dreg:$0x3];
	s17 =	stileid.u32  }
0x5: {  	s5 =	simm.s32 $0x0;
	s6 =	srdreg.scid;
	s30 =	simm.s32 $0x80  }
0x6: {  	s31 =	simm.s32 $0x1;
	s1 =	smul.u32 $0x280, s17;
	[smem:$0x7FF] =	sst s5  }
0x7: {  	s8 =	sand.u32 $0x1, s6;
	s10 =	sadd.s32 $0x18200, s0;
	s12 =	smul.u32 $0x5, s17  }
0x8: {  	s6 =	sadd.s32 $0xE400, s0;
	s9 =	sadd.s32 $0x68800, s0;
	s26 =	smul.u32 $0x50000, s17  }
0x9: {  	s29 =	smul.u32 $0x2800, s17;
	_ =	strace $0x80000047;
	s24 =	sshll.u32 s8, $0x4  }
0xa: {  	s14 =	ssub.s32 $0x2, s8;
	s7 =	sshrl.u32 s1, $0x3;
	s13 =	sor.u32 s17, s24  }
0xb: {  	s25 =	sshrl.u32 s14, $0x1;
	s1 =	sadd.s32 s1, s4;
	s18 =	sshrl.u32 s26, $0x2  }
0xc: {  	s20 =	sadd.s32 $0x2, s12;
	s21 =	sadd.s32 $0x3, s12;
	s24 =	sshll.u32 s17, $0x6  }
0xd: {  	s11 =	sadd.s32 s7, s0;
	s7 =	sadd.s32 $0x72600, s0;
	s8 =	smul.u32 $0x4F, s13  }
0xe: {  	s13 =	smul.u32 $0x4F0, s13;
	s0 =	ssub.s32 s14, s25;
	s11 =	sadd.s32 $0x40200, s11  }
0xf: {  	s15 =	sshll.u32 s20, $0xB;
	s0 =	smax.u32 s0, $0x1;
	[dreg:$0x5] =	wrdreg s11  }
0x10: {  	s16 =	sshll.u32 s21, $0xB;
	s15 =	sadd.s32 s10, s15;
	[dreg:$0x8] =	wrdreg s0  }
0x11: {  	s25 =	sshll.u32 s20, $0xE;
	s22 =	sadd.s32 s10, s16;
	[dreg:$0xb] =	wrdreg s15  }
0x12: {  	s26 =	sshll.u32 s21, $0xE;
	s28 =	sadd.s32 s2, s13;
	[dreg:$0xc] =	wrdreg s22  }
0x13: {  	s13 =	sadd.s32 s6, s13;
	s11 =	sadd.s32 s10, s29;
	[dreg:$0x6] =	wrdreg s28  }
0x14: {  	[dreg:$0x7] =	wrdreg s13;
	s13 =	sadd.s32 $0x1, s12;
	s12 =	sadd.s32 $0x4, s12  }
0x15: {  	[dreg:$0x9] =	wrdreg s11;
	s19 =	sshll.u32 s13, $0xB;
	s23 =	sshll.u32 s12, $0xB  }
0x16: {  	s0 =	sshll.u32 s13, $0xE;
	s13 =	sadd.s32 s18, s3;
	s12 =	sshll.u32 s12, $0xE  }
0x17: {  	s11 =	sadd.s32 s10, s19;
	s10 =	sadd.s32 s10, s23;
	s19 =	sor.u32 $0x1C02, s24  }
0x18: {  	s0 =	sadd.s32 s0, s3;
	s12 =	sadd.s32 s12, s3;
	[dreg:$0xa] =	wrdreg s11  }
0x19: {  	s13 =	sshrl.u32 s13, $0x3;
	[dreg:$0xd] =	wrdreg s10;
	s10 =	sadd.s32 s25, s3  }
0x1a: {  	s11 =	sadd.s32 s26, s3;
	[dreg:$0xe] =	wrdreg s13;
	s0 =	sshrl.u32 s0, $0x3  }
0x1b: {  	s24 =	sshrl.u32 s12, $0x3;
	[dreg:$0xf] =	wrdreg s0;
	s28 =	sshrl.u32 s10, $0x3  }
0x1c: {  	s25 =	sshrl.u32 s1, $0x3;
	s29 =	sshrl.u32 s11, $0x3;
	[dreg:$0x10] =	wrdreg s28  }
0x1d: {  	s26 =	simm.s32 $0x2;
	s0 =	simm.s32 $0x0;
	[dreg:$0x11] =	wrdreg s29  }
.LBB2_1:
0x1e: {  	s1 =	rddreg [dreg:$0x9]  }
0x1f: {  	s10 =	rddreg [dreg:$0xe]  }
0x20: {  	[spmem:s10], [sflag:s19] =	dma.local [hbm:s1], $0x800  }
0x21: {  	_ =	swait.ge [sflag:s26], $0x800  }
0x22: {  	[sflag:s26] =	ssyncset.done $0x0;
	s11 =	rddreg [dreg:$0xa]  }
0x23: {  	s12 =	rddreg [dreg:$0xf];
	[sflag:s26] =	ssyncadd.s32 $0xFFFFF800  }
0x24: {  	[spmem:s12], [sflag:s19] =	dma.local [hbm:s11], $0x800  }
0x25: {  	_ =	swait.ge [sflag:s26], $0x800  }
0x26: {  	[sflag:s26] =	ssyncset.done $0x0;
	s13 =	rddreg [dreg:$0xb]  }
0x27: {  	s14 =	rddreg [dreg:$0x10];
	[sflag:s26] =	ssyncadd.s32 $0xFFFFF800  }
0x28: {  	[spmem:s14], [sflag:s19] =	dma.local [hbm:s13], $0x800  }
0x29: {  	_ =	swait.ge [sflag:s26], $0x800  }
0x2a: {  	[sflag:s26] =	ssyncset.done $0x0;
	s15 =	rddreg [dreg:$0xc]  }
0x2b: {  	s16 =	rddreg [dreg:$0x11];
	[sflag:s26] =	ssyncadd.s32 $0xFFFFF800  }
0x2c: {  	[spmem:s16], [sflag:s19] =	dma.local [hbm:s15], $0x800  }
0x2d: {  	_ =	swait.ge [sflag:s26], $0x800  }
0x2e: {  	[sflag:s26] =	ssyncset.done $0x0  }
0x2f: {  	s17 =	rddreg [dreg:$0xd];
	[sflag:s26] =	ssyncadd.s32 $0xFFFFF800  }
0x30: {  	[spmem:s24], [sflag:s19] =	dma.local [hbm:s17], $0x800  }
0x31: {  	_ =	swait.ge [sflag:s26], $0x800  }
0x32: {  	[sflag:s26] =	ssyncset.done $0x0  }
0x33: {  	s18 =	rddreg [dreg:$0x5];
	[sflag:s26] =	ssyncadd.s32 $0xFFFFF800  }
0x34: {  	[spmem:s25], [sflag:s19] =	dma.local [hbm:s18], $0x50  }
0x35: {  	_ =	swait.ge [sflag:s26], $0x50  }
0x36: {  	[sflag:s26] =	ssyncset.done $0x0  }
0x37: {  	s21 =	simm.s32 $0x14280;
	s23 =	simm.s32 $0x14380;
	[sflag:s26] =	ssyncadd.s32 $0xFFFFFFB0  }
0x38: {  	s28 =	simm.s32 $0x4F;
	s29 =	simm.s32 $0x0;
	[bflag:$0x0] =	sbarrier.arrive $0xFFFF  }
0x39: {  	s1 =	simm.s32 $0x0;
	s10 =	simm.s32 $0x0;
	_ =	strace $0x80000048  }
0x3a: {  	s11 =	simm.s32 $0x0;
	s12 =	simm.s32 $0x1;
	s20 =	rddreg [dreg:$0x6]  }
0x3b: {  	[tilespmem:s21], [sflag:$0x2] =	stream.linear.gather [hbm4b:s20+s5], $0x80, $0x200038;
	[tilespmem:$0x1C580] =	vst v63  }
0x3c: {  	s14 =	simm.s32 $0x0;
	s13 =	simm.s32 $0x0;
	s22 =	rddreg [dreg:$0x7]  }
0x3d: {  	[tilespmem:s23], [sflag:$0x4] =	stream.linear.gather [hbm4b:s22+s5], $0x80, $0x200038;
	[tilespmem:$0x1C580] =	vst v63  }
0x3e: {  	s15 =	simm.s32 $0x0;
	s16 =	simm.s32 $0x1;
	_ =	strace $0x90000048  }
.LBB2_2:
0x3f: {  	s17 =	sadd.s32 $0x1, s15  }
0x40: {  	p0 =	seq.s32 s17, $0x4F  }
0x41: {  	s17 =	simm.s32 @p0 $0x0;
	p0 =	seq.s32 s28, $0x1  }
0x42: {  	p1 =	seq.s32 @!p0 s15, s17  }
0x43: {  	p2 =	por p1, p0  }
0x44: {  	s18 =	sadd.s32 @!p2 s8, s17  }
0x45: {  	s20 =	sand.u32 @!p2 $0x1, s16;
	_ =	strace @!p2 $0x80000049;
	s18 =	sshll.u32 @!p2 s18, $0x4  }
0x46: {  	s23 =	simm.s32 @!p2 $0x0;
	s21 =	sshll.u32 @!p2 s20, $0x7;
	s18 =	sand.u32 @!p2 $0x1FFFFFF0, s18  }
0x47: {  	s20 =	sor.u32 @!p2 $0x2, s20;
	s21 =	sadd.s32 @!p2 $0x14280, s21;
	s22 =	sadd.s32 @!p2 s2, s18  }
0x48: {  	[tilespmem:s21], [sflag:s20] =	stream.linear.gather @!p2 [hbm4b:s22+s23], $0x80, $0x200038;
	[tilespmem:$0x1C580] =	vst v63  }
0x49: {  	s20 =	sand.u32 @!p2 $0x1, s12  }
0x4a: {  	s18 =	sadd.s32 @!p2 s6, s18;
	_ =	strace @!p2 $0x90000049;
	s21 =	sshll.u32 @!p2 s20, $0x7  }
0x4b: {  	s20 =	sor.u32 @!p2 $0x4, s20;
	_ =	strace @!p2 $0x8000004A;
	s21 =	sadd.s32 @!p2 $0x14380, s21  }
0x4c: {  	[tilespmem:s21], [sflag:s20] =	stream.linear.gather @!p2 [hbm4b:s18+s23], $0x80, $0x200038;
	[tilespmem:$0x1C580] =	vst v63  }
0x4d: {  	s20 =	sand.u32 $0x1, s13;
	_ =	strace @!p2 $0x9000004A  }
0x4e: {  	s18 =	sor.u32 $0x2, s20;
	_ =	strace $0x8000004B  }
0x4f: {  	_ =	swait.ge [sflag:s18], $0x80  }
0x50: {  	[sflag:s18] =	ssyncset.done $0x0  }
0x51: {  	[sflag:s18] =	ssyncadd.s32 $0xFFFFFF80  }
0x52: {  	s21 =	sand.u32 $0x1, s11;
	_ =	strace $0x9000004B  }
0x53: {  	s18 =	sor.u32 $0x4, s21;
	_ =	strace $0x8000004C  }
0x54: {  	_ =	swait.ge [sflag:s18], $0x80  }
0x55: {  	[sflag:s18] =	ssyncset.done $0x0  }
0x56: {  	s22 =	sshll.u32 s13, $0x7;
	s20 =	sand.u32 $0x1, s10;
	[sflag:s18] =	ssyncadd.s32 $0xFFFFFF80  }
0x57: {  	s23 =	sshll.u32 s20, $0xE;
	s18 =	sand.u32 $0x80, s22;
	_ =	strace $0x9000004C  }
0x58: {  	s22 =	sadd.s32 $0x14480, s23;
	s18 =	sadd.s32 $0x14280, s18;
	_ =	strace $0x8000004D  }
0x59: {  	[tilespmem:s22], [sflag:$0x1] =	stream.indirect.gather [spmem:s3], $0x80, s18, s30, $0x2000b8;
	[tilespmem:$0x1C580] =	vst v63  }
0x5a: {  	s21 =	sand.u32 $0x1, s29;
	s18 =	sshll.u32 s11, $0x7  }
0x5b: {  	s23 =	sshll.u32 s21, $0x7;
	s18 =	sand.u32 $0x80, s18  }
0x5c: {  	s23 =	sadd.s32 $0x1C480, s23;
	s18 =	sadd.s32 $0x14380, s18  }
0x5d: {  	[tilespmem:s23], [sflag:$0x1] =	stream.indirect.gather [spmem:s4], $0x1, s18, s30, $0x2000b8;
	[tilespmem:$0x1C580] =	vst v63  }
0x5e: {  	_ =	swait.ge [sflag:s31], $0x4000  }
0x5f: {  	[sflag:s31] =	ssyncset.done $0x0  }
0x60: {  	p3 =	por p0, !p1;
	[sflag:s31] =	ssyncadd.s32 $0xFFFFC000  }
0x61: {  	p1 =	por !p1, p0;
	s15 =	sadd.s32 @p3 s8, s15;
	_ =	swait.ge [sflag:s31], $0x80  }
0x62: {  	s10 =	sadd.s32 @p3 $0x1, s10;
	s18 =	simm.s32 $0x0;
	[sflag:s31] =	ssyncset.done $0x0  }
0x63: {  	s20 =	sor.u32 @p3 $0x6, s20;
	s18 =	sshll.u32 @p3 s15, $0xB;
	[sflag:s31] =	ssyncadd.s32 $0xFFFFFF80  }
0x64: {  	s15 =	sshll.u32 @p3 s15, $0x4;
	s18 =	sand.u32 @p3 $0x1FFFF800, s18;
	_ =	strace $0x9000004D  }
0x65: {  	s15 =	sand.u32 @p3 $0x1FFFFFF0, s15;
	s18 =	sadd.s32 @p3 s7, s18;
	_ =	strace @p3 $0x8000004E  }
0x66: {  	[hbm4b:s18+s5] =	stream.linear.scatter @p3 [tilespmem:s22], [sflag:s20], $0x4000, $0x200038;
	[tilespmem:$0x1C580] =	vst v63  }
0x67: {  	s15 =	sadd.s32 @p3 s9, s15;
	s18 =	sor.u32 @p3 $0x8, s21;
	_ =	strace @p3 $0x9000004E  }
0x68: {  	s20 =	sadd.s32 @!p2 $0x1, s16;
	s22 =	smov.u32 s16;
	_ =	strace @p3 $0x8000004F  }
0x69: {  	[hbm4b:s15+s5] =	stream.linear.scatter @p3 [tilespmem:s23], [sflag:s18], $0x80, $0x200038;
	[tilespmem:$0x1C580] =	vst v63  }
0x6a: {  	s18 =	simm.s32 @p3 $0x1;
	_ =	strace @p3 $0x9000004F;
	p3 =	seq.s32 s28, $0x4F  }
0x6b: {  	s22 =	smov.u32 @p1 s20;
	s15 =	sand.u32 @!p3 $0x1, s14  }
0x6c: {  	s22 =	smov.u32 @p0 s16;
	_ =	strace @!p3 $0x80000050;
	s15 =	sor.u32 @!p3 $0x6, s15  }
0x6d: {  	s16 =	smov.u32 s22;
	_ =	swait.ge @!p3 [sflag:s15], $0x4000  }
0x6e: {  	s29 =	sadd.s32 s29, s18;
	s28 =	sadd.s32 $0xFFFFFFFF, s28;
	[sflag:s15] =	ssyncset.done @!p3 $0x0  }
0x6f: {  	s13 =	sadd.s32 s13, s18;
	[sflag:s15] =	ssyncadd.s32 @!p3 $0xFFFFC000;
	s15 =	simm.s32 $0x0  }
0x70: {  	s21 =	sand.u32 @!p3 $0x1, s1;
	s20 =	sadd.s32 @!p3 $0x1, s14;
	s15 =	simm.s32 @p1 $0x1  }
0x71: {  	_ =	strace @!p3 $0x90000050;
	s15 =	simm.s32 @p0 $0x0;
	p0 =	sne.s32 s28, $0x0  }
.Ltmp0:
0x72: {  	s21 =	sor.u32 @!p3 $0x8, s21;
	_ =	strace @!p3 $0x80000051;
	(pc) =	sbr.rel @p0 .LBB2_2-.Ltmp0, $4  }
0x73: {  	s11 =	sadd.s32 s11, s18;
	s20 =	smov.u32 @p3 s14;
	_ =	swait.ge @!p3 [sflag:s21], $0x80  }
0x74: {  	s12 =	sadd.s32 s12, s15;
	s15 =	simm.s32 @!p3 $0x1;
	[sflag:s21] =	ssyncset.done @!p3 $0x0  }
0x75: {  	s14 =	smov.u32 s20;
	s15 =	simm.s32 @p3 $0x0;
	[sflag:s21] =	ssyncadd.s32 @!p3 $0xFFFFFF80  }
0x76: {  	s1 =	sadd.s32 s1, s15;
	s15 =	smov.u32 s17;
	_ =	strace @!p3 $0x90000051  }
0x77: {  	s10 =	sand.u32 $0x1, s20  }
0x78: {  	_ =	strace $0x80000052;
	s10 =	sor.u32 $0x6, s10  }
0x79: {  	_ =	swait.ge [sflag:s10], $0x4000  }
0x7a: {  	s1 =	sand.u32 $0x1, s1;
	[sflag:s10] =	ssyncset.done $0x0  }
0x7b: {  	s1 =	sor.u32 $0x8, s1;
	[sflag:s10] =	ssyncadd.s32 $0xFFFFC000  }
0x7c: {  	_ =	swait.ge [sflag:s1], $0x80  }
0x7d: {  	s0 =	sadd.s32 $0x1, s0;
	s29 =	rddreg [dreg:$0x8]  }
0x7e: {  	p0 =	sne.s32 s0, s29  }
.Ltmp1:
0x7f: {  	_ = 	snop;
	(pc) =	sbr.rel @p0 .LBB2_1-.Ltmp1, $4  }
0x80: {  	_ = 	snop  }
0x81: {  	[sflag:s1] =	ssyncset.done $0x0  }
0x82: {  	[sflag:s1] =	ssyncadd.s32 $0xFFFFFF80  }
0x83: {  	_ =	strace $0x90000052  }
0x84: {  	_ =	sfence.sel $0x180000  }
0x85: {  	[bflag:$0x0] =	sbarrier.arrive $0xFFFF  }
0x86: {  	_ =	strace $0x90000047  }
0x87: {  	s0 =	stileid.u32;
	[bflag:$0x2] =	sbarrier.arrive $0xFFFF  }
0x88: {  	p0 =	sne.s32 s0, $0x0;
	s0 =	rddreg [dreg:$0x4]  }
0x89: {  	s0 =	sadd.s32 @!p0 $0x100000, s0  }
0x8a: {  	[sflag:s0] =	ssyncadd.tile.s32 @!p0 $0x1;
	_ =	shalt  }
.Lfunc_end2:
_tile_overlayer_lowered:
.L_overlay_start_2:
0x8b: {  	(tag) =	ssettag $0x2  }
0x8c: {  	s0 =	rddreg [dreg:$0x0];
	s2 =	stileid.u32  }
0x8d: {  	s1 =	rddreg [dreg:$0x1];
	p0 =	sne.s32 s2, $0x0  }
0x8e: {  	s3 =	rddreg [dreg:$0x2];
	[bflag:$0x3] =	sbarrier.arrive $0xFFFF;
	s2 =	simm.s32 @!p0 $0x1C02  }
0x8f: {  	[timem:s3], [sflag:s2] =	dma.local @!p0 [hbm:s0], s1  }
0x90: {  	s0 =	simm.s32 @!p0 $0x2  }
0x91: {  	_ =	swait.ge @!p0 [sflag:s0], s1  }
0x92: {  	s1 =	ssub.s32 @!p0 $0x0, s1;
	[sflag:s0] =	ssyncset.done @!p0 $0x0  }
0x93: {  	[sflag:s0] =	ssyncadd.s32 @!p0 s1  }
0x94: {  	[bflag:$0x3] =	sbarrier.arrive $0xFFFF  }
0x95: {  	_ =	shalt  }

</sc_bundles>
